<compile_context>
chip_gen: v7x
topology: tpu7x:2x2x1
jax: 0.10.2.dev20260603
libtpu: 0.0.44.dev20260713+nightly
codegen_flags: <defaults>
</compile_context>

<pallas_src>
import functools

import jax
import jax.numpy as jnp
from jax import lax
from jax.experimental import pallas as pl
from jax.experimental.pallas import tpu as pltpu
from jax.experimental.pallas import tpu_sc as plsc

_ALPHA = 0.75
_GAMMA = 2.0
_EPS = 1e-08
_K = 256
_CHUNK = 8192
_NC = 2
_NS = 16
_L = 16
_W = _NC * _NS


def _tc1_body(nch, pred_ref, label_ref, packed_ref, focal_ref, acc_ref):
    b = pl.program_id(0)
    j = pl.program_id(1)
    z = pred_ref[...]
    l = label_ref[...]
    C = z.shape[1]
    ez = jnp.exp(z)
    sz = jnp.sum(ez, axis=1, keepdims=True)
    p = ez / sz
    logp = z - jnp.log(sz)
    ci = lax.broadcasted_iota(jnp.int32, z.shape, 1)
    lmax = jnp.max(l, axis=1, keepdims=True)
    aidx = jnp.min(jnp.where(l == lmax, ci, C * 2), axis=1, keepdims=True)
    validv = aidx != 0
    vmask = validv.astype(jnp.float32)
    fg = jnp.where((ci == aidx) & validv, 1.0, 0.0)
    e = jnp.abs(fg - p) * vmask
    binf = jnp.minimum(jnp.trunc(e * _K), _K - 1.0)
    packedf = binf + binf + fg
    packed_ref[...] = packedf.astype(jnp.int32).reshape(C, _CHUNK)
    omp = 1.0 - p
    ompb = omp.astype(jnp.bfloat16)
    pb = p.astype(jnp.bfloat16)
    lb = l.astype(jnp.bfloat16)
    u = (ompb * ompb) * logp.astype(jnp.bfloat16)
    w = (pb * pb) * jnp.log(omp + _EPS).astype(jnp.bfloat16)
    pp = jnp.sum((w + (jnp.bfloat16(3.0) * u - w) * lb).astype(jnp.float32),
                 axis=1, keepdims=True)
    fsum = -0.25 * jnp.sum(pp * vmask)
    fcnt = jnp.sum(vmask)
    lane = lax.broadcasted_iota(jnp.int32, (8, 128), 1)
    contrib = jnp.where(lane == 0, fsum, 0.0) + jnp.where(lane == 1, fcnt, 0.0)
    first = (b == 0) & (j == 0)

    @pl.when(first)
    def _():
        acc_ref[...] = contrib

    @pl.when(jnp.logical_not(first))
    def _():
        acc_ref[...] = acc_ref[...] + contrib

    @pl.when((b == pl.num_programs(0) - 1) & (j == nch - 1))
    def _():
        focal_ref[...] = acc_ref[...]


def _tc1(pred, label, b0, nb):
    B, C, N = pred.shape
    nch = N // _CHUNK
    packed, focal = pl.pallas_call(
        functools.partial(_tc1_body, nch),
        grid=(nb, nch),
        in_specs=[
            pl.BlockSpec((1, C, _CHUNK), lambda b, j: (b0 + b, 0, j)),
            pl.BlockSpec((1, C, _CHUNK), lambda b, j: (b0 + b, 0, j)),
        ],
        out_specs=[
            pl.BlockSpec((C, _CHUNK), lambda b, j: (b, j)),
            pl.BlockSpec((8, 128), lambda b, j: (0, 0)),
        ],
        out_shape=[
            jax.ShapeDtypeStruct((nb * C, N), jnp.int32),
            jax.ShapeDtypeStruct((8, 128), jnp.float32),
        ],
        scratch_shapes=[pltpu.VMEM((8, 128), jnp.float32)],
    )(pred, label)
    return packed, focal


def _sc_hist(packed, n_rows, n_per_row):
    rows_per_w = n_rows // _W
    chunk = 8192
    chunks_per_row = n_per_row // chunk
    nchunks = rows_per_w * chunks_per_row
    hist_words = rows_per_w * _L * 2 * _K
    mesh = plsc.VectorSubcoreMesh(core_axis_name="c", subcore_axis_name="s")

    @functools.partial(
        pl.kernel,
        mesh=mesh,
        out_type=jax.ShapeDtypeStruct((n_rows, _L * 2 * _K), jnp.int32),
        scratch_types=[
            pltpu.VMEM((hist_words,), jnp.int32),
            pltpu.VMEM((chunk,), jnp.int32),
            pltpu.VMEM((chunk,), jnp.int32),
            pltpu.SemaphoreType.DMA,
            pltpu.SemaphoreType.DMA,
        ],
        compiler_params=pltpu.CompilerParams(needs_layout_passes=False),
    )
    def k(packed_hbm, hist_hbm, hist_v, buf0, buf1, sem0, sem1):
        wid = lax.axis_index("s") * _NC + lax.axis_index("c")
        row0 = wid * rows_per_w
        lane = lax.iota(jnp.int32, _L)
        zeros = jnp.zeros((_L,), jnp.int32)
        ones = jnp.ones((_L,), jnp.int32)

        def src(g):
            return packed_hbm.at[row0 + g // chunks_per_row,
                                 pl.ds((g % chunks_per_row) * chunk, chunk)]

        pltpu.async_copy(src(0), buf0, sem0)

        @plsc.parallel_loop(0, hist_words // _L, unroll=8)
        def _(i):
            hist_v[pl.ds(i * _L, _L)] = zeros

        def process(g, buf):
            lanebase = lane * (2 * _K) + (g // chunks_per_row) * (_L * 2 * _K)

            @plsc.parallel_loop(0, chunk // _L, unroll=8)
            def _(i):
                v = buf[pl.ds(i * _L, _L)]
                plsc.addupdate_scatter(hist_v, [lanebase + v], ones)

        def cbody(gp, _):
            g0 = gp * 2
            pltpu.async_copy(src(g0 + 1), buf1, sem1)
            pltpu.make_async_copy(src(g0), buf0, sem0).wait()
            process(g0, buf0)

            @pl.when(gp < nchunks // 2 - 1)
            def _():
                pltpu.async_copy(src(g0 + 2), buf0, sem0)

            pltpu.make_async_copy(src(g0 + 1), buf1, sem1).wait()
            process(g0 + 1, buf1)
            return 0

        lax.fori_loop(0, nchunks // 2, cbody, 0)
        for r in range(rows_per_w):
            pltpu.sync_copy(hist_v.at[pl.ds(r * _L * 2 * _K, _L * 2 * _K)],
                            hist_hbm.at[row0 + r])

    return k(packed)


def _tc2_body(nparts, *refs):
    hist_refs = refs[:nparts]
    focal_refs = refs[nparts:2 * nparts]
    out_ref = refs[2 * nparts]

    def lane_sum(S):
        acc = S[:, 0:2 * _K]
        for l in range(1, _L):
            acc = acc + S[:, l * 2 * _K:(l + 1) * 2 * _K]
        return acc

    acc = jnp.concatenate([lane_sum(h[...]) for h in hist_refs], axis=0)
    R = acc.shape[0]
    accf = acc.astype(jnp.float32)
    ii = lax.broadcasted_iota(jnp.int32, (2 * _K, _K), 0)
    kk = lax.broadcasted_iota(jnp.int32, (2 * _K, _K), 1)
    suf = (lax.shift_right_logical(ii, 1) >= kk)
    odd = (ii & 1) == 1
    Wa = (suf & odd).astype(jnp.float32)
    Wb = (suf & jnp.logical_not(odd)).astype(jnp.float32)
    dn = (((1,), (0,)), ((), ()))
    F = lax.dot_general(accf, Wa, dn, precision=lax.Precision.HIGHEST,
                        preferred_element_type=jnp.float32)
    M = lax.dot_general(accf, Wb, dn, precision=lax.Precision.HIGHEST,
                        preferred_element_type=jnp.float32)
    F0 = F[:, 0:1]
    J = (F + M) / jnp.maximum(F0 + M, 1.0)
    cl = (jnp.sum(J, axis=1, keepdims=True) - 0.5) * (1.0 / _K)
    pres = (F0 > 0).astype(jnp.float32)
    img = lax.broadcasted_iota(jnp.int32, (R, 1), 0) // 32
    lov = jnp.float32(0.0)
    for b in range(R // 32):
        mb = (img == b).astype(jnp.float32)
        accb = jnp.sum(mb * pres * cl)
        cntb = jnp.sum(mb * pres)
        lov = lov + jnp.where(cntb > 0, accb / jnp.maximum(cntb, 1.0), 0.0)
    lov = lov / (R // 32)
    lane = lax.broadcasted_iota(jnp.int32, (8, 128), 1)
    fv = focal_refs[0][...]
    for f in focal_refs[1:]:
        fv = fv + f[...]
    fsum = jnp.sum(jnp.where(lane == 0, fv, 0.0))
    fcnt = jnp.sum(jnp.where(lane == 1, fv, 0.0))
    out_ref[...] = jnp.full((8, 128), fsum / fcnt + lov, jnp.float32)


def _tc2(hists, focals):
    return pl.pallas_call(
        functools.partial(_tc2_body, len(hists)),
        out_shape=jax.ShapeDtypeStruct((8, 128), jnp.float32),
    )(*hists, *focals)


def kernel(pred, label):
    B, C, N = pred.shape
    hists, focals = [], []
    for b in range(B):
        packed, focal = _tc1(pred, label, b, 1)
        hists.append(_sc_hist(packed, C, N))
        focals.append(focal)
    out = _tc2(hists, focals)
    return out[0, 0]

# --- scband reference (transcript-rebuilt; emitter-appended) ---
"""Pipeline reference for scband-focal-losswith-lovasz-regularizer-798863917157 (READ-ONLY COPY).

The authoritative reference and input builder live on the scoring server;
editing this copy changes nothing except your own understanding.
"""

import jax, jax.numpy as jnp
import numpy as np

ALPHA = 0.75
GAMMA = 2.0
EPS = 1e-08
IGNORE = 0


def lovasz_grad(gt_sorted):
    p = gt_sorted.shape[0]
    gts = gt_sorted.sum()
    intersection = gts - jnp.cumsum(gt_sorted, 0)
    union = gts + jnp.cumsum(1.0 - gt_sorted, 0)
    jaccard = 1.0 - intersection / union
    if p > 1:
        jaccard = jnp.concatenate([jaccard[:1], jaccard[1:] - jaccard[:-1]])
    return jaccard


def setup_inputs(seed: int = 0) -> dict:
    key = jax.random.key(seed)
    k1, k2 = jax.random.split(key)
    B, C, N = 4, 32, 32768
    pred = jax.random.normal(k1, (B, C, N), dtype=jnp.float32)
    label = jax.random.uniform(k2, (B, C, N), dtype=jnp.float32)
    return {"pred": pred, "label": label}


def reference(pred, label):
    B, C, N = pred.shape
    probs = jax.nn.softmax(pred, axis=1)
    focal_sum = jnp.float32(0.0)
    focal_cnt = jnp.float32(0.0)
    lovasz_per_image = []
    for b in range(B):
        p_flat = probs[b].transpose(1, 0)  # [N, C]
        l_flat = label[b].transpose(1, 0)  # [N, C]
        labels_arg = jnp.argmax(label[b], axis=0)  # [N]
        valid = labels_arg != IGNORE
        vmask = valid.astype(jnp.float32)
        # Focal 3D loss (per valid point, summed over classes)
        term_true = -ALPHA * (1.0 - p_flat) ** GAMMA * jnp.log(p_flat + EPS)
        term_false = -(1.0 - ALPHA) * p_flat ** GAMMA * jnp.log(1.0 - p_flat + EPS)
        per_point = jnp.sum(term_true * l_flat + term_false * (1.0 - l_flat), axis=-1)
        focal_sum = focal_sum + jnp.sum(per_point * vmask)
        focal_cnt = focal_cnt + jnp.sum(vmask)
        # Lovasz softmax (per image, classes='present')
        acc = jnp.float32(0.0)
        cnt = jnp.float32(0.0)
        for c in range(C):
            fg = jnp.where(valid, (labels_arg == c).astype(jnp.float32), 0.0)
            class_pred = p_flat[:, c]
            errors = jnp.where(valid, jnp.abs(fg - class_pred), 0.0)
            perm = jnp.argsort(-errors)
            errors_sorted = errors[perm]
            fg_sorted = fg[perm]
            class_loss = jnp.dot(errors_sorted, lovasz_grad(fg_sorted))
            present = (fg.sum() > 0).astype(jnp.float32)
            acc = acc + present * class_loss
            cnt = cnt + present
        lovasz_per_image.append(jnp.where(cnt > 0, acc / cnt, jnp.float32(0.0)))
    f_loss = focal_sum / focal_cnt
    lov = lovasz_per_image[0]
    for v in lovasz_per_image[1:]:
        lov = lov + v
    lov = lov / len(lovasz_per_image)
    return f_loss + lov

if __name__ == "__main__":
    import jax
    _d = setup_inputs()
    print(jax.jit(kernel)(*tuple(_d.values())))

</pallas_src>

<mosaic_0001>
#map = affine_map<(d0, d1) -> (0, 0)>
module attributes {stable_mosaic.version = 14 : i64} {
  func.func @k(%arg0: i32, %arg1: i32, %arg2: memref<32x32768xi32, #tpu.memory_space<hbm>>, %arg3: memref<32x8192xi32, #tpu.memory_space<hbm>>, %arg4: memref<8192xi32, #tpu.memory_space<vmem>>, %arg5: memref<8192xi32, #tpu.memory_space<vmem>>, %arg6: memref<8192xi32, #tpu.memory_space<vmem>>, %arg7: memref<!tpu.dma_semaphore, #tpu.memory_space<semaphore_mem>>, %arg8: memref<!tpu.dma_semaphore, #tpu.memory_space<semaphore_mem>>) attributes {dimension_semantics = [#tpu.dimension_semantics<core_parallel>, #tpu.dimension_semantics<subcore_parallel>], iteration_bounds = array<i64: 2, 16>, scalar_prefetch = 0 : i64, scratch_operands = 5 : i64, tpu.core_type = #tpu.core_type<sc_vector_subcore>, window_params = [{transform_indices = #map}, {transform_indices = #map}]} {
    %mul3A = arith.constant 2 : i32
    %mul3A_0 = arith.muli %arg1, %mul3A : i32
    %add3A = arith.addi %mul3A_0, %arg0 : i32
    %mul3A_1 = arith.constant 1 : i32
    %mul3A_2 = arith.muli %add3A, %mul3A_1 : i32
    %iota3A = tpu.iota {dimensions = array<i32: 0>} : vector<16xi32>
    %broadcast_in_dim3A = arith.constant 0 : i32
    %broadcast_in_dim3A_3 = vector.broadcast %broadcast_in_dim3A : i32 to vector<16xi32>
    %broadcast_in_dim3A_4 = arith.constant 1 : i32
    %broadcast_in_dim3A_5 = vector.broadcast %broadcast_in_dim3A_4 : i32 to vector<16xi32>
    %add3A_6 = arith.constant 0 : i32
    %add3A_7 = arith.addi %mul3A_2, %add3A_6 : i32
    %dma_start3A = arith.constant 0 : i32
    %dma_start3A_8 = tpu.memref_slice %arg2[%add3A_7, %dma_start3A] : memref<32x32768xi32, #tpu.memory_space<hbm>> -> memref<1x8192xi32, #tpu.memory_space<hbm>>
    %dma_start3A_9 = tpu.memref_squeeze %dma_start3A_8 : memref<1x8192xi32, #tpu.memory_space<hbm>> -> memref<8192xi32, #tpu.memory_space<hbm>>
    %dma_start3A_10 = arith.constant 0 : i32
    %dma_start3A_11 = tpu.memref_slice %arg2[%add3A_7, %dma_start3A_10] : memref<32x32768xi32, #tpu.memory_space<hbm>> -> memref<1x8192xi32, #tpu.memory_space<hbm>>
    %dma_start3A_12 = tpu.memref_squeeze %dma_start3A_11 : memref<1x8192xi32, #tpu.memory_space<hbm>> -> memref<8192xi32, #tpu.memory_space<hbm>>
    tpu.enqueue_dma source(%dma_start3A_12 : memref<8192xi32, #tpu.memory_space<hbm>>) target(%arg5 : memref<8192xi32, #tpu.memory_space<vmem>>) target_semaphore(%arg7 : memref<!tpu.dma_semaphore, #tpu.memory_space<semaphore_mem>>)
    %parallel_loop3A = arith.constant 0 : i32
    %parallel_loop3A_13 = arith.constant 512 : i32
    %parallel_loop3A_14 = arith.constant 1 : i32
    scf.for %parallel_loop3A_23 = %parallel_loop3A to %parallel_loop3A_13 step %parallel_loop3A_14  : i32 {
      %parallel_loop3A_24 = arith.constant 16 : i32
      %parallel_loop3A_25 = arith.muli %parallel_loop3A_23, %parallel_loop3A_24 : i32
      %parallel_loop3A_26 = arith.index_cast %parallel_loop3A_25 : i32 to index
      %parallel_loop3A_27 = tpu.vector_load %arg4[%parallel_loop3A_26] {strides = array<i32>} : memref<8192xi32, #tpu.memory_space<vmem>>, vector<16xi32>,
      tpu.vector_store %arg4[%parallel_loop3A_26], %broadcast_in_dim3A_3 {strides = array<i32>} : memref<8192xi32, #tpu.memory_space<vmem>>, vector<16xi32>,
    } {sc.loop_unroll_factor = 8 : i64, sc.parallel_access}
    %scan3A = arith.constant 0 : i32
    %scan3A_15 = arith.constant 0 : i32
    %scan3A_16 = arith.constant 2 : i32
    %scan3A_17 = arith.addi %scan3A_15, %scan3A_16 : i32
    %scan3A_18 = arith.constant 1 : i32
    %scan3A_19 = scf.for %scan3A_23 = %scan3A_15 to %scan3A_17 step %scan3A_18 iter_args(%scan3A_24 = %scan3A) -> (i32)  : i32 {
      %mul3A_25 = arith.constant 2 : i32
      %mul3A_26 = arith.muli %scan3A_23, %mul3A_25 : i32
      %add3A_27 = arith.constant 1 : i32
      %add3A_28 = arith.addi %mul3A_26, %add3A_27 : i32
      %jit3A = arith.constant 4 : i32
      %div3A = arith.divsi %add3A_28, %jit3A : i32
      %sign3A = arith.constant 0 : i32
      %sign3A_29 = arith.cmpi sgt, %add3A_28, %sign3A : i32
      %sign3A_30 = arith.extui %sign3A_29 : i1 to i32
      %sign3A_31 = arith.constant 0 : i32
      %sign3A_32 = arith.cmpi slt, %add3A_28, %sign3A_31 : i32
      %sign3A_33 = arith.extui %sign3A_32 : i1 to i32
      %sign3A_34 = arith.subi %sign3A_30, %sign3A_33 : i32
      %sign3A_35 = arith.constant 0 : i32
      %sign3A_36 = arith.cmpi sgt, %jit3A, %sign3A_35 : i32
      %sign3A_37 = arith.extui %sign3A_36 : i1 to i32
      %sign3A_38 = arith.constant 0 : i32
      %sign3A_39 = arith.cmpi slt, %jit3A, %sign3A_38 : i32
      %sign3A_40 = arith.extui %sign3A_39 : i1 to i32
      %sign3A_41 = arith.subi %sign3A_37, %sign3A_40 : i32
      %ne3A = arith.cmpi ne, %sign3A_34, %sign3A_41 : i32
      %rem3A = arith.remsi %add3A_28, %jit3A : i32
      %ne3A_42 = arith.constant 0 : i32
      %ne3A_43 = arith.cmpi ne, %rem3A, %ne3A_42 : i32
      %and3A = arith.andi %ne3A, %ne3A_43 : i1
      %sub3A = arith.constant 1 : i32
      %sub3A_44 = arith.subi %div3A, %sub3A : i32
      %select_n3A = arith.select %and3A, %sub3A_44, %div3A : i32
      %add3A_45 = arith.addi %mul3A_2, %select_n3A : i32
      %jit3A_46 = arith.constant 4 : i32
      %eq3A = arith.constant 0 : i32
      %eq3A_47 = arith.cmpi eq, %jit3A_46, %eq3A : i32
      %jit3A_48 = arith.constant 1 : i32
      %select_n3A_49 = arith.select %eq3A_47, %jit3A_48, %jit3A_46 : i32
      %rem3A_50 = arith.remsi %add3A_28, %select_n3A_49 : i32
      %ne3A_51 = arith.constant 0 : i32
      %ne3A_52 = arith.cmpi ne, %rem3A_50, %ne3A_51 : i32
      %lt3A = arith.constant 0 : i32
      %lt3A_53 = arith.cmpi slt, %rem3A_50, %lt3A : i32
      %lt3A_54 = arith.constant 0 : i32
      %lt3A_55 = arith.cmpi slt, %select_n3A_49, %lt3A_54 : i32
      %ne3A_56 = arith.xori %lt3A_53, %lt3A_55 : i1
      %and3A_57 = arith.andi %ne3A_56, %ne3A_52 : i1
      %add3A_58 = arith.addi %rem3A_50, %select_n3A_49 : i32
      %select_n3A_59 = arith.select %and3A_57, %add3A_58, %rem3A_50 : i32
      %mul3A_60 = arith.constant 8192 : i32
      %mul3A_61 = arith.muli %select_n3A_59, %mul3A_60 : i32
      %dma_start3A_62 = tpu.memref_slice %arg2[%add3A_45, %mul3A_61] : memref<32x32768xi32, #tpu.memory_space<hbm>> -> memref<1x8192xi32, #tpu.memory_space<hbm>>
      %dma_start3A_63 = tpu.memref_squeeze %dma_start3A_62 : memref<1x8192xi32, #tpu.memory_space<hbm>> -> memref<8192xi32, #tpu.memory_space<hbm>>
      %dma_start3A_64 = tpu.memref_slice %arg2[%add3A_45, %mul3A_61] : memref<32x32768xi32, #tpu.memory_space<hbm>> -> memref<1x8192xi32, #tpu.memory_space<hbm>>
      %dma_start3A_65 = tpu.memref_squeeze %dma_start3A_64 : memref<1x8192xi32, #tpu.memory_space<hbm>> -> memref<8192xi32, #tpu.memory_space<hbm>>
      tpu.enqueue_dma source(%dma_start3A_65 : memref<8192xi32, #tpu.memory_space<hbm>>) target(%arg6 : memref<8192xi32, #tpu.memory_space<vmem>>) target_semaphore(%arg8 : memref<!tpu.dma_semaphore, #tpu.memory_space<semaphore_mem>>)
      %jit3A_66 = arith.constant 4 : i32
      %div3A_67 = arith.divsi %mul3A_26, %jit3A_66 : i32
      %sign3A_68 = arith.constant 0 : i32
      %sign3A_69 = arith.cmpi sgt, %mul3A_26, %sign3A_68 : i32
      %sign3A_70 = arith.extui %sign3A_69 : i1 to i32
      %sign3A_71 = arith.constant 0 : i32
      %sign3A_72 = arith.cmpi slt, %mul3A_26, %sign3A_71 : i32
      %sign3A_73 = arith.extui %sign3A_72 : i1 to i32
      %sign3A_74 = arith.subi %sign3A_70, %sign3A_73 : i32
      %sign3A_75 = arith.constant 0 : i32
      %sign3A_76 = arith.cmpi sgt, %jit3A_66, %sign3A_75 : i32
      %sign3A_77 = arith.extui %sign3A_76 : i1 to i32
      %sign3A_78 = arith.constant 0 : i32
      %sign3A_79 = arith.cmpi slt, %jit3A_66, %sign3A_78 : i32
      %sign3A_80 = arith.extui %sign3A_79 : i1 to i32
      %sign3A_81 = arith.subi %sign3A_77, %sign3A_80 : i32
      %ne3A_82 = arith.cmpi ne, %sign3A_74, %sign3A_81 : i32
      %rem3A_83 = arith.remsi %mul3A_26, %jit3A_66 : i32
      %ne3A_84 = arith.constant 0 : i32
      %ne3A_85 = arith.cmpi ne, %rem3A_83, %ne3A_84 : i32
      %and3A_86 = arith.andi %ne3A_82, %ne3A_85 : i1
      %sub3A_87 = arith.constant 1 : i32
      %sub3A_88 = arith.subi %div3A_67, %sub3A_87 : i32
      %select_n3A_89 = arith.select %and3A_86, %sub3A_88, %div3A_67 : i32
      %add3A_90 = arith.addi %mul3A_2, %select_n3A_89 : i32
      %jit3A_91 = arith.constant 4 : i32
      %eq3A_92 = arith.constant 0 : i32
      %eq3A_93 = arith.cmpi eq, %jit3A_91, %eq3A_92 : i32
      %jit3A_94 = arith.constant 1 : i32
      %select_n3A_95 = arith.select %eq3A_93, %jit3A_94, %jit3A_91 : i32
      %rem3A_96 = arith.remsi %mul3A_26, %select_n3A_95 : i32
      %ne3A_97 = arith.constant 0 : i32
      %ne3A_98 = arith.cmpi ne, %rem3A_96, %ne3A_97 : i32
      %lt3A_99 = arith.constant 0 : i32
      %lt3A_100 = arith.cmpi slt, %rem3A_96, %lt3A_99 : i32
      %lt3A_101 = arith.constant 0 : i32
      %lt3A_102 = arith.cmpi slt, %select_n3A_95, %lt3A_101 : i32
      %ne3A_103 = arith.xori %lt3A_100, %lt3A_102 : i1
      %and3A_104 = arith.andi %ne3A_103, %ne3A_98 : i1
      %add3A_105 = arith.addi %rem3A_96, %select_n3A_95 : i32
      %select_n3A_106 = arith.select %and3A_104, %add3A_105, %rem3A_96 : i32
      %mul3A_107 = arith.constant 8192 : i32
      %mul3A_108 = arith.muli %select_n3A_106, %mul3A_107 : i32
      %dma_wait3A = tpu.memref_slice %arg2[%add3A_90, %mul3A_108] : memref<32x32768xi32, #tpu.memory_space<hbm>> -> memref<1x8192xi32, #tpu.memory_space<hbm>>
      %dma_wait3A_109 = tpu.memref_squeeze %dma_wait3A : memref<1x8192xi32, #tpu.memory_space<hbm>> -> memref<8192xi32, #tpu.memory_space<hbm>>
      %dma_wait3A_110 = tpu.memref_slice %arg2[%add3A_90, %mul3A_108] : memref<32x32768xi32, #tpu.memory_space<hbm>> -> memref<1x8192xi32, #tpu.memory_space<hbm>>
      %dma_wait3A_111 = tpu.memref_squeeze %dma_wait3A_110 : memref<1x8192xi32, #tpu.memory_space<hbm>> -> memref<8192xi32, #tpu.memory_space<hbm>>
      tpu.wait_dma2 semaphore(%arg7 : memref<!tpu.dma_semaphore, #tpu.memory_space<semaphore_mem>>) src(%dma_wait3A_111 : memref<8192xi32, #tpu.memory_space<hbm>>) dst(%arg5 : memref<8192xi32, #tpu.memory_space<vmem>>)
      %mul3A_112 = arith.constant 512 : i32
      %mul3A_113 = vector.broadcast %mul3A_112 : i32 to vector<16xi32>
      %mul3A_114 = arith.muli %iota3A, %mul3A_113 : vector<16xi32>
      %jit3A_115 = arith.constant 4 : i32
      %div3A_116 = arith.divsi %mul3A_26, %jit3A_115 : i32
      %sign3A_117 = arith.constant 0 : i32
      %sign3A_118 = arith.cmpi sgt, %mul3A_26, %sign3A_117 : i32
      %sign3A_119 = arith.extui %sign3A_118 : i1 to i32
      %sign3A_120 = arith.constant 0 : i32
      %sign3A_121 = arith.cmpi slt, %mul3A_26, %sign3A_120 : i32
      %sign3A_122 = arith.extui %sign3A_121 : i1 to i32
      %sign3A_123 = arith.subi %sign3A_119, %sign3A_122 : i32
      %sign3A_124 = arith.constant 0 : i32
      %sign3A_125 = arith.cmpi sgt, %jit3A_115, %sign3A_124 : i32
      %sign3A_126 = arith.extui %sign3A_125 : i1 to i32
      %sign3A_127 = arith.constant 0 : i32
      %sign3A_128 = arith.cmpi slt, %jit3A_115, %sign3A_127 : i32
      %sign3A_129 = arith.extui %sign3A_128 : i1 to i32
      %sign3A_130 = arith.subi %sign3A_126, %sign3A_129 : i32
      %ne3A_131 = arith.cmpi ne, %sign3A_123, %sign3A_130 : i32
      %rem3A_132 = arith.remsi %mul3A_26, %jit3A_115 : i32
      %ne3A_133 = arith.constant 0 : i32
      %ne3A_134 = arith.cmpi ne, %rem3A_132, %ne3A_133 : i32
      %and3A_135 = arith.andi %ne3A_131, %ne3A_134 : i1
      %sub3A_136 = arith.constant 1 : i32
      %sub3A_137 = arith.subi %div3A_116, %sub3A_136 : i32
      %select_n3A_138 = arith.select %and3A_135, %sub3A_137, %div3A_116 : i32
      %mul3A_139 = arith.constant 8192 : i32
      %mul3A_140 = arith.muli %select_n3A_138, %mul3A_139 : i32
      %add3A_141 = vector.broadcast %mul3A_140 : i32 to vector<16xi32>
      %add3A_142 = arith.addi %mul3A_114, %add3A_141 : vector<16xi32>
      %parallel_loop3A_143 = arith.constant 0 : i32
      %parallel_loop3A_144 = arith.constant 512 : i32
      %parallel_loop3A_145 = arith.constant 1 : i32
      scf.for %parallel_loop3A_235 = %parallel_loop3A_143 to %parallel_loop3A_144 step %parallel_loop3A_145  : i32 {
        %parallel_loop3A_236 = arith.constant 16 : i32
        %parallel_loop3A_237 = arith.muli %parallel_loop3A_235, %parallel_loop3A_236 : i32
        %parallel_loop3A_238 = arith.index_cast %parallel_loop3A_237 : i32 to index
        %parallel_loop3A_239 = tpu.vector_load %arg5[%parallel_loop3A_238] {strides = array<i32>} : memref<8192xi32, #tpu.memory_space<vmem>>, vector<16xi32>,
        %parallel_loop3A_240 = arith.addi %add3A_142, %parallel_loop3A_239 : vector<16xi32>
        tpu.vector_store_idx %arg4[%parallel_loop3A_240], %broadcast_in_dim3A_5 {add = true} : memref<8192xi32, #tpu.memory_space<vmem>>[vector<16xi32>], vector<16xi32>,
      } {sc.loop_unroll_factor = 8 : i64, sc.parallel_access}
      %lt3A_146 = arith.constant 1 : i32
      %lt3A_147 = arith.cmpi slt, %scan3A_23, %lt3A_146 : i32
      %convert_element_type3A = arith.extui %lt3A_147 : i1 to i32
      %cond3A = arith.constant 0 : i32
      %cond3A_148 = arith.cmpi ne, %convert_element_type3A, %cond3A : i32
      scf.if %cond3A_148 {
        %add3A_235 = arith.constant 2 : i32
        %add3A_236 = arith.addi %mul3A_26, %add3A_235 : i32
        %jit3A_237 = arith.constant 4 : i32
        %div3A_238 = arith.divsi %add3A_236, %jit3A_237 : i32
        %sign3A_239 = arith.constant 0 : i32
        %sign3A_240 = arith.cmpi sgt, %add3A_236, %sign3A_239 : i32
        %sign3A_241 = arith.extui %sign3A_240 : i1 to i32
        %sign3A_242 = arith.constant 0 : i32
        %sign3A_243 = arith.cmpi slt, %add3A_236, %sign3A_242 : i32
        %sign3A_244 = arith.extui %sign3A_243 : i1 to i32
        %sign3A_245 = arith.subi %sign3A_241, %sign3A_244 : i32
        %sign3A_246 = arith.constant 0 : i32
        %sign3A_247 = arith.cmpi sgt, %jit3A_237, %sign3A_246 : i32
        %sign3A_248 = arith.extui %sign3A_247 : i1 to i32
        %sign3A_249 = arith.constant 0 : i32
        %sign3A_250 = arith.cmpi slt, %jit3A_237, %sign3A_249 : i32
        %sign3A_251 = arith.extui %sign3A_250 : i1 to i32
        %sign3A_252 = arith.subi %sign3A_248, %sign3A_251 : i32
        %ne3A_253 = arith.cmpi ne, %sign3A_245, %sign3A_252 : i32
        %rem3A_254 = arith.remsi %add3A_236, %jit3A_237 : i32
        %ne3A_255 = arith.constant 0 : i32
        %ne3A_256 = arith.cmpi ne, %rem3A_254, %ne3A_255 : i32
        %and3A_257 = arith.andi %ne3A_253, %ne3A_256 : i1
        %sub3A_258 = arith.constant 1 : i32
        %sub3A_259 = arith.subi %div3A_238, %sub3A_258 : i32
        %select_n3A_260 = arith.select %and3A_257, %sub3A_259, %div3A_238 : i32
        %add3A_261 = arith.addi %mul3A_2, %select_n3A_260 : i32
        %jit3A_262 = arith.constant 4 : i32
        %eq3A_263 = arith.constant 0 : i32
        %eq3A_264 = arith.cmpi eq, %jit3A_262, %eq3A_263 : i32
        %jit3A_265 = arith.constant 1 : i32
        %select_n3A_266 = arith.select %eq3A_264, %jit3A_265, %jit3A_262 : i32
        %rem3A_267 = arith.remsi %add3A_236, %select_n3A_266 : i32
        %ne3A_268 = arith.constant 0 : i32
        %ne3A_269 = arith.cmpi ne, %rem3A_267, %ne3A_268 : i32
        %lt3A_270 = arith.constant 0 : i32
        %lt3A_271 = arith.cmpi slt, %rem3A_267, %lt3A_270 : i32
        %lt3A_272 = arith.constant 0 : i32
        %lt3A_273 = arith.cmpi slt, %select_n3A_266, %lt3A_272 : i32
        %ne3A_274 = arith.xori %lt3A_271, %lt3A_273 : i1
        %and3A_275 = arith.andi %ne3A_274, %ne3A_269 : i1
        %add3A_276 = arith.addi %rem3A_267, %select_n3A_266 : i32
        %select_n3A_277 = arith.select %and3A_275, %add3A_276, %rem3A_267 : i32
        %mul3A_278 = arith.constant 8192 : i32
        %mul3A_279 = arith.muli %select_n3A_277, %mul3A_278 : i32
        %dma_start3A_280 = tpu.memref_slice %arg2[%add3A_261, %mul3A_279] : memref<32x32768xi32, #tpu.memory_space<hbm>> -> memref<1x8192xi32, #tpu.memory_space<hbm>>
        %dma_start3A_281 = tpu.memref_squeeze %dma_start3A_280 : memref<1x8192xi32, #tpu.memory_space<hbm>> -> memref<8192xi32, #tpu.memory_space<hbm>>
        %dma_start3A_282 = tpu.memref_slice %arg2[%add3A_261, %mul3A_279] : memref<32x32768xi32, #tpu.memory_space<hbm>> -> memref<1x8192xi32, #tpu.memory_space<hbm>>
        %dma_start3A_283 = tpu.memref_squeeze %dma_start3A_282 : memref<1x8192xi32, #tpu.memory_space<hbm>> -> memref<8192xi32, #tpu.memory_space<hbm>>
        tpu.enqueue_dma source(%dma_start3A_283 : memref<8192xi32, #tpu.memory_space<hbm>>) target(%arg5 : memref<8192xi32, #tpu.memory_space<vmem>>) target_semaphore(%arg7 : memref<!tpu.dma_semaphore, #tpu.memory_space<semaphore_mem>>)
      } else {
      }
      %add3A_149 = arith.constant 1 : i32
      %add3A_150 = arith.addi %mul3A_26, %add3A_149 : i32
      %jit3A_151 = arith.constant 4 : i32
      %div3A_152 = arith.divsi %add3A_150, %jit3A_151 : i32
      %sign3A_153 = arith.constant 0 : i32
      %sign3A_154 = arith.cmpi sgt, %add3A_150, %sign3A_153 : i32
      %sign3A_155 = arith.extui %sign3A_154 : i1 to i32
      %sign3A_156 = arith.constant 0 : i32
      %sign3A_157 = arith.cmpi slt, %add3A_150, %sign3A_156 : i32
      %sign3A_158 = arith.extui %sign3A_157 : i1 to i32
      %sign3A_159 = arith.subi %sign3A_155, %sign3A_158 : i32
      %sign3A_160 = arith.constant 0 : i32
      %sign3A_161 = arith.cmpi sgt, %jit3A_151, %sign3A_160 : i32
      %sign3A_162 = arith.extui %sign3A_161 : i1 to i32
      %sign3A_163 = arith.constant 0 : i32
      %sign3A_164 = arith.cmpi slt, %jit3A_151, %sign3A_163 : i32
      %sign3A_165 = arith.extui %sign3A_164 : i1 to i32
      %sign3A_166 = arith.subi %sign3A_162, %sign3A_165 : i32
      %ne3A_167 = arith.cmpi ne, %sign3A_159, %sign3A_166 : i32
      %rem3A_168 = arith.remsi %add3A_150, %jit3A_151 : i32
      %ne3A_169 = arith.constant 0 : i32
      %ne3A_170 = arith.cmpi ne, %rem3A_168, %ne3A_169 : i32
      %and3A_171 = arith.andi %ne3A_167, %ne3A_170 : i1
      %sub3A_172 = arith.constant 1 : i32
      %sub3A_173 = arith.subi %div3A_152, %sub3A_172 : i32
      %select_n3A_174 = arith.select %and3A_171, %sub3A_173, %div3A_152 : i32
      %add3A_175 = arith.addi %mul3A_2, %select_n3A_174 : i32
      %jit3A_176 = arith.constant 4 : i32
      %eq3A_177 = arith.constant 0 : i32
      %eq3A_178 = arith.cmpi eq, %jit3A_176, %eq3A_177 : i32
      %jit3A_179 = arith.constant 1 : i32
      %select_n3A_180 = arith.select %eq3A_178, %jit3A_179, %jit3A_176 : i32
      %rem3A_181 = arith.remsi %add3A_150, %select_n3A_180 : i32
      %ne3A_182 = arith.constant 0 : i32
      %ne3A_183 = arith.cmpi ne, %rem3A_181, %ne3A_182 : i32
      %lt3A_184 = arith.constant 0 : i32
      %lt3A_185 = arith.cmpi slt, %rem3A_181, %lt3A_184 : i32
      %lt3A_186 = arith.constant 0 : i32
      %lt3A_187 = arith.cmpi slt, %select_n3A_180, %lt3A_186 : i32
      %ne3A_188 = arith.xori %lt3A_185, %lt3A_187 : i1
      %and3A_189 = arith.andi %ne3A_188, %ne3A_183 : i1
      %add3A_190 = arith.addi %rem3A_181, %select_n3A_180 : i32
      %select_n3A_191 = arith.select %and3A_189, %add3A_190, %rem3A_181 : i32
      %mul3A_192 = arith.constant 8192 : i32
      %mul3A_193 = arith.muli %select_n3A_191, %mul3A_192 : i32
      %dma_wait3A_194 = tpu.memref_slice %arg2[%add3A_175, %mul3A_193] : memref<32x32768xi32, #tpu.memory_space<hbm>> -> memref<1x8192xi32, #tpu.memory_space<hbm>>
      %dma_wait3A_195 = tpu.memref_squeeze %dma_wait3A_194 : memref<1x8192xi32, #tpu.memory_space<hbm>> -> memref<8192xi32, #tpu.memory_space<hbm>>
      %dma_wait3A_196 = tpu.memref_slice %arg2[%add3A_175, %mul3A_193] : memref<32x32768xi32, #tpu.memory_space<hbm>> -> memref<1x8192xi32, #tpu.memory_space<hbm>>
      %dma_wait3A_197 = tpu.memref_squeeze %dma_wait3A_196 : memref<1x8192xi32, #tpu.memory_space<hbm>> -> memref<8192xi32, #tpu.memory_space<hbm>>
      tpu.wait_dma2 semaphore(%arg8 : memref<!tpu.dma_semaphore, #tpu.memory_space<semaphore_mem>>) src(%dma_wait3A_197 : memref<8192xi32, #tpu.memory_space<hbm>>) dst(%arg6 : memref<8192xi32, #tpu.memory_space<vmem>>)
      %add3A_198 = arith.constant 1 : i32
      %add3A_199 = arith.addi %mul3A_26, %add3A_198 : i32
      %mul3A_200 = arith.constant 512 : i32
      %mul3A_201 = vector.broadcast %mul3A_200 : i32 to vector<16xi32>
      %mul3A_202 = arith.muli %iota3A, %mul3A_201 : vector<16xi32>
      %jit3A_203 = arith.constant 4 : i32
      %div3A_204 = arith.divsi %add3A_199, %jit3A_203 : i32
      %sign3A_205 = arith.constant 0 : i32
      %sign3A_206 = arith.cmpi sgt, %add3A_199, %sign3A_205 : i32
      %sign3A_207 = arith.extui %sign3A_206 : i1 to i32
      %sign3A_208 = arith.constant 0 : i32
      %sign3A_209 = arith.cmpi slt, %add3A_199, %sign3A_208 : i32
      %sign3A_210 = arith.extui %sign3A_209 : i1 to i32
      %sign3A_211 = arith.subi %sign3A_207, %sign3A_210 : i32
      %sign3A_212 = arith.constant 0 : i32
      %sign3A_213 = arith.cmpi sgt, %jit3A_203, %sign3A_212 : i32
      %sign3A_214 = arith.extui %sign3A_213 : i1 to i32
      %sign3A_215 = arith.constant 0 : i32
      %sign3A_216 = arith.cmpi slt, %jit3A_203, %sign3A_215 : i32
      %sign3A_217 = arith.extui %sign3A_216 : i1 to i32
      %sign3A_218 = arith.subi %sign3A_214, %sign3A_217 : i32
      %ne3A_219 = arith.cmpi ne, %sign3A_211, %sign3A_218 : i32
      %rem3A_220 = arith.remsi %add3A_199, %jit3A_203 : i32
      %ne3A_221 = arith.constant 0 : i32
      %ne3A_222 = arith.cmpi ne, %rem3A_220, %ne3A_221 : i32
      %and3A_223 = arith.andi %ne3A_219, %ne3A_222 : i1
      %sub3A_224 = arith.constant 1 : i32
      %sub3A_225 = arith.subi %div3A_204, %sub3A_224 : i32
      %select_n3A_226 = arith.select %and3A_223, %sub3A_225, %div3A_204 : i32
      %mul3A_227 = arith.constant 8192 : i32
      %mul3A_228 = arith.muli %select_n3A_226, %mul3A_227 : i32
      %add3A_229 = vector.broadcast %mul3A_228 : i32 to vector<16xi32>
      %add3A_230 = arith.addi %mul3A_202, %add3A_229 : vector<16xi32>
      %parallel_loop3A_231 = arith.constant 0 : i32
      %parallel_loop3A_232 = arith.constant 512 : i32
      %parallel_loop3A_233 = arith.constant 1 : i32
      scf.for %parallel_loop3A_235 = %parallel_loop3A_231 to %parallel_loop3A_232 step %parallel_loop3A_233  : i32 {
        %parallel_loop3A_236 = arith.constant 16 : i32
        %parallel_loop3A_237 = arith.muli %parallel_loop3A_235, %parallel_loop3A_236 : i32
        %parallel_loop3A_238 = arith.index_cast %parallel_loop3A_237 : i32 to index
        %parallel_loop3A_239 = tpu.vector_load %arg6[%parallel_loop3A_238] {strides = array<i32>} : memref<8192xi32, #tpu.memory_space<vmem>>, vector<16xi32>,
        %parallel_loop3A_240 = arith.addi %add3A_230, %parallel_loop3A_239 : vector<16xi32>
        tpu.vector_store_idx %arg4[%parallel_loop3A_240], %broadcast_in_dim3A_5 {add = true} : memref<8192xi32, #tpu.memory_space<vmem>>[vector<16xi32>], vector<16xi32>,
      } {sc.loop_unroll_factor = 8 : i64, sc.parallel_access}
      %scan3A_234 = arith.constant 0 : i32
      scf.yield %scan3A_234 : i32
    }
    %scan3A_20 = arith.constant 2 : i32
    %add3A_21 = arith.constant 0 : i32
    %add3A_22 = arith.addi %mul3A_2, %add3A_21 : i32
    "tpu.region"() ({
      %run_scoped3A = tpu.sem_alloc : memref<!tpu.dma_semaphore, #tpu.memory_space<semaphore_mem>>
      %dma_start3A_23 = arith.constant 0 : i32
      %dma_start3A_24 = tpu.memref_slice %arg4[%dma_start3A_23] : memref<8192xi32, #tpu.memory_space<vmem>> -> memref<8192xi32, #tpu.memory_space<vmem>>
      %dma_start3A_25 = arith.constant 0 : i32
      %dma_start3A_26 = tpu.memref_slice %arg3[%add3A_22, %dma_start3A_25] : memref<32x8192xi32, #tpu.memory_space<hbm>> -> memref<1x8192xi32, #tpu.memory_space<hbm>>
      %dma_start3A_27 = tpu.memref_squeeze %dma_start3A_26 : memref<1x8192xi32, #tpu.memory_space<hbm>> -> memref<8192xi32, #tpu.memory_space<hbm>>
      %dma_start3A_28 = arith.constant 0 : i32
      %dma_start3A_29 = tpu.memref_slice %arg3[%add3A_22, %dma_start3A_28] : memref<32x8192xi32, #tpu.memory_space<hbm>> -> memref<1x8192xi32, #tpu.memory_space<hbm>>
      %dma_start3A_30 = tpu.memref_squeeze %dma_start3A_29 : memref<1x8192xi32, #tpu.memory_space<hbm>> -> memref<8192xi32, #tpu.memory_space<hbm>>
      %dma_start3A_31 = arith.constant 0 : i32
      %dma_start3A_32 = tpu.memref_slice %arg4[%dma_start3A_31] : memref<8192xi32, #tpu.memory_space<vmem>> -> memref<8192xi32, #tpu.memory_space<vmem>>
      tpu.enqueue_dma source(%dma_start3A_32 : memref<8192xi32, #tpu.memory_space<vmem>>) target(%dma_start3A_30 : memref<8192xi32, #tpu.memory_space<hbm>>) target_semaphore(%run_scoped3A : memref<!tpu.dma_semaphore, #tpu.memory_space<semaphore_mem>>)
      %dma_wait3A = arith.constant 0 : i32
      %dma_wait3A_33 = tpu.memref_slice %arg4[%dma_wait3A] : memref<8192xi32, #tpu.memory_space<vmem>> -> memref<8192xi32, #tpu.memory_space<vmem>>
      %dma_wait3A_34 = arith.constant 0 : i32
      %dma_wait3A_35 = tpu.memref_slice %arg3[%add3A_22, %dma_wait3A_34] : memref<32x8192xi32, #tpu.memory_space<hbm>> -> memref<1x8192xi32, #tpu.memory_space<hbm>>
      %dma_wait3A_36 = tpu.memref_squeeze %dma_wait3A_35 : memref<1x8192xi32, #tpu.memory_space<hbm>> -> memref<8192xi32, #tpu.memory_space<hbm>>
      %dma_wait3A_37 = arith.constant 0 : i32
      %dma_wait3A_38 = tpu.memref_slice %arg3[%add3A_22, %dma_wait3A_37] : memref<32x8192xi32, #tpu.memory_space<hbm>> -> memref<1x8192xi32, #tpu.memory_space<hbm>>
      %dma_wait3A_39 = tpu.memref_squeeze %dma_wait3A_38 : memref<1x8192xi32, #tpu.memory_space<hbm>> -> memref<8192xi32, #tpu.memory_space<hbm>>
      %dma_wait3A_40 = arith.constant 0 : i32
      %dma_wait3A_41 = tpu.memref_slice %arg4[%dma_wait3A_40] : memref<8192xi32, #tpu.memory_space<vmem>> -> memref<8192xi32, #tpu.memory_space<vmem>>
      tpu.wait_dma2 semaphore(%run_scoped3A : memref<!tpu.dma_semaphore, #tpu.memory_space<semaphore_mem>>) src(%dma_wait3A_41 : memref<8192xi32, #tpu.memory_space<vmem>>) dst(%dma_wait3A_39 : memref<8192xi32, #tpu.memory_space<hbm>>)
      tpu.yield
    }) : () -> ()
    return
  }
}

#map = affine_map<(d0, d1) -> (0, 0)>
module attributes {stable_mosaic.version = 14 : i64} {
  func.func @k(%arg0: i32, %arg1: i32, %arg2: memref<32x32768xi32, #tpu.memory_space<hbm>>, %arg3: memref<32x8192xi32, #tpu.memory_space<hbm>>, %arg4: memref<8192xi32, #tpu.memory_space<vmem>>, %arg5: memref<8192xi32, #tpu.memory_space<vmem>>, %arg6: memref<8192xi32, #tpu.memory_space<vmem>>, %arg7: memref<!tpu.dma_semaphore, #tpu.memory_space<semaphore_mem>>, %arg8: memref<!tpu.dma_semaphore, #tpu.memory_space<semaphore_mem>>) attributes {dimension_semantics = [#tpu.dimension_semantics<core_parallel>, #tpu.dimension_semantics<subcore_parallel>], iteration_bounds = array<i64: 2, 16>, scalar_prefetch = 0 : i64, scratch_operands = 5 : i64, tpu.core_type = #tpu.core_type<sc_vector_subcore>, window_params = [{transform_indices = #map}, {transform_indices = #map}]} {
    %mul3A = arith.constant 2 : i32
    %mul3A_0 = arith.muli %arg1, %mul3A : i32
    %add3A = arith.addi %mul3A_0, %arg0 : i32
    %mul3A_1 = arith.constant 1 : i32
    %mul3A_2 = arith.muli %add3A, %mul3A_1 : i32
    %iota3A = tpu.iota {dimensions = array<i32: 0>} : vector<16xi32>
    %broadcast_in_dim3A = arith.constant 0 : i32
    %broadcast_in_dim3A_3 = vector.broadcast %broadcast_in_dim3A : i32 to vector<16xi32>
    %broadcast_in_dim3A_4 = arith.constant 1 : i32
    %broadcast_in_dim3A_5 = vector.broadcast %broadcast_in_dim3A_4 : i32 to vector<16xi32>
    %add3A_6 = arith.constant 0 : i32
    %add3A_7 = arith.addi %mul3A_2, %add3A_6 : i32
    %dma_start3A = arith.constant 0 : i32
    %dma_start3A_8 = tpu.memref_slice %arg2[%add3A_7, %dma_start3A] : memref<32x32768xi32, #tpu.memory_space<hbm>> -> memref<1x8192xi32, #tpu.memory_space<hbm>>
    %dma_start3A_9 = tpu.memref_squeeze %dma_start3A_8 : memref<1x8192xi32, #tpu.memory_space<hbm>> -> memref<8192xi32, #tpu.memory_space<hbm>>
    %dma_start3A_10 = arith.constant 0 : i32
    %dma_start3A_11 = tpu.memref_slice %arg2[%add3A_7, %dma_start3A_10] : memref<32x32768xi32, #tpu.memory_space<hbm>> -> memref<1x8192xi32, #tpu.memory_space<hbm>>
    %dma_start3A_12 = tpu.memref_squeeze %dma_start3A_11 : memref<1x8192xi32, #tpu.memory_space<hbm>> -> memref<8192xi32, #tpu.memory_space<hbm>>
    tpu.enqueue_dma source(%dma_start3A_12 : memref<8192xi32, #tpu.memory_space<hbm>>) target(%arg5 : memref<8192xi32, #tpu.memory_space<vmem>>) target_semaphore(%arg7 : memref<!tpu.dma_semaphore, #tpu.memory_space<semaphore_mem>>)
    %parallel_loop3A = arith.constant 0 : i32
    %parallel_loop3A_13 = arith.constant 512 : i32
    %parallel_loop3A_14 = arith.constant 1 : i32
    scf.for %parallel_loop3A_23 = %parallel_loop3A to %parallel_loop3A_13 step %parallel_loop3A_14  : i32 {
      %parallel_loop3A_24 = arith.constant 16 : i32
      %parallel_loop3A_25 = arith.muli %parallel_loop3A_23, %parallel_loop3A_24 : i32
      %parallel_loop3A_26 = arith.index_cast %parallel_loop3A_25 : i32 to index
      %parallel_loop3A_27 = tpu.vector_load %arg4[%parallel_loop3A_26] {strides = array<i32>} : memref<8192xi32, #tpu.memory_space<vmem>>, vector<16xi32>,
      tpu.vector_store %arg4[%parallel_loop3A_26], %broadcast_in_dim3A_3 {strides = array<i32>} : memref<8192xi32, #tpu.memory_space<vmem>>, vector<16xi32>,
    } {sc.loop_unroll_factor = 8 : i64, sc.parallel_access}
    %scan3A = arith.constant 0 : i32
    %scan3A_15 = arith.constant 0 : i32
    %scan3A_16 = arith.constant 2 : i32
    %scan3A_17 = arith.addi %scan3A_15, %scan3A_16 : i32
    %scan3A_18 = arith.constant 1 : i32
    %scan3A_19 = scf.for %scan3A_23 = %scan3A_15 to %scan3A_17 step %scan3A_18 iter_args(%scan3A_24 = %scan3A) -> (i32)  : i32 {
      %mul3A_25 = arith.constant 2 : i32
      %mul3A_26 = arith.muli %scan3A_23, %mul3A_25 : i32
      %add3A_27 = arith.constant 1 : i32
      %add3A_28 = arith.addi %mul3A_26, %add3A_27 : i32
      %jit3A = arith.constant 4 : i32
      %div3A = arith.divsi %add3A_28, %jit3A : i32
      %sign3A = arith.constant 0 : i32
      %sign3A_29 = arith.cmpi sgt, %add3A_28, %sign3A : i32
      %sign3A_30 = arith.extui %sign3A_29 : i1 to i32
      %sign3A_31 = arith.constant 0 : i32
      %sign3A_32 = arith.cmpi slt, %add3A_28, %sign3A_31 : i32
      %sign3A_33 = arith.extui %sign3A_32 : i1 to i32
      %sign3A_34 = arith.subi %sign3A_30, %sign3A_33 : i32
      %sign3A_35 = arith.constant 0 : i32
      %sign3A_36 = arith.cmpi sgt, %jit3A, %sign3A_35 : i32
      %sign3A_37 = arith.extui %sign3A_36 : i1 to i32
      %sign3A_38 = arith.constant 0 : i32
      %sign3A_39 = arith.cmpi slt, %jit3A, %sign3A_38 : i32
      %sign3A_40 = arith.extui %sign3A_39 : i1 to i32
      %sign3A_41 = arith.subi %sign3A_37, %sign3A_40 : i32
      %ne3A = arith.cmpi ne, %sign3A_34, %sign3A_41 : i32
      %rem3A = arith.remsi %add3A_28, %jit3A : i32
      %ne3A_42 = arith.constant 0 : i32
      %ne3A_43 = arith.cmpi ne, %rem3A, %ne3A_42 : i32
      %and3A = arith.andi %ne3A, %ne3A_43 : i1
      %sub3A = arith.constant 1 : i32
      %sub3A_44 = arith.subi %div3A, %sub3A : i32
      %select_n3A = arith.select %and3A, %sub3A_44, %div3A : i32
      %add3A_45 = arith.addi %mul3A_2, %select_n3A : i32
      %jit3A_46 = arith.constant 4 : i32
      %eq3A = arith.constant 0 : i32
      %eq3A_47 = arith.cmpi eq, %jit3A_46, %eq3A : i32
      %jit3A_48 = arith.constant 1 : i32
      %select_n3A_49 = arith.select %eq3A_47, %jit3A_48, %jit3A_46 : i32
      %rem3A_50 = arith.remsi %add3A_28, %select_n3A_49 : i32
      %ne3A_51 = arith.constant 0 : i32
      %ne3A_52 = arith.cmpi ne, %rem3A_50, %ne3A_51 : i32
      %lt3A = arith.constant 0 : i32
      %lt3A_53 = arith.cmpi slt, %rem3A_50, %lt3A : i32
      %lt3A_54 = arith.constant 0 : i32
      %lt3A_55 = arith.cmpi slt, %select_n3A_49, %lt3A_54 : i32
      %ne3A_56 = arith.xori %lt3A_53, %lt3A_55 : i1
      %and3A_57 = arith.andi %ne3A_56, %ne3A_52 : i1
      %add3A_58 = arith.addi %rem3A_50, %select_n3A_49 : i32
      %select_n3A_59 = arith.select %and3A_57, %add3A_58, %rem3A_50 : i32
      %mul3A_60 = arith.constant 8192 : i32
      %mul3A_61 = arith.muli %select_n3A_59, %mul3A_60 : i32
      %dma_start3A_62 = tpu.memref_slice %arg2[%add3A_45, %mul3A_61] : memref<32x32768xi32, #tpu.memory_space<hbm>> -> memref<1x8192xi32, #tpu.memory_space<hbm>>
      %dma_start3A_63 = tpu.memref_squeeze %dma_start3A_62 : memref<1x8192xi32, #tpu.memory_space<hbm>> -> memref<8192xi32, #tpu.memory_space<hbm>>
      %dma_start3A_64 = tpu.memref_slice %arg2[%add3A_45, %mul3A_61] : memref<32x32768xi32, #tpu.memory_space<hbm>> -> memref<1x8192xi32, #tpu.memory_space<hbm>>
      %dma_start3A_65 = tpu.memref_squeeze %dma_start3A_64 : memref<1x8192xi32, #tpu.memory_space<hbm>> -> memref<8192xi32, #tpu.memory_space<hbm>>
      tpu.enqueue_dma source(%dma_start3A_65 : memref<8192xi32, #tpu.memory_space<hbm>>) target(%arg6 : memref<8192xi32, #tpu.memory_space<vmem>>) target_semaphore(%arg8 : memref<!tpu.dma_semaphore, #tpu.memory_space<semaphore_mem>>)
      %jit3A_66 = arith.constant 4 : i32
      %div3A_67 = arith.divsi %mul3A_26, %jit3A_66 : i32
      %sign3A_68 = arith.constant 0 : i32
      %sign3A_69 = arith.cmpi sgt, %mul3A_26, %sign3A_68 : i32
      %sign3A_70 = arith.extui %sign3A_69 : i1 to i32
      %sign3A_71 = arith.constant 0 : i32
      %sign3A_72 = arith.cmpi slt, %mul3A_26, %sign3A_71 : i32
      %sign3A_73 = arith.extui %sign3A_72 : i1 to i32
      %sign3A_74 = arith.subi %sign3A_70, %sign3A_73 : i32
      %sign3A_75 = arith.constant 0 : i32
      %sign3A_76 = arith.cmpi sgt, %jit3A_66, %sign3A_75 : i32
      %sign3A_77 = arith.extui %sign3A_76 : i1 to i32
      %sign3A_78 = arith.constant 0 : i32
      %sign3A_79 = arith.cmpi slt, %jit3A_66, %sign3A_78 : i32
      %sign3A_80 = arith.extui %sign3A_79 : i1 to i32
      %sign3A_81 = arith.subi %sign3A_77, %sign3A_80 : i32
      %ne3A_82 = arith.cmpi ne, %sign3A_74, %sign3A_81 : i32
      %rem3A_83 = arith.remsi %mul3A_26, %jit3A_66 : i32
      %ne3A_84 = arith.constant 0 : i32
      %ne3A_85 = arith.cmpi ne, %rem3A_83, %ne3A_84 : i32
      %and3A_86 = arith.andi %ne3A_82, %ne3A_85 : i1
      %sub3A_87 = arith.constant 1 : i32
      %sub3A_88 = arith.subi %div3A_67, %sub3A_87 : i32
      %select_n3A_89 = arith.select %and3A_86, %sub3A_88, %div3A_67 : i32
      %add3A_90 = arith.addi %mul3A_2, %select_n3A_89 : i32
      %jit3A_91 = arith.constant 4 : i32
      %eq3A_92 = arith.constant 0 : i32
      %eq3A_93 = arith.cmpi eq, %jit3A_91, %eq3A_92 : i32
      %jit3A_94 = arith.constant 1 : i32
      %select_n3A_95 = arith.select %eq3A_93, %jit3A_94, %jit3A_91 : i32
      %rem3A_96 = arith.remsi %mul3A_26, %select_n3A_95 : i32
      %ne3A_97 = arith.constant 0 : i32
      %ne3A_98 = arith.cmpi ne, %rem3A_96, %ne3A_97 : i32
      %lt3A_99 = arith.constant 0 : i32
      %lt3A_100 = arith.cmpi slt, %rem3A_96, %lt3A_99 : i32
      %lt3A_101 = arith.constant 0 : i32
      %lt3A_102 = arith.cmpi slt, %select_n3A_95, %lt3A_101 : i32
      %ne3A_103 = arith.xori %lt3A_100, %lt3A_102 : i1
      %and3A_104 = arith.andi %ne3A_103, %ne3A_98 : i1
      %add3A_105 = arith.addi %rem3A_96, %select_n3A_95 : i32
      %select_n3A_106 = arith.select %and3A_104, %add3A_105, %rem3A_96 : i32
      %mul3A_107 = arith.constant 8192 : i32
      %mul3A_108 = arith.muli %select_n3A_106, %mul3A_107 : i32
      %dma_wait3A = tpu.memref_slice %arg2[%add3A_90, %mul3A_108] : memref<32x32768xi32, #tpu.memory_space<hbm>> -> memref<1x8192xi32, #tpu.memory_space<hbm>>
      %dma_wait3A_109 = tpu.memref_squeeze %dma_wait3A : memref<1x8192xi32, #tpu.memory_space<hbm>> -> memref<8192xi32, #tpu.memory_space<hbm>>
      %dma_wait3A_110 = tpu.memref_slice %arg2[%add3A_90, %mul3A_108] : memref<32x32768xi32, #tpu.memory_space<hbm>> -> memref<1x8192xi32, #tpu.memory_space<hbm>>
      %dma_wait3A_111 = tpu.memref_squeeze %dma_wait3A_110 : memref<1x8192xi32, #tpu.memory_space<hbm>> -> memref<8192xi32, #tpu.memory_space<hbm>>
      tpu.wait_dma2 semaphore(%arg7 : memref<!tpu.dma_semaphore, #tpu.memory_space<semaphore_mem>>) src(%dma_wait3A_111 : memref<8192xi32, #tpu.memory_space<hbm>>) dst(%arg5 : memref<8192xi32, #tpu.memory_space<vmem>>)
      %mul3A_112 = arith.constant 512 : i32
      %mul3A_113 = vector.broadcast %mul3A_112 : i32 to vector<16xi32>
      %mul3A_114 = arith.muli %iota3A, %mul3A_113 : vector<16xi32>
      %jit3A_115 = arith.constant 4 : i32
      %div3A_116 = arith.divsi %mul3A_26, %jit3A_115 : i32
      %sign3A_117 = arith.constant 0 : i32
      %sign3A_118 = arith.cmpi sgt, %mul3A_26, %sign3A_117 : i32
      %sign3A_119 = arith.extui %sign3A_118 : i1 to i32
      %sign3A_120 = arith.constant 0 : i32
      %sign3A_121 = arith.cmpi slt, %mul3A_26, %sign3A_120 : i32
      %sign3A_122 = arith.extui %sign3A_121 : i1 to i32
      %sign3A_123 = arith.subi %sign3A_119, %sign3A_122 : i32
      %sign3A_124 = arith.constant 0 : i32
      %sign3A_125 = arith.cmpi sgt, %jit3A_115, %sign3A_124 : i32
      %sign3A_126 = arith.extui %sign3A_125 : i1 to i32
      %sign3A_127 = arith.constant 0 : i32
      %sign3A_128 = arith.cmpi slt, %jit3A_115, %sign3A_127 : i32
      %sign3A_129 = arith.extui %sign3A_128 : i1 to i32
      %sign3A_130 = arith.subi %sign3A_126, %sign3A_129 : i32
      %ne3A_131 = arith.cmpi ne, %sign3A_123, %sign3A_130 : i32
      %rem3A_132 = arith.remsi %mul3A_26, %jit3A_115 : i32
      %ne3A_133 = arith.constant 0 : i32
      %ne3A_134 = arith.cmpi ne, %rem3A_132, %ne3A_133 : i32
      %and3A_135 = arith.andi %ne3A_131, %ne3A_134 : i1
      %sub3A_136 = arith.constant 1 : i32
      %sub3A_137 = arith.subi %div3A_116, %sub3A_136 : i32
      %select_n3A_138 = arith.select %and3A_135, %sub3A_137, %div3A_116 : i32
      %mul3A_139 = arith.constant 8192 : i32
      %mul3A_140 = arith.muli %select_n3A_138, %mul3A_139 : i32
      %add3A_141 = vector.broadcast %mul3A_140 : i32 to vector<16xi32>
      %add3A_142 = arith.addi %mul3A_114, %add3A_141 : vector<16xi32>
      %parallel_loop3A_143 = arith.constant 0 : i32
      %parallel_loop3A_144 = arith.constant 512 : i32
      %parallel_loop3A_145 = arith.constant 1 : i32
      scf.for %parallel_loop3A_235 = %parallel_loop3A_143 to %parallel_loop3A_144 step %parallel_loop3A_145  : i32 {
        %parallel_loop3A_236 = arith.constant 16 : i32
        %parallel_loop3A_237 = arith.muli %parallel_loop3A_235, %parallel_loop3A_236 : i32
        %parallel_loop3A_238 = arith.index_cast %parallel_loop3A_237 : i32 to index
        %parallel_loop3A_239 = tpu.vector_load %arg5[%parallel_loop3A_238] {strides = array<i32>} : memref<8192xi32, #tpu.memory_space<vmem>>, vector<16xi32>,
        %parallel_loop3A_240 = arith.addi %add3A_142, %parallel_loop3A_239 : vector<16xi32>
        tpu.vector_store_idx %arg4[%parallel_loop3A_240], %broadcast_in_dim3A_5 {add = true} : memref<8192xi32, #tpu.memory_space<vmem>>[vector<16xi32>], vector<16xi32>,
      } {sc.loop_unroll_factor = 8 : i64, sc.parallel_access}
      %lt3A_146 = arith.constant 1 : i32
      %lt3A_147 = arith.cmpi slt, %scan3A_23, %lt3A_146 : i32
      %convert_element_type3A = arith.extui %lt3A_147 : i1 to i32
      %cond3A = arith.constant 0 : i32
      %cond3A_148 = arith.cmpi ne, %convert_element_type3A, %cond3A : i32
      scf.if %cond3A_148 {
        %add3A_235 = arith.constant 2 : i32
        %add3A_236 = arith.addi %mul3A_26, %add3A_235 : i32
        %jit3A_237 = arith.constant 4 : i32
        %div3A_238 = arith.divsi %add3A_236, %jit3A_237 : i32
        %sign3A_239 = arith.constant 0 : i32
        %sign3A_240 = arith.cmpi sgt, %add3A_236, %sign3A_239 : i32
        %sign3A_241 = arith.extui %sign3A_240 : i1 to i32
        %sign3A_242 = arith.constant 0 : i32
        %sign3A_243 = arith.cmpi slt, %add3A_236, %sign3A_242 : i32
        %sign3A_244 = arith.extui %sign3A_243 : i1 to i32
        %sign3A_245 = arith.subi %sign3A_241, %sign3A_244 : i32
        %sign3A_246 = arith.constant 0 : i32
        %sign3A_247 = arith.cmpi sgt, %jit3A_237, %sign3A_246 : i32
        %sign3A_248 = arith.extui %sign3A_247 : i1 to i32
        %sign3A_249 = arith.constant 0 : i32
        %sign3A_250 = arith.cmpi slt, %jit3A_237, %sign3A_249 : i32
        %sign3A_251 = arith.extui %sign3A_250 : i1 to i32
        %sign3A_252 = arith.subi %sign3A_248, %sign3A_251 : i32
        %ne3A_253 = arith.cmpi ne, %sign3A_245, %sign3A_252 : i32
        %rem3A_254 = arith.remsi %add3A_236, %jit3A_237 : i32
        %ne3A_255 = arith.constant 0 : i32
        %ne3A_256 = arith.cmpi ne, %rem3A_254, %ne3A_255 : i32
        %and3A_257 = arith.andi %ne3A_253, %ne3A_256 : i1
        %sub3A_258 = arith.constant 1 : i32
        %sub3A_259 = arith.subi %div3A_238, %sub3A_258 : i32
        %select_n3A_260 = arith.select %and3A_257, %sub3A_259, %div3A_238 : i32
        %add3A_261 = arith.addi %mul3A_2, %select_n3A_260 : i32
        %jit3A_262 = arith.constant 4 : i32
        %eq3A_263 = arith.constant 0 : i32
        %eq3A_264 = arith.cmpi eq, %jit3A_262, %eq3A_263 : i32
        %jit3A_265 = arith.constant 1 : i32
        %select_n3A_266 = arith.select %eq3A_264, %jit3A_265, %jit3A_262 : i32
        %rem3A_267 = arith.remsi %add3A_236, %select_n3A_266 : i32
        %ne3A_268 = arith.constant 0 : i32
        %ne3A_269 = arith.cmpi ne, %rem3A_267, %ne3A_268 : i32
        %lt3A_270 = arith.constant 0 : i32
        %lt3A_271 = arith.cmpi slt, %rem3A_267, %lt3A_270 : i32
        %lt3A_272 = arith.constant 0 : i32
        %lt3A_273 = arith.cmpi slt, %select_n3A_266, %lt3A_272 : i32
        %ne3A_274 = arith.xori %lt3A_271, %lt3A_273 : i1
        %and3A_275 = arith.andi %ne3A_274, %ne3A_269 : i1
        %add3A_276 = arith.addi %rem3A_267, %select_n3A_266 : i32
        %select_n3A_277 = arith.select %and3A_275, %add3A_276, %rem3A_267 : i32
        %mul3A_278 = arith.constant 8192 : i32
        %mul3A_279 = arith.muli %select_n3A_277, %mul3A_278 : i32
        %dma_start3A_280 = tpu.memref_slice %arg2[%add3A_261, %mul3A_279] : memref<32x32768xi32, #tpu.memory_space<hbm>> -> memref<1x8192xi32, #tpu.memory_space<hbm>>
        %dma_start3A_281 = tpu.memref_squeeze %dma_start3A_280 : memref<1x8192xi32, #tpu.memory_space<hbm>> -> memref<8192xi32, #tpu.memory_space<hbm>>
        %dma_start3A_282 = tpu.memref_slice %arg2[%add3A_261, %mul3A_279] : memref<32x32768xi32, #tpu.memory_space<hbm>> -> memref<1x8192xi32, #tpu.memory_space<hbm>>
        %dma_start3A_283 = tpu.memref_squeeze %dma_start3A_282 : memref<1x8192xi32, #tpu.memory_space<hbm>> -> memref<8192xi32, #tpu.memory_space<hbm>>
        tpu.enqueue_dma source(%dma_start3A_283 : memref<8192xi32, #tpu.memory_space<hbm>>) target(%arg5 : memref<8192xi32, #tpu.memory_space<vmem>>) target_semaphore(%arg7 : memref<!tpu.dma_semaphore, #tpu.memory_space<semaphore_mem>>)
      } else {
      }
      %add3A_149 = arith.constant 1 : i32
      %add3A_150 = arith.addi %mul3A_26, %add3A_149 : i32
      %jit3A_151 = arith.constant 4 : i32
      %div3A_152 = arith.divsi %add3A_150, %jit3A_151 : i32
      %sign3A_153 = arith.constant 0 : i32
      %sign3A_154 = arith.cmpi sgt, %add3A_150, %sign3A_153 : i32
      %sign3A_155 = arith.extui %sign3A_154 : i1 to i32
      %sign3A_156 = arith.constant 0 : i32
      %sign3A_157 = arith.cmpi slt, %add3A_150, %sign3A_156 : i32
      %sign3A_158 = arith.extui %sign3A_157 : i1 to i32
      %sign3A_159 = arith.subi %sign3A_155, %sign3A_158 : i32
      %sign3A_160 = arith.constant 0 : i32
      %sign3A_161 = arith.cmpi sgt, %jit3A_151, %sign3A_160 : i32
      %sign3A_162 = arith.extui %sign3A_161 : i1 to i32
      %sign3A_163 = arith.constant 0 : i32
      %sign3A_164 = arith.cmpi slt, %jit3A_151, %sign3A_163 : i32
      %sign3A_165 = arith.extui %sign3A_164 : i1 to i32
      %sign3A_166 = arith.subi %sign3A_162, %sign3A_165 : i32
      %ne3A_167 = arith.cmpi ne, %sign3A_159, %sign3A_166 : i32
      %rem3A_168 = arith.remsi %add3A_150, %jit3A_151 : i32
      %ne3A_169 = arith.constant 0 : i32
      %ne3A_170 = arith.cmpi ne, %rem3A_168, %ne3A_169 : i32
      %and3A_171 = arith.andi %ne3A_167, %ne3A_170 : i1
      %sub3A_172 = arith.constant 1 : i32
      %sub3A_173 = arith.subi %div3A_152, %sub3A_172 : i32
      %select_n3A_174 = arith.select %and3A_171, %sub3A_173, %div3A_152 : i32
      %add3A_175 = arith.addi %mul3A_2, %select_n3A_174 : i32
      %jit3A_176 = arith.constant 4 : i32
      %eq3A_177 = arith.constant 0 : i32
      %eq3A_178 = arith.cmpi eq, %jit3A_176, %eq3A_177 : i32
      %jit3A_179 = arith.constant 1 : i32
      %select_n3A_180 = arith.select %eq3A_178, %jit3A_179, %jit3A_176 : i32
      %rem3A_181 = arith.remsi %add3A_150, %select_n3A_180 : i32
      %ne3A_182 = arith.constant 0 : i32
      %ne3A_183 = arith.cmpi ne, %rem3A_181, %ne3A_182 : i32
      %lt3A_184 = arith.constant 0 : i32
      %lt3A_185 = arith.cmpi slt, %rem3A_181, %lt3A_184 : i32
      %lt3A_186 = arith.constant 0 : i32
      %lt3A_187 = arith.cmpi slt, %select_n3A_180, %lt3A_186 : i32
      %ne3A_188 = arith.xori %lt3A_185, %lt3A_187 : i1
      %and3A_189 = arith.andi %ne3A_188, %ne3A_183 : i1
      %add3A_190 = arith.addi %rem3A_181, %select_n3A_180 : i32
      %select_n3A_191 = arith.select %and3A_189, %add3A_190, %rem3A_181 : i32
      %mul3A_192 = arith.constant 8192 : i32
      %mul3A_193 = arith.muli %select_n3A_191, %mul3A_192 : i32
      %dma_wait3A_194 = tpu.memref_slice %arg2[%add3A_175, %mul3A_193] : memref<32x32768xi32, #tpu.memory_space<hbm>> -> memref<1x8192xi32, #tpu.memory_space<hbm>>
      %dma_wait3A_195 = tpu.memref_squeeze %dma_wait3A_194 : memref<1x8192xi32, #tpu.memory_space<hbm>> -> memref<8192xi32, #tpu.memory_space<hbm>>
      %dma_wait3A_196 = tpu.memref_slice %arg2[%add3A_175, %mul3A_193] : memref<32x32768xi32, #tpu.memory_space<hbm>> -> memref<1x8192xi32, #tpu.memory_space<hbm>>
      %dma_wait3A_197 = tpu.memref_squeeze %dma_wait3A_196 : memref<1x8192xi32, #tpu.memory_space<hbm>> -> memref<8192xi32, #tpu.memory_space<hbm>>
      tpu.wait_dma2 semaphore(%arg8 : memref<!tpu.dma_semaphore, #tpu.memory_space<semaphore_mem>>) src(%dma_wait3A_197 : memref<8192xi32, #tpu.memory_space<hbm>>) dst(%arg6 : memref<8192xi32, #tpu.memory_space<vmem>>)
      %add3A_198 = arith.constant 1 : i32
      %add3A_199 = arith.addi %mul3A_26, %add3A_198 : i32
      %mul3A_200 = arith.constant 512 : i32
      %mul3A_201 = vector.broadcast %mul3A_200 : i32 to vector<16xi32>
      %mul3A_202 = arith.muli %iota3A, %mul3A_201 : vector<16xi32>
      %jit3A_203 = arith.constant 4 : i32
      %div3A_204 = arith.divsi %add3A_199, %jit3A_203 : i32
      %sign3A_205 = arith.constant 0 : i32
      %sign3A_206 = arith.cmpi sgt, %add3A_199, %sign3A_205 : i32
      %sign3A_207 = arith.extui %sign3A_206 : i1 to i32
      %sign3A_208 = arith.constant 0 : i32
      %sign3A_209 = arith.cmpi slt, %add3A_199, %sign3A_208 : i32
      %sign3A_210 = arith.extui %sign3A_209 : i1 to i32
      %sign3A_211 = arith.subi %sign3A_207, %sign3A_210 : i32
      %sign3A_212 = arith.constant 0 : i32
      %sign3A_213 = arith.cmpi sgt, %jit3A_203, %sign3A_212 : i32
      %sign3A_214 = arith.extui %sign3A_213 : i1 to i32
      %sign3A_215 = arith.constant 0 : i32
      %sign3A_216 = arith.cmpi slt, %jit3A_203, %sign3A_215 : i32
      %sign3A_217 = arith.extui %sign3A_216 : i1 to i32
      %sign3A_218 = arith.subi %sign3A_214, %sign3A_217 : i32
      %ne3A_219 = arith.cmpi ne, %sign3A_211, %sign3A_218 : i32
      %rem3A_220 = arith.remsi %add3A_199, %jit3A_203 : i32
      %ne3A_221 = arith.constant 0 : i32
      %ne3A_222 = arith.cmpi ne, %rem3A_220, %ne3A_221 : i32
      %and3A_223 = arith.andi %ne3A_219, %ne3A_222 : i1
      %sub3A_224 = arith.constant 1 : i32
      %sub3A_225 = arith.subi %div3A_204, %sub3A_224 : i32
      %select_n3A_226 = arith.select %and3A_223, %sub3A_225, %div3A_204 : i32
      %mul3A_227 = arith.constant 8192 : i32
      %mul3A_228 = arith.muli %select_n3A_226, %mul3A_227 : i32
      %add3A_229 = vector.broadcast %mul3A_228 : i32 to vector<16xi32>
      %add3A_230 = arith.addi %mul3A_202, %add3A_229 : vector<16xi32>
      %parallel_loop3A_231 = arith.constant 0 : i32
      %parallel_loop3A_232 = arith.constant 512 : i32
      %parallel_loop3A_233 = arith.constant 1 : i32
      scf.for %parallel_loop3A_235 = %parallel_loop3A_231 to %parallel_loop3A_232 step %parallel_loop3A_233  : i32 {
        %parallel_loop3A_236 = arith.constant 16 : i32
        %parallel_loop3A_237 = arith.muli %parallel_loop3A_235, %parallel_loop3A_236 : i32
        %parallel_loop3A_238 = arith.index_cast %parallel_loop3A_237 : i32 to index
        %parallel_loop3A_239 = tpu.vector_load %arg6[%parallel_loop3A_238] {strides = array<i32>} : memref<8192xi32, #tpu.memory_space<vmem>>, vector<16xi32>,
        %parallel_loop3A_240 = arith.addi %add3A_230, %parallel_loop3A_239 : vector<16xi32>
        tpu.vector_store_idx %arg4[%parallel_loop3A_240], %broadcast_in_dim3A_5 {add = true} : memref<8192xi32, #tpu.memory_space<vmem>>[vector<16xi32>], vector<16xi32>,
      } {sc.loop_unroll_factor = 8 : i64, sc.parallel_access}
      %scan3A_234 = arith.constant 0 : i32
      scf.yield %scan3A_234 : i32
    }
    %scan3A_20 = arith.constant 2 : i32
    %add3A_21 = arith.constant 0 : i32
    %add3A_22 = arith.addi %mul3A_2, %add3A_21 : i32
    "tpu.region"() ({
      %run_scoped3A = tpu.sem_alloc : memref<!tpu.dma_semaphore, #tpu.memory_space<semaphore_mem>>
      %dma_start3A_23 = arith.constant 0 : i32
      %dma_start3A_24 = tpu.memref_slice %arg4[%dma_start3A_23] : memref<8192xi32, #tpu.memory_space<vmem>> -> memref<8192xi32, #tpu.memory_space<vmem>>
      %dma_start3A_25 = arith.constant 0 : i32
      %dma_start3A_26 = tpu.memref_slice %arg3[%add3A_22, %dma_start3A_25] : memref<32x8192xi32, #tpu.memory_space<hbm>> -> memref<1x8192xi32, #tpu.memory_space<hbm>>
      %dma_start3A_27 = tpu.memref_squeeze %dma_start3A_26 : memref<1x8192xi32, #tpu.memory_space<hbm>> -> memref<8192xi32, #tpu.memory_space<hbm>>
      %dma_start3A_28 = arith.constant 0 : i32
      %dma_start3A_29 = tpu.memref_slice %arg3[%add3A_22, %dma_start3A_28] : memref<32x8192xi32, #tpu.memory_space<hbm>> -> memref<1x8192xi32, #tpu.memory_space<hbm>>
      %dma_start3A_30 = tpu.memref_squeeze %dma_start3A_29 : memref<1x8192xi32, #tpu.memory_space<hbm>> -> memref<8192xi32, #tpu.memory_space<hbm>>
      %dma_start3A_31 = arith.constant 0 : i32
      %dma_start3A_32 = tpu.memref_slice %arg4[%dma_start3A_31] : memref<8192xi32, #tpu.memory_space<vmem>> -> memref<8192xi32, #tpu.memory_space<vmem>>
      tpu.enqueue_dma source(%dma_start3A_32 : memref<8192xi32, #tpu.memory_space<vmem>>) target(%dma_start3A_30 : memref<8192xi32, #tpu.memory_space<hbm>>) target_semaphore(%run_scoped3A : memref<!tpu.dma_semaphore, #tpu.memory_space<semaphore_mem>>)
      %dma_wait3A = arith.constant 0 : i32
      %dma_wait3A_33 = tpu.memref_slice %arg4[%dma_wait3A] : memref<8192xi32, #tpu.memory_space<vmem>> -> memref<8192xi32, #tpu.memory_space<vmem>>
      %dma_wait3A_34 = arith.constant 0 : i32
      %dma_wait3A_35 = tpu.memref_slice %arg3[%add3A_22, %dma_wait3A_34] : memref<32x8192xi32, #tpu.memory_space<hbm>> -> memref<1x8192xi32, #tpu.memory_space<hbm>>
      %dma_wait3A_36 = tpu.memref_squeeze %dma_wait3A_35 : memref<1x8192xi32, #tpu.memory_space<hbm>> -> memref<8192xi32, #tpu.memory_space<hbm>>
      %dma_wait3A_37 = arith.constant 0 : i32
      %dma_wait3A_38 = tpu.memref_slice %arg3[%add3A_22, %dma_wait3A_37] : memref<32x8192xi32, #tpu.memory_space<hbm>> -> memref<1x8192xi32, #tpu.memory_space<hbm>>
      %dma_wait3A_39 = tpu.memref_squeeze %dma_wait3A_38 : memref<1x8192xi32, #tpu.memory_space<hbm>> -> memref<8192xi32, #tpu.memory_space<hbm>>
      %dma_wait3A_40 = arith.constant 0 : i32
      %dma_wait3A_41 = tpu.memref_slice %arg4[%dma_wait3A_40] : memref<8192xi32, #tpu.memory_space<vmem>> -> memref<8192xi32, #tpu.memory_space<vmem>>
      tpu.wait_dma2 semaphore(%run_scoped3A : memref<!tpu.dma_semaphore, #tpu.memory_space<semaphore_mem>>) src(%dma_wait3A_41 : memref<8192xi32, #tpu.memory_space<vmem>>) dst(%dma_wait3A_39 : memref<8192xi32, #tpu.memory_space<hbm>>)
      tpu.yield
    }) : () -> ()
    return
  }
}

#map = affine_map<(d0, d1) -> (0, 0)>
module attributes {stable_mosaic.version = 14 : i64} {
  func.func @k(%arg0: i32, %arg1: i32, %arg2: memref<32x32768xi32, #tpu.memory_space<hbm>>, %arg3: memref<32x8192xi32, #tpu.memory_space<hbm>>, %arg4: memref<8192xi32, #tpu.memory_space<vmem>>, %arg5: memref<8192xi32, #tpu.memory_space<vmem>>, %arg6: memref<8192xi32, #tpu.memory_space<vmem>>, %arg7: memref<!tpu.dma_semaphore, #tpu.memory_space<semaphore_mem>>, %arg8: memref<!tpu.dma_semaphore, #tpu.memory_space<semaphore_mem>>) attributes {dimension_semantics = [#tpu.dimension_semantics<core_parallel>, #tpu.dimension_semantics<subcore_parallel>], iteration_bounds = array<i64: 2, 16>, scalar_prefetch = 0 : i64, scratch_operands = 5 : i64, tpu.core_type = #tpu.core_type<sc_vector_subcore>, window_params = [{transform_indices = #map}, {transform_indices = #map}]} {
    %mul3A = arith.constant 2 : i32
    %mul3A_0 = arith.muli %arg1, %mul3A : i32
    %add3A = arith.addi %mul3A_0, %arg0 : i32
    %mul3A_1 = arith.constant 1 : i32
    %mul3A_2 = arith.muli %add3A, %mul3A_1 : i32
    %iota3A = tpu.iota {dimensions = array<i32: 0>} : vector<16xi32>
    %broadcast_in_dim3A = arith.constant 0 : i32
    %broadcast_in_dim3A_3 = vector.broadcast %broadcast_in_dim3A : i32 to vector<16xi32>
    %broadcast_in_dim3A_4 = arith.constant 1 : i32
    %broadcast_in_dim3A_5 = vector.broadcast %broadcast_in_dim3A_4 : i32 to vector<16xi32>
    %add3A_6 = arith.constant 0 : i32
    %add3A_7 = arith.addi %mul3A_2, %add3A_6 : i32
    %dma_start3A = arith.constant 0 : i32
    %dma_start3A_8 = tpu.memref_slice %arg2[%add3A_7, %dma_start3A] : memref<32x32768xi32, #tpu.memory_space<hbm>> -> memref<1x8192xi32, #tpu.memory_space<hbm>>
    %dma_start3A_9 = tpu.memref_squeeze %dma_start3A_8 : memref<1x8192xi32, #tpu.memory_space<hbm>> -> memref<8192xi32, #tpu.memory_space<hbm>>
    %dma_start3A_10 = arith.constant 0 : i32
    %dma_start3A_11 = tpu.memref_slice %arg2[%add3A_7, %dma_start3A_10] : memref<32x32768xi32, #tpu.memory_space<hbm>> -> memref<1x8192xi32, #tpu.memory_space<hbm>>
    %dma_start3A_12 = tpu.memref_squeeze %dma_start3A_11 : memref<1x8192xi32, #tpu.memory_space<hbm>> -> memref<8192xi32, #tpu.memory_space<hbm>>
    tpu.enqueue_dma source(%dma_start3A_12 : memref<8192xi32, #tpu.memory_space<hbm>>) target(%arg5 : memref<8192xi32, #tpu.memory_space<vmem>>) target_semaphore(%arg7 : memref<!tpu.dma_semaphore, #tpu.memory_space<semaphore_mem>>)
    %parallel_loop3A = arith.constant 0 : i32
    %parallel_loop3A_13 = arith.constant 512 : i32
    %parallel_loop3A_14 = arith.constant 1 : i32
    scf.for %parallel_loop3A_23 = %parallel_loop3A to %parallel_loop3A_13 step %parallel_loop3A_14  : i32 {
      %parallel_loop3A_24 = arith.constant 16 : i32
      %parallel_loop3A_25 = arith.muli %parallel_loop3A_23, %parallel_loop3A_24 : i32
      %parallel_loop3A_26 = arith.index_cast %parallel_loop3A_25 : i32 to index
      %parallel_loop3A_27 = tpu.vector_load %arg4[%parallel_loop3A_26] {strides = array<i32>} : memref<8192xi32, #tpu.memory_space<vmem>>, vector<16xi32>,
      tpu.vector_store %arg4[%parallel_loop3A_26], %broadcast_in_dim3A_3 {strides = array<i32>} : memref<8192xi32, #tpu.memory_space<vmem>>, vector<16xi32>,
    } {sc.loop_unroll_factor = 8 : i64, sc.parallel_access}
    %scan3A = arith.constant 0 : i32
    %scan3A_15 = arith.constant 0 : i32
    %scan3A_16 = arith.constant 2 : i32
    %scan3A_17 = arith.addi %scan3A_15, %scan3A_16 : i32
    %scan3A_18 = arith.constant 1 : i32
    %scan3A_19 = scf.for %scan3A_23 = %scan3A_15 to %scan3A_17 step %scan3A_18 iter_args(%scan3A_24 = %scan3A) -> (i32)  : i32 {
      %mul3A_25 = arith.constant 2 : i32
      %mul3A_26 = arith.muli %scan3A_23, %mul3A_25 : i32
      %add3A_27 = arith.constant 1 : i32
      %add3A_28 = arith.addi %mul3A_26, %add3A_27 : i32
      %jit3A = arith.constant 4 : i32
      %div3A = arith.divsi %add3A_28, %jit3A : i32
      %sign3A = arith.constant 0 : i32
      %sign3A_29 = arith.cmpi sgt, %add3A_28, %sign3A : i32
      %sign3A_30 = arith.extui %sign3A_29 : i1 to i32
      %sign3A_31 = arith.constant 0 : i32
      %sign3A_32 = arith.cmpi slt, %add3A_28, %sign3A_31 : i32
      %sign3A_33 = arith.extui %sign3A_32 : i1 to i32
      %sign3A_34 = arith.subi %sign3A_30, %sign3A_33 : i32
      %sign3A_35 = arith.constant 0 : i32
      %sign3A_36 = arith.cmpi sgt, %jit3A, %sign3A_35 : i32
      %sign3A_37 = arith.extui %sign3A_36 : i1 to i32
      %sign3A_38 = arith.constant 0 : i32
      %sign3A_39 = arith.cmpi slt, %jit3A, %sign3A_38 : i32
      %sign3A_40 = arith.extui %sign3A_39 : i1 to i32
      %sign3A_41 = arith.subi %sign3A_37, %sign3A_40 : i32
      %ne3A = arith.cmpi ne, %sign3A_34, %sign3A_41 : i32
      %rem3A = arith.remsi %add3A_28, %jit3A : i32
      %ne3A_42 = arith.constant 0 : i32
      %ne3A_43 = arith.cmpi ne, %rem3A, %ne3A_42 : i32
      %and3A = arith.andi %ne3A, %ne3A_43 : i1
      %sub3A = arith.constant 1 : i32
      %sub3A_44 = arith.subi %div3A, %sub3A : i32
      %select_n3A = arith.select %and3A, %sub3A_44, %div3A : i32
      %add3A_45 = arith.addi %mul3A_2, %select_n3A : i32
      %jit3A_46 = arith.constant 4 : i32
      %eq3A = arith.constant 0 : i32
      %eq3A_47 = arith.cmpi eq, %jit3A_46, %eq3A : i32
      %jit3A_48 = arith.constant 1 : i32
      %select_n3A_49 = arith.select %eq3A_47, %jit3A_48, %jit3A_46 : i32
      %rem3A_50 = arith.remsi %add3A_28, %select_n3A_49 : i32
      %ne3A_51 = arith.constant 0 : i32
      %ne3A_52 = arith.cmpi ne, %rem3A_50, %ne3A_51 : i32
      %lt3A = arith.constant 0 : i32
      %lt3A_53 = arith.cmpi slt, %rem3A_50, %lt3A : i32
      %lt3A_54 = arith.constant 0 : i32
      %lt3A_55 = arith.cmpi slt, %select_n3A_49, %lt3A_54 : i32
      %ne3A_56 = arith.xori %lt3A_53, %lt3A_55 : i1
      %and3A_57 = arith.andi %ne3A_56, %ne3A_52 : i1
      %add3A_58 = arith.addi %rem3A_50, %select_n3A_49 : i32
      %select_n3A_59 = arith.select %and3A_57, %add3A_58, %rem3A_50 : i32
      %mul3A_60 = arith.constant 8192 : i32
      %mul3A_61 = arith.muli %select_n3A_59, %mul3A_60 : i32
      %dma_start3A_62 = tpu.memref_slice %arg2[%add3A_45, %mul3A_61] : memref<32x32768xi32, #tpu.memory_space<hbm>> -> memref<1x8192xi32, #tpu.memory_space<hbm>>
      %dma_start3A_63 = tpu.memref_squeeze %dma_start3A_62 : memref<1x8192xi32, #tpu.memory_space<hbm>> -> memref<8192xi32, #tpu.memory_space<hbm>>
      %dma_start3A_64 = tpu.memref_slice %arg2[%add3A_45, %mul3A_61] : memref<32x32768xi32, #tpu.memory_space<hbm>> -> memref<1x8192xi32, #tpu.memory_space<hbm>>
      %dma_start3A_65 = tpu.memref_squeeze %dma_start3A_64 : memref<1x8192xi32, #tpu.memory_space<hbm>> -> memref<8192xi32, #tpu.memory_space<hbm>>
      tpu.enqueue_dma source(%dma_start3A_65 : memref<8192xi32, #tpu.memory_space<hbm>>) target(%arg6 : memref<8192xi32, #tpu.memory_space<vmem>>) target_semaphore(%arg8 : memref<!tpu.dma_semaphore, #tpu.memory_space<semaphore_mem>>)
      %jit3A_66 = arith.constant 4 : i32
      %div3A_67 = arith.divsi %mul3A_26, %jit3A_66 : i32
      %sign3A_68 = arith.constant 0 : i32
      %sign3A_69 = arith.cmpi sgt, %mul3A_26, %sign3A_68 : i32
      %sign3A_70 = arith.extui %sign3A_69 : i1 to i32
      %sign3A_71 = arith.constant 0 : i32
      %sign3A_72 = arith.cmpi slt, %mul3A_26, %sign3A_71 : i32
      %sign3A_73 = arith.extui %sign3A_72 : i1 to i32
      %sign3A_74 = arith.subi %sign3A_70, %sign3A_73 : i32
      %sign3A_75 = arith.constant 0 : i32
      %sign3A_76 = arith.cmpi sgt, %jit3A_66, %sign3A_75 : i32
      %sign3A_77 = arith.extui %sign3A_76 : i1 to i32
      %sign3A_78 = arith.constant 0 : i32
      %sign3A_79 = arith.cmpi slt, %jit3A_66, %sign3A_78 : i32
      %sign3A_80 = arith.extui %sign3A_79 : i1 to i32
      %sign3A_81 = arith.subi %sign3A_77, %sign3A_80 : i32
      %ne3A_82 = arith.cmpi ne, %sign3A_74, %sign3A_81 : i32
      %rem3A_83 = arith.remsi %mul3A_26, %jit3A_66 : i32
      %ne3A_84 = arith.constant 0 : i32
      %ne3A_85 = arith.cmpi ne, %rem3A_83, %ne3A_84 : i32
      %and3A_86 = arith.andi %ne3A_82, %ne3A_85 : i1
      %sub3A_87 = arith.constant 1 : i32
      %sub3A_88 = arith.subi %div3A_67, %sub3A_87 : i32
      %select_n3A_89 = arith.select %and3A_86, %sub3A_88, %div3A_67 : i32
      %add3A_90 = arith.addi %mul3A_2, %select_n3A_89 : i32
      %jit3A_91 = arith.constant 4 : i32
      %eq3A_92 = arith.constant 0 : i32
      %eq3A_93 = arith.cmpi eq, %jit3A_91, %eq3A_92 : i32
      %jit3A_94 = arith.constant 1 : i32
      %select_n3A_95 = arith.select %eq3A_93, %jit3A_94, %jit3A_91 : i32
      %rem3A_96 = arith.remsi %mul3A_26, %select_n3A_95 : i32
      %ne3A_97 = arith.constant 0 : i32
      %ne3A_98 = arith.cmpi ne, %rem3A_96, %ne3A_97 : i32
      %lt3A_99 = arith.constant 0 : i32
      %lt3A_100 = arith.cmpi slt, %rem3A_96, %lt3A_99 : i32
      %lt3A_101 = arith.constant 0 : i32
      %lt3A_102 = arith.cmpi slt, %select_n3A_95, %lt3A_101 : i32
      %ne3A_103 = arith.xori %lt3A_100, %lt3A_102 : i1
      %and3A_104 = arith.andi %ne3A_103, %ne3A_98 : i1
      %add3A_105 = arith.addi %rem3A_96, %select_n3A_95 : i32
      %select_n3A_106 = arith.select %and3A_104, %add3A_105, %rem3A_96 : i32
      %mul3A_107 = arith.constant 8192 : i32
      %mul3A_108 = arith.muli %select_n3A_106, %mul3A_107 : i32
      %dma_wait3A = tpu.memref_slice %arg2[%add3A_90, %mul3A_108] : memref<32x32768xi32, #tpu.memory_space<hbm>> -> memref<1x8192xi32, #tpu.memory_space<hbm>>
      %dma_wait3A_109 = tpu.memref_squeeze %dma_wait3A : memref<1x8192xi32, #tpu.memory_space<hbm>> -> memref<8192xi32, #tpu.memory_space<hbm>>
      %dma_wait3A_110 = tpu.memref_slice %arg2[%add3A_90, %mul3A_108] : memref<32x32768xi32, #tpu.memory_space<hbm>> -> memref<1x8192xi32, #tpu.memory_space<hbm>>
      %dma_wait3A_111 = tpu.memref_squeeze %dma_wait3A_110 : memref<1x8192xi32, #tpu.memory_space<hbm>> -> memref<8192xi32, #tpu.memory_space<hbm>>
      tpu.wait_dma2 semaphore(%arg7 : memref<!tpu.dma_semaphore, #tpu.memory_space<semaphore_mem>>) src(%dma_wait3A_111 : memref<8192xi32, #tpu.memory_space<hbm>>) dst(%arg5 : memref<8192xi32, #tpu.memory_space<vmem>>)
      %mul3A_112 = arith.constant 512 : i32
      %mul3A_113 = vector.broadcast %mul3A_112 : i32 to vector<16xi32>
      %mul3A_114 = arith.muli %iota3A, %mul3A_113 : vector<16xi32>
      %jit3A_115 = arith.constant 4 : i32
      %div3A_116 = arith.divsi %mul3A_26, %jit3A_115 : i32
      %sign3A_117 = arith.constant 0 : i32
      %sign3A_118 = arith.cmpi sgt, %mul3A_26, %sign3A_117 : i32
      %sign3A_119 = arith.extui %sign3A_118 : i1 to i32
      %sign3A_120 = arith.constant 0 : i32
      %sign3A_121 = arith.cmpi slt, %mul3A_26, %sign3A_120 : i32
      %sign3A_122 = arith.extui %sign3A_121 : i1 to i32
      %sign3A_123 = arith.subi %sign3A_119, %sign3A_122 : i32
      %sign3A_124 = arith.constant 0 : i32
      %sign3A_125 = arith.cmpi sgt, %jit3A_115, %sign3A_124 : i32
      %sign3A_126 = arith.extui %sign3A_125 : i1 to i32
      %sign3A_127 = arith.constant 0 : i32
      %sign3A_128 = arith.cmpi slt, %jit3A_115, %sign3A_127 : i32
      %sign3A_129 = arith.extui %sign3A_128 : i1 to i32
      %sign3A_130 = arith.subi %sign3A_126, %sign3A_129 : i32
      %ne3A_131 = arith.cmpi ne, %sign3A_123, %sign3A_130 : i32
      %rem3A_132 = arith.remsi %mul3A_26, %jit3A_115 : i32
      %ne3A_133 = arith.constant 0 : i32
      %ne3A_134 = arith.cmpi ne, %rem3A_132, %ne3A_133 : i32
      %and3A_135 = arith.andi %ne3A_131, %ne3A_134 : i1
      %sub3A_136 = arith.constant 1 : i32
      %sub3A_137 = arith.subi %div3A_116, %sub3A_136 : i32
      %select_n3A_138 = arith.select %and3A_135, %sub3A_137, %div3A_116 : i32
      %mul3A_139 = arith.constant 8192 : i32
      %mul3A_140 = arith.muli %select_n3A_138, %mul3A_139 : i32
      %add3A_141 = vector.broadcast %mul3A_140 : i32 to vector<16xi32>
      %add3A_142 = arith.addi %mul3A_114, %add3A_141 : vector<16xi32>
      %parallel_loop3A_143 = arith.constant 0 : i32
      %parallel_loop3A_144 = arith.constant 512 : i32
      %parallel_loop3A_145 = arith.constant 1 : i32
      scf.for %parallel_loop3A_235 = %parallel_loop3A_143 to %parallel_loop3A_144 step %parallel_loop3A_145  : i32 {
        %parallel_loop3A_236 = arith.constant 16 : i32
        %parallel_loop3A_237 = arith.muli %parallel_loop3A_235, %parallel_loop3A_236 : i32
        %parallel_loop3A_238 = arith.index_cast %parallel_loop3A_237 : i32 to index
        %parallel_loop3A_239 = tpu.vector_load %arg5[%parallel_loop3A_238] {strides = array<i32>} : memref<8192xi32, #tpu.memory_space<vmem>>, vector<16xi32>,
        %parallel_loop3A_240 = arith.addi %add3A_142, %parallel_loop3A_239 : vector<16xi32>
        tpu.vector_store_idx %arg4[%parallel_loop3A_240], %broadcast_in_dim3A_5 {add = true} : memref<8192xi32, #tpu.memory_space<vmem>>[vector<16xi32>], vector<16xi32>,
      } {sc.loop_unroll_factor = 8 : i64, sc.parallel_access}
      %lt3A_146 = arith.constant 1 : i32
      %lt3A_147 = arith.cmpi slt, %scan3A_23, %lt3A_146 : i32
      %convert_element_type3A = arith.extui %lt3A_147 : i1 to i32
      %cond3A = arith.constant 0 : i32
      %cond3A_148 = arith.cmpi ne, %convert_element_type3A, %cond3A : i32
      scf.if %cond3A_148 {
        %add3A_235 = arith.constant 2 : i32
        %add3A_236 = arith.addi %mul3A_26, %add3A_235 : i32
        %jit3A_237 = arith.constant 4 : i32
        %div3A_238 = arith.divsi %add3A_236, %jit3A_237 : i32
        %sign3A_239 = arith.constant 0 : i32
        %sign3A_240 = arith.cmpi sgt, %add3A_236, %sign3A_239 : i32
        %sign3A_241 = arith.extui %sign3A_240 : i1 to i32
        %sign3A_242 = arith.constant 0 : i32
        %sign3A_243 = arith.cmpi slt, %add3A_236, %sign3A_242 : i32
        %sign3A_244 = arith.extui %sign3A_243 : i1 to i32
        %sign3A_245 = arith.subi %sign3A_241, %sign3A_244 : i32
        %sign3A_246 = arith.constant 0 : i32
        %sign3A_247 = arith.cmpi sgt, %jit3A_237, %sign3A_246 : i32
        %sign3A_248 = arith.extui %sign3A_247 : i1 to i32
        %sign3A_249 = arith.constant 0 : i32
        %sign3A_250 = arith.cmpi slt, %jit3A_237, %sign3A_249 : i32
        %sign3A_251 = arith.extui %sign3A_250 : i1 to i32
        %sign3A_252 = arith.subi %sign3A_248, %sign3A_251 : i32
        %ne3A_253 = arith.cmpi ne, %sign3A_245, %sign3A_252 : i32
        %rem3A_254 = arith.remsi %add3A_236, %jit3A_237 : i32
        %ne3A_255 = arith.constant 0 : i32
        %ne3A_256 = arith.cmpi ne, %rem3A_254, %ne3A_255 : i32
        %and3A_257 = arith.andi %ne3A_253, %ne3A_256 : i1
        %sub3A_258 = arith.constant 1 : i32
        %sub3A_259 = arith.subi %div3A_238, %sub3A_258 : i32
        %select_n3A_260 = arith.select %and3A_257, %sub3A_259, %div3A_238 : i32
        %add3A_261 = arith.addi %mul3A_2, %select_n3A_260 : i32
        %jit3A_262 = arith.constant 4 : i32
        %eq3A_263 = arith.constant 0 : i32
        %eq3A_264 = arith.cmpi eq, %jit3A_262, %eq3A_263 : i32
        %jit3A_265 = arith.constant 1 : i32
        %select_n3A_266 = arith.select %eq3A_264, %jit3A_265, %jit3A_262 : i32
        %rem3A_267 = arith.remsi %add3A_236, %select_n3A_266 : i32
        %ne3A_268 = arith.constant 0 : i32
        %ne3A_269 = arith.cmpi ne, %rem3A_267, %ne3A_268 : i32
        %lt3A_270 = arith.constant 0 : i32
        %lt3A_271 = arith.cmpi slt, %rem3A_267, %lt3A_270 : i32
        %lt3A_272 = arith.constant 0 : i32
        %lt3A_273 = arith.cmpi slt, %select_n3A_266, %lt3A_272 : i32
        %ne3A_274 = arith.xori %lt3A_271, %lt3A_273 : i1
        %and3A_275 = arith.andi %ne3A_274, %ne3A_269 : i1
        %add3A_276 = arith.addi %rem3A_267, %select_n3A_266 : i32
        %select_n3A_277 = arith.select %and3A_275, %add3A_276, %rem3A_267 : i32
        %mul3A_278 = arith.constant 8192 : i32
        %mul3A_279 = arith.muli %select_n3A_277, %mul3A_278 : i32
        %dma_start3A_280 = tpu.memref_slice %arg2[%add3A_261, %mul3A_279] : memref<32x32768xi32, #tpu.memory_space<hbm>> -> memref<1x8192xi32, #tpu.memory_space<hbm>>
        %dma_start3A_281 = tpu.memref_squeeze %dma_start3A_280 : memref<1x8192xi32, #tpu.memory_space<hbm>> -> memref<8192xi32, #tpu.memory_space<hbm>>
        %dma_start3A_282 = tpu.memref_slice %arg2[%add3A_261, %mul3A_279] : memref<32x32768xi32, #tpu.memory_space<hbm>> -> memref<1x8192xi32, #tpu.memory_space<hbm>>
        %dma_start3A_283 = tpu.memref_squeeze %dma_start3A_282 : memref<1x8192xi32, #tpu.memory_space<hbm>> -> memref<8192xi32, #tpu.memory_space<hbm>>
        tpu.enqueue_dma source(%dma_start3A_283 : memref<8192xi32, #tpu.memory_space<hbm>>) target(%arg5 : memref<8192xi32, #tpu.memory_space<vmem>>) target_semaphore(%arg7 : memref<!tpu.dma_semaphore, #tpu.memory_space<semaphore_mem>>)
      } else {
      }
      %add3A_149 = arith.constant 1 : i32
      %add3A_150 = arith.addi %mul3A_26, %add3A_149 : i32
      %jit3A_151 = arith.constant 4 : i32
      %div3A_152 = arith.divsi %add3A_150, %jit3A_151 : i32
      %sign3A_153 = arith.constant 0 : i32
      %sign3A_154 = arith.cmpi sgt, %add3A_150, %sign3A_153 : i32
      %sign3A_155 = arith.extui %sign3A_154 : i1 to i32
      %sign3A_156 = arith.constant 0 : i32
      %sign3A_157 = arith.cmpi slt, %add3A_150, %sign3A_156 : i32
      %sign3A_158 = arith.extui %sign3A_157 : i1 to i32
      %sign3A_159 = arith.subi %sign3A_155, %sign3A_158 : i32
      %sign3A_160 = arith.constant 0 : i32
      %sign3A_161 = arith.cmpi sgt, %jit3A_151, %sign3A_160 : i32
      %sign3A_162 = arith.extui %sign3A_161 : i1 to i32
      %sign3A_163 = arith.constant 0 : i32
      %sign3A_164 = arith.cmpi slt, %jit3A_151, %sign3A_163 : i32
      %sign3A_165 = arith.extui %sign3A_164 : i1 to i32
      %sign3A_166 = arith.subi %sign3A_162, %sign3A_165 : i32
      %ne3A_167 = arith.cmpi ne, %sign3A_159, %sign3A_166 : i32
      %rem3A_168 = arith.remsi %add3A_150, %jit3A_151 : i32
      %ne3A_169 = arith.constant 0 : i32
      %ne3A_170 = arith.cmpi ne, %rem3A_168, %ne3A_169 : i32
      %and3A_171 = arith.andi %ne3A_167, %ne3A_170 : i1
      %sub3A_172 = arith.constant 1 : i32
      %sub3A_173 = arith.subi %div3A_152, %sub3A_172 : i32
      %select_n3A_174 = arith.select %and3A_171, %sub3A_173, %div3A_152 : i32
      %add3A_175 = arith.addi %mul3A_2, %select_n3A_174 : i32
      %jit3A_176 = arith.constant 4 : i32
      %eq3A_177 = arith.constant 0 : i32
      %eq3A_178 = arith.cmpi eq, %jit3A_176, %eq3A_177 : i32
      %jit3A_179 = arith.constant 1 : i32
      %select_n3A_180 = arith.select %eq3A_178, %jit3A_179, %jit3A_176 : i32
      %rem3A_181 = arith.remsi %add3A_150, %select_n3A_180 : i32
      %ne3A_182 = arith.constant 0 : i32
      %ne3A_183 = arith.cmpi ne, %rem3A_181, %ne3A_182 : i32
      %lt3A_184 = arith.constant 0 : i32
      %lt3A_185 = arith.cmpi slt, %rem3A_181, %lt3A_184 : i32
      %lt3A_186 = arith.constant 0 : i32
      %lt3A_187 = arith.cmpi slt, %select_n3A_180, %lt3A_186 : i32
      %ne3A_188 = arith.xori %lt3A_185, %lt3A_187 : i1
      %and3A_189 = arith.andi %ne3A_188, %ne3A_183 : i1
      %add3A_190 = arith.addi %rem3A_181, %select_n3A_180 : i32
      %select_n3A_191 = arith.select %and3A_189, %add3A_190, %rem3A_181 : i32
      %mul3A_192 = arith.constant 8192 : i32
      %mul3A_193 = arith.muli %select_n3A_191, %mul3A_192 : i32
      %dma_wait3A_194 = tpu.memref_slice %arg2[%add3A_175, %mul3A_193] : memref<32x32768xi32, #tpu.memory_space<hbm>> -> memref<1x8192xi32, #tpu.memory_space<hbm>>
      %dma_wait3A_195 = tpu.memref_squeeze %dma_wait3A_194 : memref<1x8192xi32, #tpu.memory_space<hbm>> -> memref<8192xi32, #tpu.memory_space<hbm>>
      %dma_wait3A_196 = tpu.memref_slice %arg2[%add3A_175, %mul3A_193] : memref<32x32768xi32, #tpu.memory_space<hbm>> -> memref<1x8192xi32, #tpu.memory_space<hbm>>
      %dma_wait3A_197 = tpu.memref_squeeze %dma_wait3A_196 : memref<1x8192xi32, #tpu.memory_space<hbm>> -> memref<8192xi32, #tpu.memory_space<hbm>>
      tpu.wait_dma2 semaphore(%arg8 : memref<!tpu.dma_semaphore, #tpu.memory_space<semaphore_mem>>) src(%dma_wait3A_197 : memref<8192xi32, #tpu.memory_space<hbm>>) dst(%arg6 : memref<8192xi32, #tpu.memory_space<vmem>>)
      %add3A_198 = arith.constant 1 : i32
      %add3A_199 = arith.addi %mul3A_26, %add3A_198 : i32
      %mul3A_200 = arith.constant 512 : i32
      %mul3A_201 = vector.broadcast %mul3A_200 : i32 to vector<16xi32>
      %mul3A_202 = arith.muli %iota3A, %mul3A_201 : vector<16xi32>
      %jit3A_203 = arith.constant 4 : i32
      %div3A_204 = arith.divsi %add3A_199, %jit3A_203 : i32
      %sign3A_205 = arith.constant 0 : i32
      %sign3A_206 = arith.cmpi sgt, %add3A_199, %sign3A_205 : i32
      %sign3A_207 = arith.extui %sign3A_206 : i1 to i32
      %sign3A_208 = arith.constant 0 : i32
      %sign3A_209 = arith.cmpi slt, %add3A_199, %sign3A_208 : i32
      %sign3A_210 = arith.extui %sign3A_209 : i1 to i32
      %sign3A_211 = arith.subi %sign3A_207, %sign3A_210 : i32
      %sign3A_212 = arith.constant 0 : i32
      %sign3A_213 = arith.cmpi sgt, %jit3A_203, %sign3A_212 : i32
      %sign3A_214 = arith.extui %sign3A_213 : i1 to i32
      %sign3A_215 = arith.constant 0 : i32
      %sign3A_216 = arith.cmpi slt, %jit3A_203, %sign3A_215 : i32
      %sign3A_217 = arith.extui %sign3A_216 : i1 to i32
      %sign3A_218 = arith.subi %sign3A_214, %sign3A_217 : i32
      %ne3A_219 = arith.cmpi ne, %sign3A_211, %sign3A_218 : i32
      %rem3A_220 = arith.remsi %add3A_199, %jit3A_203 : i32
      %ne3A_221 = arith.constant 0 : i32
      %ne3A_222 = arith.cmpi ne, %rem3A_220, %ne3A_221 : i32
      %and3A_223 = arith.andi %ne3A_219, %ne3A_222 : i1
      %sub3A_224 = arith.constant 1 : i32
      %sub3A_225 = arith.subi %div3A_204, %sub3A_224 : i32
      %select_n3A_226 = arith.select %and3A_223, %sub3A_225, %div3A_204 : i32
      %mul3A_227 = arith.constant 8192 : i32
      %mul3A_228 = arith.muli %select_n3A_226, %mul3A_227 : i32
      %add3A_229 = vector.broadcast %mul3A_228 : i32 to vector<16xi32>
      %add3A_230 = arith.addi %mul3A_202, %add3A_229 : vector<16xi32>
      %parallel_loop3A_231 = arith.constant 0 : i32
      %parallel_loop3A_232 = arith.constant 512 : i32
      %parallel_loop3A_233 = arith.constant 1 : i32
      scf.for %parallel_loop3A_235 = %parallel_loop3A_231 to %parallel_loop3A_232 step %parallel_loop3A_233  : i32 {
        %parallel_loop3A_236 = arith.constant 16 : i32
        %parallel_loop3A_237 = arith.muli %parallel_loop3A_235, %parallel_loop3A_236 : i32
        %parallel_loop3A_238 = arith.index_cast %parallel_loop3A_237 : i32 to index
        %parallel_loop3A_239 = tpu.vector_load %arg6[%parallel_loop3A_238] {strides = array<i32>} : memref<8192xi32, #tpu.memory_space<vmem>>, vector<16xi32>,
        %parallel_loop3A_240 = arith.addi %add3A_230, %parallel_loop3A_239 : vector<16xi32>
        tpu.vector_store_idx %arg4[%parallel_loop3A_240], %broadcast_in_dim3A_5 {add = true} : memref<8192xi32, #tpu.memory_space<vmem>>[vector<16xi32>], vector<16xi32>,
      } {sc.loop_unroll_factor = 8 : i64, sc.parallel_access}
      %scan3A_234 = arith.constant 0 : i32
      scf.yield %scan3A_234 : i32
    }
    %scan3A_20 = arith.constant 2 : i32
    %add3A_21 = arith.constant 0 : i32
    %add3A_22 = arith.addi %mul3A_2, %add3A_21 : i32
    "tpu.region"() ({
      %run_scoped3A = tpu.sem_alloc : memref<!tpu.dma_semaphore, #tpu.memory_space<semaphore_mem>>
      %dma_start3A_23 = arith.constant 0 : i32
      %dma_start3A_24 = tpu.memref_slice %arg4[%dma_start3A_23] : memref<8192xi32, #tpu.memory_space<vmem>> -> memref<8192xi32, #tpu.memory_space<vmem>>
      %dma_start3A_25 = arith.constant 0 : i32
      %dma_start3A_26 = tpu.memref_slice %arg3[%add3A_22, %dma_start3A_25] : memref<32x8192xi32, #tpu.memory_space<hbm>> -> memref<1x8192xi32, #tpu.memory_space<hbm>>
      %dma_start3A_27 = tpu.memref_squeeze %dma_start3A_26 : memref<1x8192xi32, #tpu.memory_space<hbm>> -> memref<8192xi32, #tpu.memory_space<hbm>>
      %dma_start3A_28 = arith.constant 0 : i32
      %dma_start3A_29 = tpu.memref_slice %arg3[%add3A_22, %dma_start3A_28] : memref<32x8192xi32, #tpu.memory_space<hbm>> -> memref<1x8192xi32, #tpu.memory_space<hbm>>
      %dma_start3A_30 = tpu.memref_squeeze %dma_start3A_29 : memref<1x8192xi32, #tpu.memory_space<hbm>> -> memref<8192xi32, #tpu.memory_space<hbm>>
      %dma_start3A_31 = arith.constant 0 : i32
      %dma_start3A_32 = tpu.memref_slice %arg4[%dma_start3A_31] : memref<8192xi32, #tpu.memory_space<vmem>> -> memref<8192xi32, #tpu.memory_space<vmem>>
      tpu.enqueue_dma source(%dma_start3A_32 : memref<8192xi32, #tpu.memory_space<vmem>>) target(%dma_start3A_30 : memref<8192xi32, #tpu.memory_space<hbm>>) target_semaphore(%run_scoped3A : memref<!tpu.dma_semaphore, #tpu.memory_space<semaphore_mem>>)
      %dma_wait3A = arith.constant 0 : i32
      %dma_wait3A_33 = tpu.memref_slice %arg4[%dma_wait3A] : memref<8192xi32, #tpu.memory_space<vmem>> -> memref<8192xi32, #tpu.memory_space<vmem>>
      %dma_wait3A_34 = arith.constant 0 : i32
      %dma_wait3A_35 = tpu.memref_slice %arg3[%add3A_22, %dma_wait3A_34] : memref<32x8192xi32, #tpu.memory_space<hbm>> -> memref<1x8192xi32, #tpu.memory_space<hbm>>
      %dma_wait3A_36 = tpu.memref_squeeze %dma_wait3A_35 : memref<1x8192xi32, #tpu.memory_space<hbm>> -> memref<8192xi32, #tpu.memory_space<hbm>>
      %dma_wait3A_37 = arith.constant 0 : i32
      %dma_wait3A_38 = tpu.memref_slice %arg3[%add3A_22, %dma_wait3A_37] : memref<32x8192xi32, #tpu.memory_space<hbm>> -> memref<1x8192xi32, #tpu.memory_space<hbm>>
      %dma_wait3A_39 = tpu.memref_squeeze %dma_wait3A_38 : memref<1x8192xi32, #tpu.memory_space<hbm>> -> memref<8192xi32, #tpu.memory_space<hbm>>
      %dma_wait3A_40 = arith.constant 0 : i32
      %dma_wait3A_41 = tpu.memref_slice %arg4[%dma_wait3A_40] : memref<8192xi32, #tpu.memory_space<vmem>> -> memref<8192xi32, #tpu.memory_space<vmem>>
      tpu.wait_dma2 semaphore(%run_scoped3A : memref<!tpu.dma_semaphore, #tpu.memory_space<semaphore_mem>>) src(%dma_wait3A_41 : memref<8192xi32, #tpu.memory_space<vmem>>) dst(%dma_wait3A_39 : memref<8192xi32, #tpu.memory_space<hbm>>)
      tpu.yield
    }) : () -> ()
    return
  }
}

#map = affine_map<(d0, d1) -> (0, 0)>
module attributes {stable_mosaic.version = 14 : i64} {
  func.func @k(%arg0: i32, %arg1: i32, %arg2: memref<32x32768xi32, #tpu.memory_space<hbm>>, %arg3: memref<32x8192xi32, #tpu.memory_space<hbm>>, %arg4: memref<8192xi32, #tpu.memory_space<vmem>>, %arg5: memref<8192xi32, #tpu.memory_space<vmem>>, %arg6: memref<8192xi32, #tpu.memory_space<vmem>>, %arg7: memref<!tpu.dma_semaphore, #tpu.memory_space<semaphore_mem>>, %arg8: memref<!tpu.dma_semaphore, #tpu.memory_space<semaphore_mem>>) attributes {dimension_semantics = [#tpu.dimension_semantics<core_parallel>, #tpu.dimension_semantics<subcore_parallel>], iteration_bounds = array<i64: 2, 16>, scalar_prefetch = 0 : i64, scratch_operands = 5 : i64, tpu.core_type = #tpu.core_type<sc_vector_subcore>, window_params = [{transform_indices = #map}, {transform_indices = #map}]} {
    %mul3A = arith.constant 2 : i32
    %mul3A_0 = arith.muli %arg1, %mul3A : i32
    %add3A = arith.addi %mul3A_0, %arg0 : i32
    %mul3A_1 = arith.constant 1 : i32
    %mul3A_2 = arith.muli %add3A, %mul3A_1 : i32
    %iota3A = tpu.iota {dimensions = array<i32: 0>} : vector<16xi32>
    %broadcast_in_dim3A = arith.constant 0 : i32
    %broadcast_in_dim3A_3 = vector.broadcast %broadcast_in_dim3A : i32 to vector<16xi32>
    %broadcast_in_dim3A_4 = arith.constant 1 : i32
    %broadcast_in_dim3A_5 = vector.broadcast %broadcast_in_dim3A_4 : i32 to vector<16xi32>
    %add3A_6 = arith.constant 0 : i32
    %add3A_7 = arith.addi %mul3A_2, %add3A_6 : i32
    %dma_start3A = arith.constant 0 : i32
    %dma_start3A_8 = tpu.memref_slice %arg2[%add3A_7, %dma_start3A] : memref<32x32768xi32, #tpu.memory_space<hbm>> -> memref<1x8192xi32, #tpu.memory_space<hbm>>
    %dma_start3A_9 = tpu.memref_squeeze %dma_start3A_8 : memref<1x8192xi32, #tpu.memory_space<hbm>> -> memref<8192xi32, #tpu.memory_space<hbm>>
    %dma_start3A_10 = arith.constant 0 : i32
    %dma_start3A_11 = tpu.memref_slice %arg2[%add3A_7, %dma_start3A_10] : memref<32x32768xi32, #tpu.memory_space<hbm>> -> memref<1x8192xi32, #tpu.memory_space<hbm>>
    %dma_start3A_12 = tpu.memref_squeeze %dma_start3A_11 : memref<1x8192xi32, #tpu.memory_space<hbm>> -> memref<8192xi32, #tpu.memory_space<hbm>>
    tpu.enqueue_dma source(%dma_start3A_12 : memref<8192xi32, #tpu.memory_space<hbm>>) target(%arg5 : memref<8192xi32, #tpu.memory_space<vmem>>) target_semaphore(%arg7 : memref<!tpu.dma_semaphore, #tpu.memory_space<semaphore_mem>>)
    %parallel_loop3A = arith.constant 0 : i32
    %parallel_loop3A_13 = arith.constant 512 : i32
    %parallel_loop3A_14 = arith.constant 1 : i32
    scf.for %parallel_loop3A_23 = %parallel_loop3A to %parallel_loop3A_13 step %parallel_loop3A_14  : i32 {
      %parallel_loop3A_24 = arith.constant 16 : i32
      %parallel_loop3A_25 = arith.muli %parallel_loop3A_23, %parallel_loop3A_24 : i32
      %parallel_loop3A_26 = arith.index_cast %parallel_loop3A_25 : i32 to index
      %parallel_loop3A_27 = tpu.vector_load %arg4[%parallel_loop3A_26] {strides = array<i32>} : memref<8192xi32, #tpu.memory_space<vmem>>, vector<16xi32>,
      tpu.vector_store %arg4[%parallel_loop3A_26], %broadcast_in_dim3A_3 {strides = array<i32>} : memref<8192xi32, #tpu.memory_space<vmem>>, vector<16xi32>,
    } {sc.loop_unroll_factor = 8 : i64, sc.parallel_access}
    %scan3A = arith.constant 0 : i32
    %scan3A_15 = arith.constant 0 : i32
    %scan3A_16 = arith.constant 2 : i32
    %scan3A_17 = arith.addi %scan3A_15, %scan3A_16 : i32
    %scan3A_18 = arith.constant 1 : i32
    %scan3A_19 = scf.for %scan3A_23 = %scan3A_15 to %scan3A_17 step %scan3A_18 iter_args(%scan3A_24 = %scan3A) -> (i32)  : i32 {
      %mul3A_25 = arith.constant 2 : i32
      %mul3A_26 = arith.muli %scan3A_23, %mul3A_25 : i32
      %add3A_27 = arith.constant 1 : i32
      %add3A_28 = arith.addi %mul3A_26, %add3A_27 : i32
      %jit3A = arith.constant 4 : i32
      %div3A = arith.divsi %add3A_28, %jit3A : i32
      %sign3A = arith.constant 0 : i32
      %sign3A_29 = arith.cmpi sgt, %add3A_28, %sign3A : i32
      %sign3A_30 = arith.extui %sign3A_29 : i1 to i32
      %sign3A_31 = arith.constant 0 : i32
      %sign3A_32 = arith.cmpi slt, %add3A_28, %sign3A_31 : i32
      %sign3A_33 = arith.extui %sign3A_32 : i1 to i32
      %sign3A_34 = arith.subi %sign3A_30, %sign3A_33 : i32
      %sign3A_35 = arith.constant 0 : i32
      %sign3A_36 = arith.cmpi sgt, %jit3A, %sign3A_35 : i32
      %sign3A_37 = arith.extui %sign3A_36 : i1 to i32
      %sign3A_38 = arith.constant 0 : i32
      %sign3A_39 = arith.cmpi slt, %jit3A, %sign3A_38 : i32
      %sign3A_40 = arith.extui %sign3A_39 : i1 to i32
      %sign3A_41 = arith.subi %sign3A_37, %sign3A_40 : i32
      %ne3A = arith.cmpi ne, %sign3A_34, %sign3A_41 : i32
      %rem3A = arith.remsi %add3A_28, %jit3A : i32
      %ne3A_42 = arith.constant 0 : i32
      %ne3A_43 = arith.cmpi ne, %rem3A, %ne3A_42 : i32
      %and3A = arith.andi %ne3A, %ne3A_43 : i1
      %sub3A = arith.constant 1 : i32
      %sub3A_44 = arith.subi %div3A, %sub3A : i32
      %select_n3A = arith.select %and3A, %sub3A_44, %div3A : i32
      %add3A_45 = arith.addi %mul3A_2, %select_n3A : i32
      %jit3A_46 = arith.constant 4 : i32
      %eq3A = arith.constant 0 : i32
      %eq3A_47 = arith.cmpi eq, %jit3A_46, %eq3A : i32
      %jit3A_48 = arith.constant 1 : i32
      %select_n3A_49 = arith.select %eq3A_47, %jit3A_48, %jit3A_46 : i32
      %rem3A_50 = arith.remsi %add3A_28, %select_n3A_49 : i32
      %ne3A_51 = arith.constant 0 : i32
      %ne3A_52 = arith.cmpi ne, %rem3A_50, %ne3A_51 : i32
      %lt3A = arith.constant 0 : i32
      %lt3A_53 = arith.cmpi slt, %rem3A_50, %lt3A : i32
      %lt3A_54 = arith.constant 0 : i32
      %lt3A_55 = arith.cmpi slt, %select_n3A_49, %lt3A_54 : i32
      %ne3A_56 = arith.xori %lt3A_53, %lt3A_55 : i1
      %and3A_57 = arith.andi %ne3A_56, %ne3A_52 : i1
      %add3A_58 = arith.addi %rem3A_50, %select_n3A_49 : i32
      %select_n3A_59 = arith.select %and3A_57, %add3A_58, %rem3A_50 : i32
      %mul3A_60 = arith.constant 8192 : i32
      %mul3A_61 = arith.muli %select_n3A_59, %mul3A_60 : i32
      %dma_start3A_62 = tpu.memref_slice %arg2[%add3A_45, %mul3A_61] : memref<32x32768xi32, #tpu.memory_space<hbm>> -> memref<1x8192xi32, #tpu.memory_space<hbm>>
      %dma_start3A_63 = tpu.memref_squeeze %dma_start3A_62 : memref<1x8192xi32, #tpu.memory_space<hbm>> -> memref<8192xi32, #tpu.memory_space<hbm>>
      %dma_start3A_64 = tpu.memref_slice %arg2[%add3A_45, %mul3A_61] : memref<32x32768xi32, #tpu.memory_space<hbm>> -> memref<1x8192xi32, #tpu.memory_space<hbm>>
      %dma_start3A_65 = tpu.memref_squeeze %dma_start3A_64 : memref<1x8192xi32, #tpu.memory_space<hbm>> -> memref<8192xi32, #tpu.memory_space<hbm>>
      tpu.enqueue_dma source(%dma_start3A_65 : memref<8192xi32, #tpu.memory_space<hbm>>) target(%arg6 : memref<8192xi32, #tpu.memory_space<vmem>>) target_semaphore(%arg8 : memref<!tpu.dma_semaphore, #tpu.memory_space<semaphore_mem>>)
      %jit3A_66 = arith.constant 4 : i32
      %div3A_67 = arith.divsi %mul3A_26, %jit3A_66 : i32
      %sign3A_68 = arith.constant 0 : i32
      %sign3A_69 = arith.cmpi sgt, %mul3A_26, %sign3A_68 : i32
      %sign3A_70 = arith.extui %sign3A_69 : i1 to i32
      %sign3A_71 = arith.constant 0 : i32
      %sign3A_72 = arith.cmpi slt, %mul3A_26, %sign3A_71 : i32
      %sign3A_73 = arith.extui %sign3A_72 : i1 to i32
      %sign3A_74 = arith.subi %sign3A_70, %sign3A_73 : i32
      %sign3A_75 = arith.constant 0 : i32
      %sign3A_76 = arith.cmpi sgt, %jit3A_66, %sign3A_75 : i32
      %sign3A_77 = arith.extui %sign3A_76 : i1 to i32
      %sign3A_78 = arith.constant 0 : i32
      %sign3A_79 = arith.cmpi slt, %jit3A_66, %sign3A_78 : i32
      %sign3A_80 = arith.extui %sign3A_79 : i1 to i32
      %sign3A_81 = arith.subi %sign3A_77, %sign3A_80 : i32
      %ne3A_82 = arith.cmpi ne, %sign3A_74, %sign3A_81 : i32
      %rem3A_83 = arith.remsi %mul3A_26, %jit3A_66 : i32
      %ne3A_84 = arith.constant 0 : i32
      %ne3A_85 = arith.cmpi ne, %rem3A_83, %ne3A_84 : i32
      %and3A_86 = arith.andi %ne3A_82, %ne3A_85 : i1
      %sub3A_87 = arith.constant 1 : i32
      %sub3A_88 = arith.subi %div3A_67, %sub3A_87 : i32
      %select_n3A_89 = arith.select %and3A_86, %sub3A_88, %div3A_67 : i32
      %add3A_90 = arith.addi %mul3A_2, %select_n3A_89 : i32
      %jit3A_91 = arith.constant 4 : i32
      %eq3A_92 = arith.constant 0 : i32
      %eq3A_93 = arith.cmpi eq, %jit3A_91, %eq3A_92 : i32
      %jit3A_94 = arith.constant 1 : i32
      %select_n3A_95 = arith.select %eq3A_93, %jit3A_94, %jit3A_91 : i32
      %rem3A_96 = arith.remsi %mul3A_26, %select_n3A_95 : i32
      %ne3A_97 = arith.constant 0 : i32
      %ne3A_98 = arith.cmpi ne, %rem3A_96, %ne3A_97 : i32
      %lt3A_99 = arith.constant 0 : i32
      %lt3A_100 = arith.cmpi slt, %rem3A_96, %lt3A_99 : i32
      %lt3A_101 = arith.constant 0 : i32
      %lt3A_102 = arith.cmpi slt, %select_n3A_95, %lt3A_101 : i32
      %ne3A_103 = arith.xori %lt3A_100, %lt3A_102 : i1
      %and3A_104 = arith.andi %ne3A_103, %ne3A_98 : i1
      %add3A_105 = arith.addi %rem3A_96, %select_n3A_95 : i32
      %select_n3A_106 = arith.select %and3A_104, %add3A_105, %rem3A_96 : i32
      %mul3A_107 = arith.constant 8192 : i32
      %mul3A_108 = arith.muli %select_n3A_106, %mul3A_107 : i32
      %dma_wait3A = tpu.memref_slice %arg2[%add3A_90, %mul3A_108] : memref<32x32768xi32, #tpu.memory_space<hbm>> -> memref<1x8192xi32, #tpu.memory_space<hbm>>
      %dma_wait3A_109 = tpu.memref_squeeze %dma_wait3A : memref<1x8192xi32, #tpu.memory_space<hbm>> -> memref<8192xi32, #tpu.memory_space<hbm>>
      %dma_wait3A_110 = tpu.memref_slice %arg2[%add3A_90, %mul3A_108] : memref<32x32768xi32, #tpu.memory_space<hbm>> -> memref<1x8192xi32, #tpu.memory_space<hbm>>
      %dma_wait3A_111 = tpu.memref_squeeze %dma_wait3A_110 : memref<1x8192xi32, #tpu.memory_space<hbm>> -> memref<8192xi32, #tpu.memory_space<hbm>>
      tpu.wait_dma2 semaphore(%arg7 : memref<!tpu.dma_semaphore, #tpu.memory_space<semaphore_mem>>) src(%dma_wait3A_111 : memref<8192xi32, #tpu.memory_space<hbm>>) dst(%arg5 : memref<8192xi32, #tpu.memory_space<vmem>>)
      %mul3A_112 = arith.constant 512 : i32
      %mul3A_113 = vector.broadcast %mul3A_112 : i32 to vector<16xi32>
      %mul3A_114 = arith.muli %iota3A, %mul3A_113 : vector<16xi32>
      %jit3A_115 = arith.constant 4 : i32
      %div3A_116 = arith.divsi %mul3A_26, %jit3A_115 : i32
      %sign3A_117 = arith.constant 0 : i32
      %sign3A_118 = arith.cmpi sgt, %mul3A_26, %sign3A_117 : i32
      %sign3A_119 = arith.extui %sign3A_118 : i1 to i32
      %sign3A_120 = arith.constant 0 : i32
      %sign3A_121 = arith.cmpi slt, %mul3A_26, %sign3A_120 : i32
      %sign3A_122 = arith.extui %sign3A_121 : i1 to i32
      %sign3A_123 = arith.subi %sign3A_119, %sign3A_122 : i32
      %sign3A_124 = arith.constant 0 : i32
      %sign3A_125 = arith.cmpi sgt, %jit3A_115, %sign3A_124 : i32
      %sign3A_126 = arith.extui %sign3A_125 : i1 to i32
      %sign3A_127 = arith.constant 0 : i32
      %sign3A_128 = arith.cmpi slt, %jit3A_115, %sign3A_127 : i32
      %sign3A_129 = arith.extui %sign3A_128 : i1 to i32
      %sign3A_130 = arith.subi %sign3A_126, %sign3A_129 : i32
      %ne3A_131 = arith.cmpi ne, %sign3A_123, %sign3A_130 : i32
      %rem3A_132 = arith.remsi %mul3A_26, %jit3A_115 : i32
      %ne3A_133 = arith.constant 0 : i32
      %ne3A_134 = arith.cmpi ne, %rem3A_132, %ne3A_133 : i32
      %and3A_135 = arith.andi %ne3A_131, %ne3A_134 : i1
      %sub3A_136 = arith.constant 1 : i32
      %sub3A_137 = arith.subi %div3A_116, %sub3A_136 : i32
      %select_n3A_138 = arith.select %and3A_135, %sub3A_137, %div3A_116 : i32
      %mul3A_139 = arith.constant 8192 : i32
      %mul3A_140 = arith.muli %select_n3A_138, %mul3A_139 : i32
      %add3A_141 = vector.broadcast %mul3A_140 : i32 to vector<16xi32>
      %add3A_142 = arith.addi %mul3A_114, %add3A_141 : vector<16xi32>
      %parallel_loop3A_143 = arith.constant 0 : i32
      %parallel_loop3A_144 = arith.constant 512 : i32
      %parallel_loop3A_145 = arith.constant 1 : i32
      scf.for %parallel_loop3A_235 = %parallel_loop3A_143 to %parallel_loop3A_144 step %parallel_loop3A_145  : i32 {
        %parallel_loop3A_236 = arith.constant 16 : i32
        %parallel_loop3A_237 = arith.muli %parallel_loop3A_235, %parallel_loop3A_236 : i32
        %parallel_loop3A_238 = arith.index_cast %parallel_loop3A_237 : i32 to index
        %parallel_loop3A_239 = tpu.vector_load %arg5[%parallel_loop3A_238] {strides = array<i32>} : memref<8192xi32, #tpu.memory_space<vmem>>, vector<16xi32>,
        %parallel_loop3A_240 = arith.addi %add3A_142, %parallel_loop3A_239 : vector<16xi32>
        tpu.vector_store_idx %arg4[%parallel_loop3A_240], %broadcast_in_dim3A_5 {add = true} : memref<8192xi32, #tpu.memory_space<vmem>>[vector<16xi32>], vector<16xi32>,
      } {sc.loop_unroll_factor = 8 : i64, sc.parallel_access}
      %lt3A_146 = arith.constant 1 : i32
      %lt3A_147 = arith.cmpi slt, %scan3A_23, %lt3A_146 : i32
      %convert_element_type3A = arith.extui %lt3A_147 : i1 to i32
      %cond3A = arith.constant 0 : i32
      %cond3A_148 = arith.cmpi ne, %convert_element_type3A, %cond3A : i32
      scf.if %cond3A_148 {
        %add3A_235 = arith.constant 2 : i32
        %add3A_236 = arith.addi %mul3A_26, %add3A_235 : i32
        %jit3A_237 = arith.constant 4 : i32
        %div3A_238 = arith.divsi %add3A_236, %jit3A_237 : i32
        %sign3A_239 = arith.constant 0 : i32
        %sign3A_240 = arith.cmpi sgt, %add3A_236, %sign3A_239 : i32
        %sign3A_241 = arith.extui %sign3A_240 : i1 to i32
        %sign3A_242 = arith.constant 0 : i32
        %sign3A_243 = arith.cmpi slt, %add3A_236, %sign3A_242 : i32
        %sign3A_244 = arith.extui %sign3A_243 : i1 to i32
        %sign3A_245 = arith.subi %sign3A_241, %sign3A_244 : i32
        %sign3A_246 = arith.constant 0 : i32
        %sign3A_247 = arith.cmpi sgt, %jit3A_237, %sign3A_246 : i32
        %sign3A_248 = arith.extui %sign3A_247 : i1 to i32
        %sign3A_249 = arith.constant 0 : i32
        %sign3A_250 = arith.cmpi slt, %jit3A_237, %sign3A_249 : i32
        %sign3A_251 = arith.extui %sign3A_250 : i1 to i32
        %sign3A_252 = arith.subi %sign3A_248, %sign3A_251 : i32
        %ne3A_253 = arith.cmpi ne, %sign3A_245, %sign3A_252 : i32
        %rem3A_254 = arith.remsi %add3A_236, %jit3A_237 : i32
        %ne3A_255 = arith.constant 0 : i32
        %ne3A_256 = arith.cmpi ne, %rem3A_254, %ne3A_255 : i32
        %and3A_257 = arith.andi %ne3A_253, %ne3A_256 : i1
        %sub3A_258 = arith.constant 1 : i32
        %sub3A_259 = arith.subi %div3A_238, %sub3A_258 : i32
        %select_n3A_260 = arith.select %and3A_257, %sub3A_259, %div3A_238 : i32
        %add3A_261 = arith.addi %mul3A_2, %select_n3A_260 : i32
        %jit3A_262 = arith.constant 4 : i32
        %eq3A_263 = arith.constant 0 : i32
        %eq3A_264 = arith.cmpi eq, %jit3A_262, %eq3A_263 : i32
        %jit3A_265 = arith.constant 1 : i32
        %select_n3A_266 = arith.select %eq3A_264, %jit3A_265, %jit3A_262 : i32
        %rem3A_267 = arith.remsi %add3A_236, %select_n3A_266 : i32
        %ne3A_268 = arith.constant 0 : i32
        %ne3A_269 = arith.cmpi ne, %rem3A_267, %ne3A_268 : i32
        %lt3A_270 = arith.constant 0 : i32
        %lt3A_271 = arith.cmpi slt, %rem3A_267, %lt3A_270 : i32
        %lt3A_272 = arith.constant 0 : i32
        %lt3A_273 = arith.cmpi slt, %select_n3A_266, %lt3A_272 : i32
        %ne3A_274 = arith.xori %lt3A_271, %lt3A_273 : i1
        %and3A_275 = arith.andi %ne3A_274, %ne3A_269 : i1
        %add3A_276 = arith.addi %rem3A_267, %select_n3A_266 : i32
        %select_n3A_277 = arith.select %and3A_275, %add3A_276, %rem3A_267 : i32
        %mul3A_278 = arith.constant 8192 : i32
        %mul3A_279 = arith.muli %select_n3A_277, %mul3A_278 : i32
        %dma_start3A_280 = tpu.memref_slice %arg2[%add3A_261, %mul3A_279] : memref<32x32768xi32, #tpu.memory_space<hbm>> -> memref<1x8192xi32, #tpu.memory_space<hbm>>
        %dma_start3A_281 = tpu.memref_squeeze %dma_start3A_280 : memref<1x8192xi32, #tpu.memory_space<hbm>> -> memref<8192xi32, #tpu.memory_space<hbm>>
        %dma_start3A_282 = tpu.memref_slice %arg2[%add3A_261, %mul3A_279] : memref<32x32768xi32, #tpu.memory_space<hbm>> -> memref<1x8192xi32, #tpu.memory_space<hbm>>
        %dma_start3A_283 = tpu.memref_squeeze %dma_start3A_282 : memref<1x8192xi32, #tpu.memory_space<hbm>> -> memref<8192xi32, #tpu.memory_space<hbm>>
        tpu.enqueue_dma source(%dma_start3A_283 : memref<8192xi32, #tpu.memory_space<hbm>>) target(%arg5 : memref<8192xi32, #tpu.memory_space<vmem>>) target_semaphore(%arg7 : memref<!tpu.dma_semaphore, #tpu.memory_space<semaphore_mem>>)
      } else {
      }
      %add3A_149 = arith.constant 1 : i32
      %add3A_150 = arith.addi %mul3A_26, %add3A_149 : i32
      %jit3A_151 = arith.constant 4 : i32
      %div3A_152 = arith.divsi %add3A_150, %jit3A_151 : i32
      %sign3A_153 = arith.constant 0 : i32
      %sign3A_154 = arith.cmpi sgt, %add3A_150, %sign3A_153 : i32
      %sign3A_155 = arith.extui %sign3A_154 : i1 to i32
      %sign3A_156 = arith.constant 0 : i32
      %sign3A_157 = arith.cmpi slt, %add3A_150, %sign3A_156 : i32
      %sign3A_158 = arith.extui %sign3A_157 : i1 to i32
      %sign3A_159 = arith.subi %sign3A_155, %sign3A_158 : i32
      %sign3A_160 = arith.constant 0 : i32
      %sign3A_161 = arith.cmpi sgt, %jit3A_151, %sign3A_160 : i32
      %sign3A_162 = arith.extui %sign3A_161 : i1 to i32
      %sign3A_163 = arith.constant 0 : i32
      %sign3A_164 = arith.cmpi slt, %jit3A_151, %sign3A_163 : i32
      %sign3A_165 = arith.extui %sign3A_164 : i1 to i32
      %sign3A_166 = arith.subi %sign3A_162, %sign3A_165 : i32
      %ne3A_167 = arith.cmpi ne, %sign3A_159, %sign3A_166 : i32
      %rem3A_168 = arith.remsi %add3A_150, %jit3A_151 : i32
      %ne3A_169 = arith.constant 0 : i32
      %ne3A_170 = arith.cmpi ne, %rem3A_168, %ne3A_169 : i32
      %and3A_171 = arith.andi %ne3A_167, %ne3A_170 : i1
      %sub3A_172 = arith.constant 1 : i32
      %sub3A_173 = arith.subi %div3A_152, %sub3A_172 : i32
      %select_n3A_174 = arith.select %and3A_171, %sub3A_173, %div3A_152 : i32
      %add3A_175 = arith.addi %mul3A_2, %select_n3A_174 : i32
      %jit3A_176 = arith.constant 4 : i32
      %eq3A_177 = arith.constant 0 : i32
      %eq3A_178 = arith.cmpi eq, %jit3A_176, %eq3A_177 : i32
      %jit3A_179 = arith.constant 1 : i32
      %select_n3A_180 = arith.select %eq3A_178, %jit3A_179, %jit3A_176 : i32
      %rem3A_181 = arith.remsi %add3A_150, %select_n3A_180 : i32
      %ne3A_182 = arith.constant 0 : i32
      %ne3A_183 = arith.cmpi ne, %rem3A_181, %ne3A_182 : i32
      %lt3A_184 = arith.constant 0 : i32
      %lt3A_185 = arith.cmpi slt, %rem3A_181, %lt3A_184 : i32
      %lt3A_186 = arith.constant 0 : i32
      %lt3A_187 = arith.cmpi slt, %select_n3A_180, %lt3A_186 : i32
      %ne3A_188 = arith.xori %lt3A_185, %lt3A_187 : i1
      %and3A_189 = arith.andi %ne3A_188, %ne3A_183 : i1
      %add3A_190 = arith.addi %rem3A_181, %select_n3A_180 : i32
      %select_n3A_191 = arith.select %and3A_189, %add3A_190, %rem3A_181 : i32
      %mul3A_192 = arith.constant 8192 : i32
      %mul3A_193 = arith.muli %select_n3A_191, %mul3A_192 : i32
      %dma_wait3A_194 = tpu.memref_slice %arg2[%add3A_175, %mul3A_193] : memref<32x32768xi32, #tpu.memory_space<hbm>> -> memref<1x8192xi32, #tpu.memory_space<hbm>>
      %dma_wait3A_195 = tpu.memref_squeeze %dma_wait3A_194 : memref<1x8192xi32, #tpu.memory_space<hbm>> -> memref<8192xi32, #tpu.memory_space<hbm>>
      %dma_wait3A_196 = tpu.memref_slice %arg2[%add3A_175, %mul3A_193] : memref<32x32768xi32, #tpu.memory_space<hbm>> -> memref<1x8192xi32, #tpu.memory_space<hbm>>
      %dma_wait3A_197 = tpu.memref_squeeze %dma_wait3A_196 : memref<1x8192xi32, #tpu.memory_space<hbm>> -> memref<8192xi32, #tpu.memory_space<hbm>>
      tpu.wait_dma2 semaphore(%arg8 : memref<!tpu.dma_semaphore, #tpu.memory_space<semaphore_mem>>) src(%dma_wait3A_197 : memref<8192xi32, #tpu.memory_space<hbm>>) dst(%arg6 : memref<8192xi32, #tpu.memory_space<vmem>>)
      %add3A_198 = arith.constant 1 : i32
      %add3A_199 = arith.addi %mul3A_26, %add3A_198 : i32
      %mul3A_200 = arith.constant 512 : i32
      %mul3A_201 = vector.broadcast %mul3A_200 : i32 to vector<16xi32>
      %mul3A_202 = arith.muli %iota3A, %mul3A_201 : vector<16xi32>
      %jit3A_203 = arith.constant 4 : i32
      %div3A_204 = arith.divsi %add3A_199, %jit3A_203 : i32
      %sign3A_205 = arith.constant 0 : i32
      %sign3A_206 = arith.cmpi sgt, %add3A_199, %sign3A_205 : i32
      %sign3A_207 = arith.extui %sign3A_206 : i1 to i32
      %sign3A_208 = arith.constant 0 : i32
      %sign3A_209 = arith.cmpi slt, %add3A_199, %sign3A_208 : i32
      %sign3A_210 = arith.extui %sign3A_209 : i1 to i32
      %sign3A_211 = arith.subi %sign3A_207, %sign3A_210 : i32
      %sign3A_212 = arith.constant 0 : i32
      %sign3A_213 = arith.cmpi sgt, %jit3A_203, %sign3A_212 : i32
      %sign3A_214 = arith.extui %sign3A_213 : i1 to i32
      %sign3A_215 = arith.constant 0 : i32
      %sign3A_216 = arith.cmpi slt, %jit3A_203, %sign3A_215 : i32
      %sign3A_217 = arith.extui %sign3A_216 : i1 to i32
      %sign3A_218 = arith.subi %sign3A_214, %sign3A_217 : i32
      %ne3A_219 = arith.cmpi ne, %sign3A_211, %sign3A_218 : i32
      %rem3A_220 = arith.remsi %add3A_199, %jit3A_203 : i32
      %ne3A_221 = arith.constant 0 : i32
      %ne3A_222 = arith.cmpi ne, %rem3A_220, %ne3A_221 : i32
      %and3A_223 = arith.andi %ne3A_219, %ne3A_222 : i1
      %sub3A_224 = arith.constant 1 : i32
      %sub3A_225 = arith.subi %div3A_204, %sub3A_224 : i32
      %select_n3A_226 = arith.select %and3A_223, %sub3A_225, %div3A_204 : i32
      %mul3A_227 = arith.constant 8192 : i32
      %mul3A_228 = arith.muli %select_n3A_226, %mul3A_227 : i32
      %add3A_229 = vector.broadcast %mul3A_228 : i32 to vector<16xi32>
      %add3A_230 = arith.addi %mul3A_202, %add3A_229 : vector<16xi32>
      %parallel_loop3A_231 = arith.constant 0 : i32
      %parallel_loop3A_232 = arith.constant 512 : i32
      %parallel_loop3A_233 = arith.constant 1 : i32
      scf.for %parallel_loop3A_235 = %parallel_loop3A_231 to %parallel_loop3A_232 step %parallel_loop3A_233  : i32 {
        %parallel_loop3A_236 = arith.constant 16 : i32
        %parallel_loop3A_237 = arith.muli %parallel_loop3A_235, %parallel_loop3A_236 : i32
        %parallel_loop3A_238 = arith.index_cast %parallel_loop3A_237 : i32 to index
        %parallel_loop3A_239 = tpu.vector_load %arg6[%parallel_loop3A_238] {strides = array<i32>} : memref<8192xi32, #tpu.memory_space<vmem>>, vector<16xi32>,
        %parallel_loop3A_240 = arith.addi %add3A_230, %parallel_loop3A_239 : vector<16xi32>
        tpu.vector_store_idx %arg4[%parallel_loop3A_240], %broadcast_in_dim3A_5 {add = true} : memref<8192xi32, #tpu.memory_space<vmem>>[vector<16xi32>], vector<16xi32>,
      } {sc.loop_unroll_factor = 8 : i64, sc.parallel_access}
      %scan3A_234 = arith.constant 0 : i32
      scf.yield %scan3A_234 : i32
    }
    %scan3A_20 = arith.constant 2 : i32
    %add3A_21 = arith.constant 0 : i32
    %add3A_22 = arith.addi %mul3A_2, %add3A_21 : i32
    "tpu.region"() ({
      %run_scoped3A = tpu.sem_alloc : memref<!tpu.dma_semaphore, #tpu.memory_space<semaphore_mem>>
      %dma_start3A_23 = arith.constant 0 : i32
      %dma_start3A_24 = tpu.memref_slice %arg4[%dma_start3A_23] : memref<8192xi32, #tpu.memory_space<vmem>> -> memref<8192xi32, #tpu.memory_space<vmem>>
      %dma_start3A_25 = arith.constant 0 : i32
      %dma_start3A_26 = tpu.memref_slice %arg3[%add3A_22, %dma_start3A_25] : memref<32x8192xi32, #tpu.memory_space<hbm>> -> memref<1x8192xi32, #tpu.memory_space<hbm>>
      %dma_start3A_27 = tpu.memref_squeeze %dma_start3A_26 : memref<1x8192xi32, #tpu.memory_space<hbm>> -> memref<8192xi32, #tpu.memory_space<hbm>>
      %dma_start3A_28 = arith.constant 0 : i32
      %dma_start3A_29 = tpu.memref_slice %arg3[%add3A_22, %dma_start3A_28] : memref<32x8192xi32, #tpu.memory_space<hbm>> -> memref<1x8192xi32, #tpu.memory_space<hbm>>
      %dma_start3A_30 = tpu.memref_squeeze %dma_start3A_29 : memref<1x8192xi32, #tpu.memory_space<hbm>> -> memref<8192xi32, #tpu.memory_space<hbm>>
      %dma_start3A_31 = arith.constant 0 : i32
      %dma_start3A_32 = tpu.memref_slice %arg4[%dma_start3A_31] : memref<8192xi32, #tpu.memory_space<vmem>> -> memref<8192xi32, #tpu.memory_space<vmem>>
      tpu.enqueue_dma source(%dma_start3A_32 : memref<8192xi32, #tpu.memory_space<vmem>>) target(%dma_start3A_30 : memref<8192xi32, #tpu.memory_space<hbm>>) target_semaphore(%run_scoped3A : memref<!tpu.dma_semaphore, #tpu.memory_space<semaphore_mem>>)
      %dma_wait3A = arith.constant 0 : i32
      %dma_wait3A_33 = tpu.memref_slice %arg4[%dma_wait3A] : memref<8192xi32, #tpu.memory_space<vmem>> -> memref<8192xi32, #tpu.memory_space<vmem>>
      %dma_wait3A_34 = arith.constant 0 : i32
      %dma_wait3A_35 = tpu.memref_slice %arg3[%add3A_22, %dma_wait3A_34] : memref<32x8192xi32, #tpu.memory_space<hbm>> -> memref<1x8192xi32, #tpu.memory_space<hbm>>
      %dma_wait3A_36 = tpu.memref_squeeze %dma_wait3A_35 : memref<1x8192xi32, #tpu.memory_space<hbm>> -> memref<8192xi32, #tpu.memory_space<hbm>>
      %dma_wait3A_37 = arith.constant 0 : i32
      %dma_wait3A_38 = tpu.memref_slice %arg3[%add3A_22, %dma_wait3A_37] : memref<32x8192xi32, #tpu.memory_space<hbm>> -> memref<1x8192xi32, #tpu.memory_space<hbm>>
      %dma_wait3A_39 = tpu.memref_squeeze %dma_wait3A_38 : memref<1x8192xi32, #tpu.memory_space<hbm>> -> memref<8192xi32, #tpu.memory_space<hbm>>
      %dma_wait3A_40 = arith.constant 0 : i32
      %dma_wait3A_41 = tpu.memref_slice %arg4[%dma_wait3A_40] : memref<8192xi32, #tpu.memory_space<vmem>> -> memref<8192xi32, #tpu.memory_space<vmem>>
      tpu.wait_dma2 semaphore(%run_scoped3A : memref<!tpu.dma_semaphore, #tpu.memory_space<semaphore_mem>>) src(%dma_wait3A_41 : memref<8192xi32, #tpu.memory_space<vmem>>) dst(%dma_wait3A_39 : memref<8192xi32, #tpu.memory_space<hbm>>)
      tpu.yield
    }) : () -> ()
    return
  }
}

module attributes {stable_mosaic.version = 14 : i64} {
  func.func @_tc1_body(%arg0: i32, %arg1: i32, %arg2: memref<1x32x8192xf32, #tpu.memory_space<vmem>>, %arg3: memref<1x32x8192xf32, #tpu.memory_space<vmem>>, %arg4: memref<32x8192xi32, #tpu.memory_space<vmem>>, %arg5: memref<8x128xf32, #tpu.memory_space<vmem>>, %arg6: memref<8x128xf32, #tpu.memory_space<vmem>>) attributes {dimension_semantics = [#tpu.dimension_semantics<arbitrary>, #tpu.dimension_semantics<arbitrary>], iteration_bounds = array<i64: 1, 4>, scalar_prefetch = 0 : i64, scratch_operands = 1 : i64, tpu.core_type = #tpu.core_type<tc>, window_params = [{transform_indices = @transform_0, window_bounds = array<i64: 1, 32, 8192>}, {transform_indices = @transform_1, window_bounds = array<i64: 1, 32, 8192>}, {transform_indices = @transform_2, window_bounds = array<i64: 32, 8192>}, {pipeline_mode = #tpu.pipeline_mode<synchronous>, transform_indices = @transform_3, window_bounds = array<i64: 8, 128>}]} {
    %get3A = arith.constant 0 : index
    %get3A_0 = arith.constant 0 : index
    %get3A_1 = arith.constant 0 : index
    %get3A_2 = vector.load %arg2[%get3A, %get3A_0, %get3A_1] : memref<1x32x8192xf32, #tpu.memory_space<vmem>>, vector<1x32x8192xf32>
    %get3A_3 = arith.constant 0 : index
    %get3A_4 = arith.constant 0 : index
    %get3A_5 = arith.constant 0 : index
    %get3A_6 = vector.load %arg3[%get3A_3, %get3A_4, %get3A_5] : memref<1x32x8192xf32, #tpu.memory_space<vmem>>, vector<1x32x8192xf32>
    %exp3A = math.exp %get3A_2 : vector<1x32x8192xf32>
    %reduce_sum3A = arith.constant dense<0.000000e+00> : vector<1x8192xf32>
    %reduce_sum3A_7 = vector.multi_reduction <add>, %exp3A, %reduce_sum3A [1] : vector<1x32x8192xf32> to vector<1x8192xf32>
    %broadcast_in_dim3A = vector.shape_cast %reduce_sum3A_7 : vector<1x8192xf32> to vector<1x1x8192xf32>
    %div3A = vector.broadcast %broadcast_in_dim3A : vector<1x1x8192xf32> to vector<1x32x8192xf32>
    %div3A_8 = arith.divf %exp3A, %div3A : vector<1x32x8192xf32>
    %log3A = math.log %broadcast_in_dim3A : vector<1x1x8192xf32>
    %sub3A = vector.broadcast %log3A : vector<1x1x8192xf32> to vector<1x32x8192xf32>
    %sub3A_9 = arith.subf %get3A_2, %sub3A : vector<1x32x8192xf32>
    %iota3A = tpu.iota {dimensions = array<i32: 1>} : vector<1x32x8192xi32>
    %reduce_max3A = arith.constant dense<0xFF800000> : vector<1x8192xf32>
    %reduce_max3A_10 = vector.multi_reduction <maximumf>, %get3A_6, %reduce_max3A [1] : vector<1x32x8192xf32> to vector<1x8192xf32>
    %broadcast_in_dim3A_11 = vector.shape_cast %reduce_max3A_10 : vector<1x8192xf32> to vector<1x1x8192xf32>
    %eq3A = vector.broadcast %broadcast_in_dim3A_11 : vector<1x1x8192xf32> to vector<1x32x8192xf32>
    %eq3A_12 = arith.cmpf oeq, %get3A_6, %eq3A : vector<1x32x8192xf32>
    %jit3A = arith.constant 64 : i32
    %broadcast_in_dim3A_13 = vector.broadcast %jit3A : i32 to vector<1x32x8192xi32>
    %select_n3A = arith.select %eq3A_12, %iota3A, %broadcast_in_dim3A_13 : vector<1x32x8192xi1>, vector<1x32x8192xi32>
    %reduce_min3A = arith.constant dense<2147483647> : vector<1x8192xi32>
    %reduce_min3A_14 = vector.multi_reduction <minsi>, %select_n3A, %reduce_min3A [1] : vector<1x32x8192xi32> to vector<1x8192xi32>
    %broadcast_in_dim3A_15 = vector.shape_cast %reduce_min3A_14 : vector<1x8192xi32> to vector<1x1x8192xi32>
    %ne3A = arith.constant 0 : i32
    %ne3A_16 = vector.broadcast %ne3A : i32 to vector<1x1x8192xi32>
    %ne3A_17 = arith.cmpi ne, %broadcast_in_dim3A_15, %ne3A_16 : vector<1x1x8192xi32>
    %convert_element_type3A = arith.extui %ne3A_17 : vector<1x1x8192xi1> to vector<1x1x8192xi32>
    %convert_element_type3A_18 = arith.sitofp %convert_element_type3A : vector<1x1x8192xi32> to vector<1x1x8192xf32>
    %eq3A_19 = vector.broadcast %broadcast_in_dim3A_15 : vector<1x1x8192xi32> to vector<1x32x8192xi32>
    %eq3A_20 = arith.cmpi eq, %iota3A, %eq3A_19 : vector<1x32x8192xi32>
    %and3A = vector.broadcast %ne3A_17 : vector<1x1x8192xi1> to vector<1x32x8192xi1>
    %and3A_21 = arith.andi %eq3A_20, %and3A : vector<1x32x8192xi1>
    %jit3A_22 = arith.constant 1.000000e+00 : f32
    %jit3A_23 = arith.constant 0.000000e+00 : f32
    %broadcast_in_dim3A_24 = vector.broadcast %jit3A_22 : f32 to vector<1x32x8192xf32>
    %broadcast_in_dim3A_25 = vector.broadcast %jit3A_23 : f32 to vector<1x32x8192xf32>
    %select_n3A_26 = arith.select %and3A_21, %broadcast_in_dim3A_24, %broadcast_in_dim3A_25 : vector<1x32x8192xi1>, vector<1x32x8192xf32>
    %sub3A_27 = arith.subf %select_n3A_26, %div3A_8 : vector<1x32x8192xf32>
    %abs3A = math.absf %sub3A_27 : vector<1x32x8192xf32>
    %mul3A = vector.broadcast %convert_element_type3A_18 : vector<1x1x8192xf32> to vector<1x32x8192xf32>
    %mul3A_28 = arith.mulf %abs3A, %mul3A : vector<1x32x8192xf32>
    %mul3A_29 = arith.constant 2.560000e+02 : f32
    %mul3A_30 = vector.broadcast %mul3A_29 : f32 to vector<1x32x8192xf32>
    %mul3A_31 = arith.mulf %mul3A_28, %mul3A_30 : vector<1x32x8192xf32>
    %lt3A = arith.constant 0.000000e+00 : f32
    %lt3A_32 = vector.broadcast %lt3A : f32 to vector<1x32x8192xf32>
    %lt3A_33 = arith.cmpf olt, %mul3A_31, %lt3A_32 : vector<1x32x8192xf32>
    %ceil3A = math.ceil %mul3A_31 : vector<1x32x8192xf32>
    %floor3A = math.floor %mul3A_31 : vector<1x32x8192xf32>
    %select_n3A_34 = arith.select %lt3A_33, %ceil3A, %floor3A : vector<1x32x8192xi1>, vector<1x32x8192xf32>
    %min3A = arith.constant 2.550000e+02 : f32
    %min3A_35 = vector.broadcast %min3A : f32 to vector<1x32x8192xf32>
    %min3A_36 = arith.minimumf %select_n3A_34, %min3A_35 : vector<1x32x8192xf32>
    %add3A = arith.addf %min3A_36, %min3A_36 : vector<1x32x8192xf32>
    %add3A_37 = arith.addf %add3A, %select_n3A_26 : vector<1x32x8192xf32>
    %convert_element_type3A_38 = arith.fptosi %add3A_37 : vector<1x32x8192xf32> to vector<1x32x8192xi32>
    %reshape3A = vector.shape_cast %convert_element_type3A_38 : vector<1x32x8192xi32> to vector<32x8192xi32>
    %swap3A = arith.constant 0 : index
    %swap3A_39 = arith.constant 0 : index
    %swap3A_40 = vector.load %arg4[%swap3A, %swap3A_39] : memref<32x8192xi32, #tpu.memory_space<vmem>>, vector<32x8192xi32>
    tpu.vector_store %arg4[%swap3A, %swap3A_39], %reshape3A {strides = array<i32>} : memref<32x8192xi32, #tpu.memory_space<vmem>>, vector<32x8192xi32>,
    %sub3A_41 = arith.constant 1.000000e+00 : f32
    %sub3A_42 = vector.broadcast %sub3A_41 : f32 to vector<1x32x8192xf32>
    %sub3A_43 = arith.subf %sub3A_42, %div3A_8 : vector<1x32x8192xf32>
    %convert_element_type3A_44 = arith.truncf %sub3A_43 : vector<1x32x8192xf32> to vector<1x32x8192xbf16>
    %convert_element_type3A_45 = arith.truncf %div3A_8 : vector<1x32x8192xf32> to vector<1x32x8192xbf16>
    %convert_element_type3A_46 = arith.truncf %get3A_6 : vector<1x32x8192xf32> to vector<1x32x8192xbf16>
    %mul3A_47 = arith.mulf %convert_element_type3A_44, %convert_element_type3A_44 : vector<1x32x8192xbf16>
    %convert_element_type3A_48 = arith.truncf %sub3A_9 : vector<1x32x8192xf32> to vector<1x32x8192xbf16>
    %mul3A_49 = arith.mulf %mul3A_47, %convert_element_type3A_48 : vector<1x32x8192xbf16>
    %mul3A_50 = arith.mulf %convert_element_type3A_45, %convert_element_type3A_45 : vector<1x32x8192xbf16>
    %add3A_51 = arith.constant 9.99999993E-9 : f32
    %add3A_52 = vector.broadcast %add3A_51 : f32 to vector<1x32x8192xf32>
    %add3A_53 = arith.addf %sub3A_43, %add3A_52 : vector<1x32x8192xf32>
    %log3A_54 = math.log %add3A_53 : vector<1x32x8192xf32>
    %convert_element_type3A_55 = arith.truncf %log3A_54 : vector<1x32x8192xf32> to vector<1x32x8192xbf16>
    %mul3A_56 = arith.mulf %mul3A_50, %convert_element_type3A_55 : vector<1x32x8192xbf16>
    %mul3A_57 = arith.constant 3.000000e+00 : bf16
    %mul3A_58 = vector.broadcast %mul3A_57 : bf16 to vector<1x32x8192xbf16>
    %mul3A_59 = arith.mulf %mul3A_58, %mul3A_49 : vector<1x32x8192xbf16>
    %sub3A_60 = arith.subf %mul3A_59, %mul3A_56 : vector<1x32x8192xbf16>
    %mul3A_61 = arith.mulf %sub3A_60, %convert_element_type3A_46 : vector<1x32x8192xbf16>
    %add3A_62 = arith.addf %mul3A_56, %mul3A_61 : vector<1x32x8192xbf16>
    %convert_element_type3A_63 = arith.extf %add3A_62 : vector<1x32x8192xbf16> to vector<1x32x8192xf32>
    %reduce_sum3A_64 = arith.constant dense<0.000000e+00> : vector<1x8192xf32>
    %reduce_sum3A_65 = vector.multi_reduction <add>, %convert_element_type3A_63, %reduce_sum3A_64 [1] : vector<1x32x8192xf32> to vector<1x8192xf32>
    %broadcast_in_dim3A_66 = vector.shape_cast %reduce_sum3A_65 : vector<1x8192xf32> to vector<1x1x8192xf32>
    %mul3A_67 = arith.mulf %broadcast_in_dim3A_66, %convert_element_type3A_18 : vector<1x1x8192xf32>
    %reduce_sum3A_68 = vector.shape_cast %mul3A_67 : vector<1x1x8192xf32> to vector<1x1x1x8192xf32>
    %reduce_sum3A_69 = arith.constant dense<0.000000e+00> : vector<1xf32>
    %reduce_sum3A_70 = vector.multi_reduction <add>, %reduce_sum3A_68, %reduce_sum3A_69 [1, 2, 3] : vector<1x1x1x8192xf32> to vector<1xf32>
    %reduce_sum3A_71 = vector.shape_cast %reduce_sum3A_70 : vector<1xf32> to vector<1x1x1x1xf32>
    %reduce_sum3A_72 = vector.extract %reduce_sum3A_71[0, 0, 0, 0] : f32 from vector<1x1x1x1xf32>
    %mul3A_73 = arith.constant -2.500000e-01 : f32
    %mul3A_74 = arith.mulf %mul3A_73, %reduce_sum3A_72 : f32
    %reduce_sum3A_75 = vector.shape_cast %convert_element_type3A_18 : vector<1x1x8192xf32> to vector<1x1x1x8192xf32>
    %reduce_sum3A_76 = arith.constant dense<0.000000e+00> : vector<1xf32>
    %reduce_sum3A_77 = vector.multi_reduction <add>, %reduce_sum3A_75, %reduce_sum3A_76 [1, 2, 3] : vector<1x1x1x8192xf32> to vector<1xf32>
    %reduce_sum3A_78 = vector.shape_cast %reduce_sum3A_77 : vector<1xf32> to vector<1x1x1x1xf32>
    %reduce_sum3A_79 = vector.extract %reduce_sum3A_78[0, 0, 0, 0] : f32 from vector<1x1x1x1xf32>
    %iota3A_80 = tpu.iota {dimensions = array<i32: 1>} : vector<8x128xi32>
    %eq3A_81 = arith.constant 0 : i32
    %eq3A_82 = vector.broadcast %eq3A_81 : i32 to vector<8x128xi32>
    %eq3A_83 = arith.cmpi eq, %iota3A_80, %eq3A_82 : vector<8x128xi32>
    %jit3A_84 = arith.constant 0.000000e+00 : f32
    %broadcast_in_dim3A_85 = vector.broadcast %mul3A_74 : f32 to vector<8x128xf32>
    %broadcast_in_dim3A_86 = vector.broadcast %jit3A_84 : f32 to vector<8x128xf32>
    %select_n3A_87 = arith.select %eq3A_83, %broadcast_in_dim3A_85, %broadcast_in_dim3A_86 : vector<8x128xi1>, vector<8x128xf32>
    %eq3A_88 = arith.constant 1 : i32
    %eq3A_89 = vector.broadcast %eq3A_88 : i32 to vector<8x128xi32>
    %eq3A_90 = arith.cmpi eq, %iota3A_80, %eq3A_89 : vector<8x128xi32>
    %jit3A_91 = arith.constant 0.000000e+00 : f32
    %broadcast_in_dim3A_92 = vector.broadcast %reduce_sum3A_79 : f32 to vector<8x128xf32>
    %broadcast_in_dim3A_93 = vector.broadcast %jit3A_91 : f32 to vector<8x128xf32>
    %select_n3A_94 = arith.select %eq3A_90, %broadcast_in_dim3A_92, %broadcast_in_dim3A_93 : vector<8x128xi1>, vector<8x128xf32>
    %add3A_95 = arith.addf %select_n3A_87, %select_n3A_94 : vector<8x128xf32>
    %eq3A_96 = arith.constant 0 : i32
    %eq3A_97 = arith.cmpi eq, %arg0, %eq3A_96 : i32
    %eq3A_98 = arith.constant 0 : i32
    %eq3A_99 = arith.cmpi eq, %arg1, %eq3A_98 : i32
    %and3A_100 = arith.andi %eq3A_97, %eq3A_99 : i1
    %convert_element_type3A_101 = arith.extui %and3A_100 : i1 to i32
    %cond3A = arith.constant 0 : i32
    %cond3A_102 = arith.cmpi ne, %convert_element_type3A_101, %cond3A : i32
    scf.if %cond3A_102 {
      %swap3A_115 = arith.constant 0 : index
      %swap3A_116 = arith.constant 0 : index
      %swap3A_117 = vector.load %arg6[%swap3A_115, %swap3A_116] : memref<8x128xf32, #tpu.memory_space<vmem>>, vector<8x128xf32>
      tpu.vector_store %arg6[%swap3A_115, %swap3A_116], %add3A_95 {strides = array<i32>} : memref<8x128xf32, #tpu.memory_space<vmem>>, vector<8x128xf32>,
    } else {
    }
    %not3A = arith.constant true
    %not3A_103 = arith.xori %and3A_100, %not3A : i1
    %convert_element_type3A_104 = arith.extui %not3A_103 : i1 to i32
    %cond3A_105 = arith.constant 0 : i32
    %cond3A_106 = arith.cmpi ne, %convert_element_type3A_104, %cond3A_105 : i32
    scf.if %cond3A_106 {
      %get3A_115 = arith.constant 0 : index
      %get3A_116 = arith.constant 0 : index
      %get3A_117 = vector.load %arg6[%get3A_115, %get3A_116] : memref<8x128xf32, #tpu.memory_space<vmem>>, vector<8x128xf32>
      %add3A_118 = arith.addf %get3A_117, %add3A_95 : vector<8x128xf32>
      %swap3A_119 = arith.constant 0 : index
      %swap3A_120 = arith.constant 0 : index
      %swap3A_121 = vector.load %arg6[%swap3A_119, %swap3A_120] : memref<8x128xf32, #tpu.memory_space<vmem>>, vector<8x128xf32>
      tpu.vector_store %arg6[%swap3A_119, %swap3A_120], %add3A_118 {strides = array<i32>} : memref<8x128xf32, #tpu.memory_space<vmem>>, vector<8x128xf32>,
    } else {
    }
    %eq3A_107 = arith.constant 0 : i32
    %eq3A_108 = arith.cmpi eq, %arg0, %eq3A_107 : i32
    %eq3A_109 = arith.constant 3 : i32
    %eq3A_110 = arith.cmpi eq, %arg1, %eq3A_109 : i32
    %and3A_111 = arith.andi %eq3A_108, %eq3A_110 : i1
    %convert_element_type3A_112 = arith.extui %and3A_111 : i1 to i32
    %cond3A_113 = arith.constant 0 : i32
    %cond3A_114 = arith.cmpi ne, %convert_element_type3A_112, %cond3A_113 : i32
    scf.if %cond3A_114 {
      %get3A_115 = arith.constant 0 : index
      %get3A_116 = arith.constant 0 : index
      %get3A_117 = vector.load %arg6[%get3A_115, %get3A_116] : memref<8x128xf32, #tpu.memory_space<vmem>>, vector<8x128xf32>
      %swap3A_118 = arith.constant 0 : index
      %swap3A_119 = arith.constant 0 : index
      %swap3A_120 = vector.load %arg5[%swap3A_118, %swap3A_119] : memref<8x128xf32, #tpu.memory_space<vmem>>, vector<8x128xf32>
      tpu.vector_store %arg5[%swap3A_118, %swap3A_119], %get3A_117 {strides = array<i32>} : memref<8x128xf32, #tpu.memory_space<vmem>>, vector<8x128xf32>,
    } else {
    }
    return
  }
  func.func @transform_0(%arg0: i32, %arg1: i32) -> (i32, i32, i32) {
    %add3A = arith.constant 0 : i32
    %add3A_0 = arith.addi %add3A, %arg0 : i32
    %c0_i32 = arith.constant 0 : i32
    %c0_i32_1 = arith.constant 0 : i32
    return %add3A_0, %c0_i32, %arg1 : i32, i32, i32
  }
  func.func @transform_1(%arg0: i32, %arg1: i32) -> (i32, i32, i32) {
    %add3A = arith.constant 0 : i32
    %add3A_0 = arith.addi %add3A, %arg0 : i32
    %c0_i32 = arith.constant 0 : i32
    %c0_i32_1 = arith.constant 0 : i32
    return %add3A_0, %c0_i32, %arg1 : i32, i32, i32
  }
  func.func @transform_2(%arg0: i32, %arg1: i32) -> (i32, i32) {
    %c0_i32 = arith.constant 0 : i32
    return %arg0, %arg1 : i32, i32
  }
  func.func @transform_3(%arg0: i32, %arg1: i32) -> (i32, i32) {
    %c0_i32 = arith.constant 0 : i32
    %c0_i32_0 = arith.constant 0 : i32
    %c0_i32_1 = arith.constant 0 : i32
    return %c0_i32, %c0_i32_0 : i32, i32
  }
}

module attributes {stable_mosaic.version = 14 : i64} {
  func.func @_tc1_body(%arg0: i32, %arg1: i32, %arg2: memref<1x32x8192xf32, #tpu.memory_space<vmem>>, %arg3: memref<1x32x8192xf32, #tpu.memory_space<vmem>>, %arg4: memref<32x8192xi32, #tpu.memory_space<vmem>>, %arg5: memref<8x128xf32, #tpu.memory_space<vmem>>, %arg6: memref<8x128xf32, #tpu.memory_space<vmem>>) attributes {dimension_semantics = [#tpu.dimension_semantics<arbitrary>, #tpu.dimension_semantics<arbitrary>], iteration_bounds = array<i64: 1, 4>, scalar_prefetch = 0 : i64, scratch_operands = 1 : i64, tpu.core_type = #tpu.core_type<tc>, window_params = [{transform_indices = @transform_0, window_bounds = array<i64: 1, 32, 8192>}, {transform_indices = @transform_1, window_bounds = array<i64: 1, 32, 8192>}, {transform_indices = @transform_2, window_bounds = array<i64: 32, 8192>}, {pipeline_mode = #tpu.pipeline_mode<synchronous>, transform_indices = @transform_3, window_bounds = array<i64: 8, 128>}]} {
    %get3A = arith.constant 0 : index
    %get3A_0 = arith.constant 0 : index
    %get3A_1 = arith.constant 0 : index
    %get3A_2 = vector.load %arg2[%get3A, %get3A_0, %get3A_1] : memref<1x32x8192xf32, #tpu.memory_space<vmem>>, vector<1x32x8192xf32>
    %get3A_3 = arith.constant 0 : index
    %get3A_4 = arith.constant 0 : index
    %get3A_5 = arith.constant 0 : index
    %get3A_6 = vector.load %arg3[%get3A_3, %get3A_4, %get3A_5] : memref<1x32x8192xf32, #tpu.memory_space<vmem>>, vector<1x32x8192xf32>
    %exp3A = math.exp %get3A_2 : vector<1x32x8192xf32>
    %reduce_sum3A = arith.constant dense<0.000000e+00> : vector<1x8192xf32>
    %reduce_sum3A_7 = vector.multi_reduction <add>, %exp3A, %reduce_sum3A [1] : vector<1x32x8192xf32> to vector<1x8192xf32>
    %broadcast_in_dim3A = vector.shape_cast %reduce_sum3A_7 : vector<1x8192xf32> to vector<1x1x8192xf32>
    %div3A = vector.broadcast %broadcast_in_dim3A : vector<1x1x8192xf32> to vector<1x32x8192xf32>
    %div3A_8 = arith.divf %exp3A, %div3A : vector<1x32x8192xf32>
    %log3A = math.log %broadcast_in_dim3A : vector<1x1x8192xf32>
    %sub3A = vector.broadcast %log3A : vector<1x1x8192xf32> to vector<1x32x8192xf32>
    %sub3A_9 = arith.subf %get3A_2, %sub3A : vector<1x32x8192xf32>
    %iota3A = tpu.iota {dimensions = array<i32: 1>} : vector<1x32x8192xi32>
    %reduce_max3A = arith.constant dense<0xFF800000> : vector<1x8192xf32>
    %reduce_max3A_10 = vector.multi_reduction <maximumf>, %get3A_6, %reduce_max3A [1] : vector<1x32x8192xf32> to vector<1x8192xf32>
    %broadcast_in_dim3A_11 = vector.shape_cast %reduce_max3A_10 : vector<1x8192xf32> to vector<1x1x8192xf32>
    %eq3A = vector.broadcast %broadcast_in_dim3A_11 : vector<1x1x8192xf32> to vector<1x32x8192xf32>
    %eq3A_12 = arith.cmpf oeq, %get3A_6, %eq3A : vector<1x32x8192xf32>
    %jit3A = arith.constant 64 : i32
    %broadcast_in_dim3A_13 = vector.broadcast %jit3A : i32 to vector<1x32x8192xi32>
    %select_n3A = arith.select %eq3A_12, %iota3A, %broadcast_in_dim3A_13 : vector<1x32x8192xi1>, vector<1x32x8192xi32>
    %reduce_min3A = arith.constant dense<2147483647> : vector<1x8192xi32>
    %reduce_min3A_14 = vector.multi_reduction <minsi>, %select_n3A, %reduce_min3A [1] : vector<1x32x8192xi32> to vector<1x8192xi32>
    %broadcast_in_dim3A_15 = vector.shape_cast %reduce_min3A_14 : vector<1x8192xi32> to vector<1x1x8192xi32>
    %ne3A = arith.constant 0 : i32
    %ne3A_16 = vector.broadcast %ne3A : i32 to vector<1x1x8192xi32>
    %ne3A_17 = arith.cmpi ne, %broadcast_in_dim3A_15, %ne3A_16 : vector<1x1x8192xi32>
    %convert_element_type3A = arith.extui %ne3A_17 : vector<1x1x8192xi1> to vector<1x1x8192xi32>
    %convert_element_type3A_18 = arith.sitofp %convert_element_type3A : vector<1x1x8192xi32> to vector<1x1x8192xf32>
    %eq3A_19 = vector.broadcast %broadcast_in_dim3A_15 : vector<1x1x8192xi32> to vector<1x32x8192xi32>
    %eq3A_20 = arith.cmpi eq, %iota3A, %eq3A_19 : vector<1x32x8192xi32>
    %and3A = vector.broadcast %ne3A_17 : vector<1x1x8192xi1> to vector<1x32x8192xi1>
    %and3A_21 = arith.andi %eq3A_20, %and3A : vector<1x32x8192xi1>
    %jit3A_22 = arith.constant 1.000000e+00 : f32
    %jit3A_23 = arith.constant 0.000000e+00 : f32
    %broadcast_in_dim3A_24 = vector.broadcast %jit3A_22 : f32 to vector<1x32x8192xf32>
    %broadcast_in_dim3A_25 = vector.broadcast %jit3A_23 : f32 to vector<1x32x8192xf32>
    %select_n3A_26 = arith.select %and3A_21, %broadcast_in_dim3A_24, %broadcast_in_dim3A_25 : vector<1x32x8192xi1>, vector<1x32x8192xf32>
    %sub3A_27 = arith.subf %select_n3A_26, %div3A_8 : vector<1x32x8192xf32>
    %abs3A = math.absf %sub3A_27 : vector<1x32x8192xf32>
    %mul3A = vector.broadcast %convert_element_type3A_18 : vector<1x1x8192xf32> to vector<1x32x8192xf32>
    %mul3A_28 = arith.mulf %abs3A, %mul3A : vector<1x32x8192xf32>
    %mul3A_29 = arith.constant 2.560000e+02 : f32
    %mul3A_30 = vector.broadcast %mul3A_29 : f32 to vector<1x32x8192xf32>
    %mul3A_31 = arith.mulf %mul3A_28, %mul3A_30 : vector<1x32x8192xf32>
    %lt3A = arith.constant 0.000000e+00 : f32
    %lt3A_32 = vector.broadcast %lt3A : f32 to vector<1x32x8192xf32>
    %lt3A_33 = arith.cmpf olt, %mul3A_31, %lt3A_32 : vector<1x32x8192xf32>
    %ceil3A = math.ceil %mul3A_31 : vector<1x32x8192xf32>
    %floor3A = math.floor %mul3A_31 : vector<1x32x8192xf32>
    %select_n3A_34 = arith.select %lt3A_33, %ceil3A, %floor3A : vector<1x32x8192xi1>, vector<1x32x8192xf32>
    %min3A = arith.constant 2.550000e+02 : f32
    %min3A_35 = vector.broadcast %min3A : f32 to vector<1x32x8192xf32>
    %min3A_36 = arith.minimumf %select_n3A_34, %min3A_35 : vector<1x32x8192xf32>
    %add3A = arith.addf %min3A_36, %min3A_36 : vector<1x32x8192xf32>
    %add3A_37 = arith.addf %add3A, %select_n3A_26 : vector<1x32x8192xf32>
    %convert_element_type3A_38 = arith.fptosi %add3A_37 : vector<1x32x8192xf32> to vector<1x32x8192xi32>
    %reshape3A = vector.shape_cast %convert_element_type3A_38 : vector<1x32x8192xi32> to vector<32x8192xi32>
    %swap3A = arith.constant 0 : index
    %swap3A_39 = arith.constant 0 : index
    %swap3A_40 = vector.load %arg4[%swap3A, %swap3A_39] : memref<32x8192xi32, #tpu.memory_space<vmem>>, vector<32x8192xi32>
    tpu.vector_store %arg4[%swap3A, %swap3A_39], %reshape3A {strides = array<i32>} : memref<32x8192xi32, #tpu.memory_space<vmem>>, vector<32x8192xi32>,
    %sub3A_41 = arith.constant 1.000000e+00 : f32
    %sub3A_42 = vector.broadcast %sub3A_41 : f32 to vector<1x32x8192xf32>
    %sub3A_43 = arith.subf %sub3A_42, %div3A_8 : vector<1x32x8192xf32>
    %convert_element_type3A_44 = arith.truncf %sub3A_43 : vector<1x32x8192xf32> to vector<1x32x8192xbf16>
    %convert_element_type3A_45 = arith.truncf %div3A_8 : vector<1x32x8192xf32> to vector<1x32x8192xbf16>
    %convert_element_type3A_46 = arith.truncf %get3A_6 : vector<1x32x8192xf32> to vector<1x32x8192xbf16>
    %mul3A_47 = arith.mulf %convert_element_type3A_44, %convert_element_type3A_44 : vector<1x32x8192xbf16>
    %convert_element_type3A_48 = arith.truncf %sub3A_9 : vector<1x32x8192xf32> to vector<1x32x8192xbf16>
    %mul3A_49 = arith.mulf %mul3A_47, %convert_element_type3A_48 : vector<1x32x8192xbf16>
    %mul3A_50 = arith.mulf %convert_element_type3A_45, %convert_element_type3A_45 : vector<1x32x8192xbf16>
    %add3A_51 = arith.constant 9.99999993E-9 : f32
    %add3A_52 = vector.broadcast %add3A_51 : f32 to vector<1x32x8192xf32>
    %add3A_53 = arith.addf %sub3A_43, %add3A_52 : vector<1x32x8192xf32>
    %log3A_54 = math.log %add3A_53 : vector<1x32x8192xf32>
    %convert_element_type3A_55 = arith.truncf %log3A_54 : vector<1x32x8192xf32> to vector<1x32x8192xbf16>
    %mul3A_56 = arith.mulf %mul3A_50, %convert_element_type3A_55 : vector<1x32x8192xbf16>
    %mul3A_57 = arith.constant 3.000000e+00 : bf16
    %mul3A_58 = vector.broadcast %mul3A_57 : bf16 to vector<1x32x8192xbf16>
    %mul3A_59 = arith.mulf %mul3A_58, %mul3A_49 : vector<1x32x8192xbf16>
    %sub3A_60 = arith.subf %mul3A_59, %mul3A_56 : vector<1x32x8192xbf16>
    %mul3A_61 = arith.mulf %sub3A_60, %convert_element_type3A_46 : vector<1x32x8192xbf16>
    %add3A_62 = arith.addf %mul3A_56, %mul3A_61 : vector<1x32x8192xbf16>
    %convert_element_type3A_63 = arith.extf %add3A_62 : vector<1x32x8192xbf16> to vector<1x32x8192xf32>
    %reduce_sum3A_64 = arith.constant dense<0.000000e+00> : vector<1x8192xf32>
    %reduce_sum3A_65 = vector.multi_reduction <add>, %convert_element_type3A_63, %reduce_sum3A_64 [1] : vector<1x32x8192xf32> to vector<1x8192xf32>
    %broadcast_in_dim3A_66 = vector.shape_cast %reduce_sum3A_65 : vector<1x8192xf32> to vector<1x1x8192xf32>
    %mul3A_67 = arith.mulf %broadcast_in_dim3A_66, %convert_element_type3A_18 : vector<1x1x8192xf32>
    %reduce_sum3A_68 = vector.shape_cast %mul3A_67 : vector<1x1x8192xf32> to vector<1x1x1x8192xf32>
    %reduce_sum3A_69 = arith.constant dense<0.000000e+00> : vector<1xf32>
    %reduce_sum3A_70 = vector.multi_reduction <add>, %reduce_sum3A_68, %reduce_sum3A_69 [1, 2, 3] : vector<1x1x1x8192xf32> to vector<1xf32>
    %reduce_sum3A_71 = vector.shape_cast %reduce_sum3A_70 : vector<1xf32> to vector<1x1x1x1xf32>
    %reduce_sum3A_72 = vector.extract %reduce_sum3A_71[0, 0, 0, 0] : f32 from vector<1x1x1x1xf32>
    %mul3A_73 = arith.constant -2.500000e-01 : f32
    %mul3A_74 = arith.mulf %mul3A_73, %reduce_sum3A_72 : f32
    %reduce_sum3A_75 = vector.shape_cast %convert_element_type3A_18 : vector<1x1x8192xf32> to vector<1x1x1x8192xf32>
    %reduce_sum3A_76 = arith.constant dense<0.000000e+00> : vector<1xf32>
    %reduce_sum3A_77 = vector.multi_reduction <add>, %reduce_sum3A_75, %reduce_sum3A_76 [1, 2, 3] : vector<1x1x1x8192xf32> to vector<1xf32>
    %reduce_sum3A_78 = vector.shape_cast %reduce_sum3A_77 : vector<1xf32> to vector<1x1x1x1xf32>
    %reduce_sum3A_79 = vector.extract %reduce_sum3A_78[0, 0, 0, 0] : f32 from vector<1x1x1x1xf32>
    %iota3A_80 = tpu.iota {dimensions = array<i32: 1>} : vector<8x128xi32>
    %eq3A_81 = arith.constant 0 : i32
    %eq3A_82 = vector.broadcast %eq3A_81 : i32 to vector<8x128xi32>
    %eq3A_83 = arith.cmpi eq, %iota3A_80, %eq3A_82 : vector<8x128xi32>
    %jit3A_84 = arith.constant 0.000000e+00 : f32
    %broadcast_in_dim3A_85 = vector.broadcast %mul3A_74 : f32 to vector<8x128xf32>
    %broadcast_in_dim3A_86 = vector.broadcast %jit3A_84 : f32 to vector<8x128xf32>
    %select_n3A_87 = arith.select %eq3A_83, %broadcast_in_dim3A_85, %broadcast_in_dim3A_86 : vector<8x128xi1>, vector<8x128xf32>
    %eq3A_88 = arith.constant 1 : i32
    %eq3A_89 = vector.broadcast %eq3A_88 : i32 to vector<8x128xi32>
    %eq3A_90 = arith.cmpi eq, %iota3A_80, %eq3A_89 : vector<8x128xi32>
    %jit3A_91 = arith.constant 0.000000e+00 : f32
    %broadcast_in_dim3A_92 = vector.broadcast %reduce_sum3A_79 : f32 to vector<8x128xf32>
    %broadcast_in_dim3A_93 = vector.broadcast %jit3A_91 : f32 to vector<8x128xf32>
    %select_n3A_94 = arith.select %eq3A_90, %broadcast_in_dim3A_92, %broadcast_in_dim3A_93 : vector<8x128xi1>, vector<8x128xf32>
    %add3A_95 = arith.addf %select_n3A_87, %select_n3A_94 : vector<8x128xf32>
    %eq3A_96 = arith.constant 0 : i32
    %eq3A_97 = arith.cmpi eq, %arg0, %eq3A_96 : i32
    %eq3A_98 = arith.constant 0 : i32
    %eq3A_99 = arith.cmpi eq, %arg1, %eq3A_98 : i32
    %and3A_100 = arith.andi %eq3A_97, %eq3A_99 : i1
    %convert_element_type3A_101 = arith.extui %and3A_100 : i1 to i32
    %cond3A = arith.constant 0 : i32
    %cond3A_102 = arith.cmpi ne, %convert_element_type3A_101, %cond3A : i32
    scf.if %cond3A_102 {
      %swap3A_115 = arith.constant 0 : index
      %swap3A_116 = arith.constant 0 : index
      %swap3A_117 = vector.load %arg6[%swap3A_115, %swap3A_116] : memref<8x128xf32, #tpu.memory_space<vmem>>, vector<8x128xf32>
      tpu.vector_store %arg6[%swap3A_115, %swap3A_116], %add3A_95 {strides = array<i32>} : memref<8x128xf32, #tpu.memory_space<vmem>>, vector<8x128xf32>,
    } else {
    }
    %not3A = arith.constant true
    %not3A_103 = arith.xori %and3A_100, %not3A : i1
    %convert_element_type3A_104 = arith.extui %not3A_103 : i1 to i32
    %cond3A_105 = arith.constant 0 : i32
    %cond3A_106 = arith.cmpi ne, %convert_element_type3A_104, %cond3A_105 : i32
    scf.if %cond3A_106 {
      %get3A_115 = arith.constant 0 : index
      %get3A_116 = arith.constant 0 : index
      %get3A_117 = vector.load %arg6[%get3A_115, %get3A_116] : memref<8x128xf32, #tpu.memory_space<vmem>>, vector<8x128xf32>
      %add3A_118 = arith.addf %get3A_117, %add3A_95 : vector<8x128xf32>
      %swap3A_119 = arith.constant 0 : index
      %swap3A_120 = arith.constant 0 : index
      %swap3A_121 = vector.load %arg6[%swap3A_119, %swap3A_120] : memref<8x128xf32, #tpu.memory_space<vmem>>, vector<8x128xf32>
      tpu.vector_store %arg6[%swap3A_119, %swap3A_120], %add3A_118 {strides = array<i32>} : memref<8x128xf32, #tpu.memory_space<vmem>>, vector<8x128xf32>,
    } else {
    }
    %eq3A_107 = arith.constant 0 : i32
    %eq3A_108 = arith.cmpi eq, %arg0, %eq3A_107 : i32
    %eq3A_109 = arith.constant 3 : i32
    %eq3A_110 = arith.cmpi eq, %arg1, %eq3A_109 : i32
    %and3A_111 = arith.andi %eq3A_108, %eq3A_110 : i1
    %convert_element_type3A_112 = arith.extui %and3A_111 : i1 to i32
    %cond3A_113 = arith.constant 0 : i32
    %cond3A_114 = arith.cmpi ne, %convert_element_type3A_112, %cond3A_113 : i32
    scf.if %cond3A_114 {
      %get3A_115 = arith.constant 0 : index
      %get3A_116 = arith.constant 0 : index
      %get3A_117 = vector.load %arg6[%get3A_115, %get3A_116] : memref<8x128xf32, #tpu.memory_space<vmem>>, vector<8x128xf32>
      %swap3A_118 = arith.constant 0 : index
      %swap3A_119 = arith.constant 0 : index
      %swap3A_120 = vector.load %arg5[%swap3A_118, %swap3A_119] : memref<8x128xf32, #tpu.memory_space<vmem>>, vector<8x128xf32>
      tpu.vector_store %arg5[%swap3A_118, %swap3A_119], %get3A_117 {strides = array<i32>} : memref<8x128xf32, #tpu.memory_space<vmem>>, vector<8x128xf32>,
    } else {
    }
    return
  }
  func.func @transform_0(%arg0: i32, %arg1: i32) -> (i32, i32, i32) {
    %add3A = arith.constant 2 : i32
    %add3A_0 = arith.addi %add3A, %arg0 : i32
    %c0_i32 = arith.constant 0 : i32
    %c0_i32_1 = arith.constant 0 : i32
    return %add3A_0, %c0_i32, %arg1 : i32, i32, i32
  }
  func.func @transform_1(%arg0: i32, %arg1: i32) -> (i32, i32, i32) {
    %add3A = arith.constant 2 : i32
    %add3A_0 = arith.addi %add3A, %arg0 : i32
    %c0_i32 = arith.constant 0 : i32
    %c0_i32_1 = arith.constant 0 : i32
    return %add3A_0, %c0_i32, %arg1 : i32, i32, i32
  }
  func.func @transform_2(%arg0: i32, %arg1: i32) -> (i32, i32) {
    %c0_i32 = arith.constant 0 : i32
    return %arg0, %arg1 : i32, i32
  }
  func.func @transform_3(%arg0: i32, %arg1: i32) -> (i32, i32) {
    %c0_i32 = arith.constant 0 : i32
    %c0_i32_0 = arith.constant 0 : i32
    %c0_i32_1 = arith.constant 0 : i32
    return %c0_i32, %c0_i32_0 : i32, i32
  }
}

module attributes {stable_mosaic.version = 14 : i64} {
  func.func @_tc1_body(%arg0: i32, %arg1: i32, %arg2: memref<1x32x8192xf32, #tpu.memory_space<vmem>>, %arg3: memref<1x32x8192xf32, #tpu.memory_space<vmem>>, %arg4: memref<32x8192xi32, #tpu.memory_space<vmem>>, %arg5: memref<8x128xf32, #tpu.memory_space<vmem>>, %arg6: memref<8x128xf32, #tpu.memory_space<vmem>>) attributes {dimension_semantics = [#tpu.dimension_semantics<arbitrary>, #tpu.dimension_semantics<arbitrary>], iteration_bounds = array<i64: 1, 4>, scalar_prefetch = 0 : i64, scratch_operands = 1 : i64, tpu.core_type = #tpu.core_type<tc>, window_params = [{transform_indices = @transform_0, window_bounds = array<i64: 1, 32, 8192>}, {transform_indices = @transform_1, window_bounds = array<i64: 1, 32, 8192>}, {transform_indices = @transform_2, window_bounds = array<i64: 32, 8192>}, {pipeline_mode = #tpu.pipeline_mode<synchronous>, transform_indices = @transform_3, window_bounds = array<i64: 8, 128>}]} {
    %get3A = arith.constant 0 : index
    %get3A_0 = arith.constant 0 : index
    %get3A_1 = arith.constant 0 : index
    %get3A_2 = vector.load %arg2[%get3A, %get3A_0, %get3A_1] : memref<1x32x8192xf32, #tpu.memory_space<vmem>>, vector<1x32x8192xf32>
    %get3A_3 = arith.constant 0 : index
    %get3A_4 = arith.constant 0 : index
    %get3A_5 = arith.constant 0 : index
    %get3A_6 = vector.load %arg3[%get3A_3, %get3A_4, %get3A_5] : memref<1x32x8192xf32, #tpu.memory_space<vmem>>, vector<1x32x8192xf32>
    %exp3A = math.exp %get3A_2 : vector<1x32x8192xf32>
    %reduce_sum3A = arith.constant dense<0.000000e+00> : vector<1x8192xf32>
    %reduce_sum3A_7 = vector.multi_reduction <add>, %exp3A, %reduce_sum3A [1] : vector<1x32x8192xf32> to vector<1x8192xf32>
    %broadcast_in_dim3A = vector.shape_cast %reduce_sum3A_7 : vector<1x8192xf32> to vector<1x1x8192xf32>
    %div3A = vector.broadcast %broadcast_in_dim3A : vector<1x1x8192xf32> to vector<1x32x8192xf32>
    %div3A_8 = arith.divf %exp3A, %div3A : vector<1x32x8192xf32>
    %log3A = math.log %broadcast_in_dim3A : vector<1x1x8192xf32>
    %sub3A = vector.broadcast %log3A : vector<1x1x8192xf32> to vector<1x32x8192xf32>
    %sub3A_9 = arith.subf %get3A_2, %sub3A : vector<1x32x8192xf32>
    %iota3A = tpu.iota {dimensions = array<i32: 1>} : vector<1x32x8192xi32>
    %reduce_max3A = arith.constant dense<0xFF800000> : vector<1x8192xf32>
    %reduce_max3A_10 = vector.multi_reduction <maximumf>, %get3A_6, %reduce_max3A [1] : vector<1x32x8192xf32> to vector<1x8192xf32>
    %broadcast_in_dim3A_11 = vector.shape_cast %reduce_max3A_10 : vector<1x8192xf32> to vector<1x1x8192xf32>
    %eq3A = vector.broadcast %broadcast_in_dim3A_11 : vector<1x1x8192xf32> to vector<1x32x8192xf32>
    %eq3A_12 = arith.cmpf oeq, %get3A_6, %eq3A : vector<1x32x8192xf32>
    %jit3A = arith.constant 64 : i32
    %broadcast_in_dim3A_13 = vector.broadcast %jit3A : i32 to vector<1x32x8192xi32>
    %select_n3A = arith.select %eq3A_12, %iota3A, %broadcast_in_dim3A_13 : vector<1x32x8192xi1>, vector<1x32x8192xi32>
    %reduce_min3A = arith.constant dense<2147483647> : vector<1x8192xi32>
    %reduce_min3A_14 = vector.multi_reduction <minsi>, %select_n3A, %reduce_min3A [1] : vector<1x32x8192xi32> to vector<1x8192xi32>
    %broadcast_in_dim3A_15 = vector.shape_cast %reduce_min3A_14 : vector<1x8192xi32> to vector<1x1x8192xi32>
    %ne3A = arith.constant 0 : i32
    %ne3A_16 = vector.broadcast %ne3A : i32 to vector<1x1x8192xi32>
    %ne3A_17 = arith.cmpi ne, %broadcast_in_dim3A_15, %ne3A_16 : vector<1x1x8192xi32>
    %convert_element_type3A = arith.extui %ne3A_17 : vector<1x1x8192xi1> to vector<1x1x8192xi32>
    %convert_element_type3A_18 = arith.sitofp %convert_element_type3A : vector<1x1x8192xi32> to vector<1x1x8192xf32>
    %eq3A_19 = vector.broadcast %broadcast_in_dim3A_15 : vector<1x1x8192xi32> to vector<1x32x8192xi32>
    %eq3A_20 = arith.cmpi eq, %iota3A, %eq3A_19 : vector<1x32x8192xi32>
    %and3A = vector.broadcast %ne3A_17 : vector<1x1x8192xi1> to vector<1x32x8192xi1>
    %and3A_21 = arith.andi %eq3A_20, %and3A : vector<1x32x8192xi1>
    %jit3A_22 = arith.constant 1.000000e+00 : f32
    %jit3A_23 = arith.constant 0.000000e+00 : f32
    %broadcast_in_dim3A_24 = vector.broadcast %jit3A_22 : f32 to vector<1x32x8192xf32>
    %broadcast_in_dim3A_25 = vector.broadcast %jit3A_23 : f32 to vector<1x32x8192xf32>
    %select_n3A_26 = arith.select %and3A_21, %broadcast_in_dim3A_24, %broadcast_in_dim3A_25 : vector<1x32x8192xi1>, vector<1x32x8192xf32>
    %sub3A_27 = arith.subf %select_n3A_26, %div3A_8 : vector<1x32x8192xf32>
    %abs3A = math.absf %sub3A_27 : vector<1x32x8192xf32>
    %mul3A = vector.broadcast %convert_element_type3A_18 : vector<1x1x8192xf32> to vector<1x32x8192xf32>
    %mul3A_28 = arith.mulf %abs3A, %mul3A : vector<1x32x8192xf32>
    %mul3A_29 = arith.constant 2.560000e+02 : f32
    %mul3A_30 = vector.broadcast %mul3A_29 : f32 to vector<1x32x8192xf32>
    %mul3A_31 = arith.mulf %mul3A_28, %mul3A_30 : vector<1x32x8192xf32>
    %lt3A = arith.constant 0.000000e+00 : f32
    %lt3A_32 = vector.broadcast %lt3A : f32 to vector<1x32x8192xf32>
    %lt3A_33 = arith.cmpf olt, %mul3A_31, %lt3A_32 : vector<1x32x8192xf32>
    %ceil3A = math.ceil %mul3A_31 : vector<1x32x8192xf32>
    %floor3A = math.floor %mul3A_31 : vector<1x32x8192xf32>
    %select_n3A_34 = arith.select %lt3A_33, %ceil3A, %floor3A : vector<1x32x8192xi1>, vector<1x32x8192xf32>
    %min3A = arith.constant 2.550000e+02 : f32
    %min3A_35 = vector.broadcast %min3A : f32 to vector<1x32x8192xf32>
    %min3A_36 = arith.minimumf %select_n3A_34, %min3A_35 : vector<1x32x8192xf32>
    %add3A = arith.addf %min3A_36, %min3A_36 : vector<1x32x8192xf32>
    %add3A_37 = arith.addf %add3A, %select_n3A_26 : vector<1x32x8192xf32>
    %convert_element_type3A_38 = arith.fptosi %add3A_37 : vector<1x32x8192xf32> to vector<1x32x8192xi32>
    %reshape3A = vector.shape_cast %convert_element_type3A_38 : vector<1x32x8192xi32> to vector<32x8192xi32>
    %swap3A = arith.constant 0 : index
    %swap3A_39 = arith.constant 0 : index
    %swap3A_40 = vector.load %arg4[%swap3A, %swap3A_39] : memref<32x8192xi32, #tpu.memory_space<vmem>>, vector<32x8192xi32>
    tpu.vector_store %arg4[%swap3A, %swap3A_39], %reshape3A {strides = array<i32>} : memref<32x8192xi32, #tpu.memory_space<vmem>>, vector<32x8192xi32>,
    %sub3A_41 = arith.constant 1.000000e+00 : f32
    %sub3A_42 = vector.broadcast %sub3A_41 : f32 to vector<1x32x8192xf32>
    %sub3A_43 = arith.subf %sub3A_42, %div3A_8 : vector<1x32x8192xf32>
    %convert_element_type3A_44 = arith.truncf %sub3A_43 : vector<1x32x8192xf32> to vector<1x32x8192xbf16>
    %convert_element_type3A_45 = arith.truncf %div3A_8 : vector<1x32x8192xf32> to vector<1x32x8192xbf16>
    %convert_element_type3A_46 = arith.truncf %get3A_6 : vector<1x32x8192xf32> to vector<1x32x8192xbf16>
    %mul3A_47 = arith.mulf %convert_element_type3A_44, %convert_element_type3A_44 : vector<1x32x8192xbf16>
    %convert_element_type3A_48 = arith.truncf %sub3A_9 : vector<1x32x8192xf32> to vector<1x32x8192xbf16>
    %mul3A_49 = arith.mulf %mul3A_47, %convert_element_type3A_48 : vector<1x32x8192xbf16>
    %mul3A_50 = arith.mulf %convert_element_type3A_45, %convert_element_type3A_45 : vector<1x32x8192xbf16>
    %add3A_51 = arith.constant 9.99999993E-9 : f32
    %add3A_52 = vector.broadcast %add3A_51 : f32 to vector<1x32x8192xf32>
    %add3A_53 = arith.addf %sub3A_43, %add3A_52 : vector<1x32x8192xf32>
    %log3A_54 = math.log %add3A_53 : vector<1x32x8192xf32>
    %convert_element_type3A_55 = arith.truncf %log3A_54 : vector<1x32x8192xf32> to vector<1x32x8192xbf16>
    %mul3A_56 = arith.mulf %mul3A_50, %convert_element_type3A_55 : vector<1x32x8192xbf16>
    %mul3A_57 = arith.constant 3.000000e+00 : bf16
    %mul3A_58 = vector.broadcast %mul3A_57 : bf16 to vector<1x32x8192xbf16>
    %mul3A_59 = arith.mulf %mul3A_58, %mul3A_49 : vector<1x32x8192xbf16>
    %sub3A_60 = arith.subf %mul3A_59, %mul3A_56 : vector<1x32x8192xbf16>
    %mul3A_61 = arith.mulf %sub3A_60, %convert_element_type3A_46 : vector<1x32x8192xbf16>
    %add3A_62 = arith.addf %mul3A_56, %mul3A_61 : vector<1x32x8192xbf16>
    %convert_element_type3A_63 = arith.extf %add3A_62 : vector<1x32x8192xbf16> to vector<1x32x8192xf32>
    %reduce_sum3A_64 = arith.constant dense<0.000000e+00> : vector<1x8192xf32>
    %reduce_sum3A_65 = vector.multi_reduction <add>, %convert_element_type3A_63, %reduce_sum3A_64 [1] : vector<1x32x8192xf32> to vector<1x8192xf32>
    %broadcast_in_dim3A_66 = vector.shape_cast %reduce_sum3A_65 : vector<1x8192xf32> to vector<1x1x8192xf32>
    %mul3A_67 = arith.mulf %broadcast_in_dim3A_66, %convert_element_type3A_18 : vector<1x1x8192xf32>
    %reduce_sum3A_68 = vector.shape_cast %mul3A_67 : vector<1x1x8192xf32> to vector<1x1x1x8192xf32>
    %reduce_sum3A_69 = arith.constant dense<0.000000e+00> : vector<1xf32>
    %reduce_sum3A_70 = vector.multi_reduction <add>, %reduce_sum3A_68, %reduce_sum3A_69 [1, 2, 3] : vector<1x1x1x8192xf32> to vector<1xf32>
    %reduce_sum3A_71 = vector.shape_cast %reduce_sum3A_70 : vector<1xf32> to vector<1x1x1x1xf32>
    %reduce_sum3A_72 = vector.extract %reduce_sum3A_71[0, 0, 0, 0] : f32 from vector<1x1x1x1xf32>
    %mul3A_73 = arith.constant -2.500000e-01 : f32
    %mul3A_74 = arith.mulf %mul3A_73, %reduce_sum3A_72 : f32
    %reduce_sum3A_75 = vector.shape_cast %convert_element_type3A_18 : vector<1x1x8192xf32> to vector<1x1x1x8192xf32>
    %reduce_sum3A_76 = arith.constant dense<0.000000e+00> : vector<1xf32>
    %reduce_sum3A_77 = vector.multi_reduction <add>, %reduce_sum3A_75, %reduce_sum3A_76 [1, 2, 3] : vector<1x1x1x8192xf32> to vector<1xf32>
    %reduce_sum3A_78 = vector.shape_cast %reduce_sum3A_77 : vector<1xf32> to vector<1x1x1x1xf32>
    %reduce_sum3A_79 = vector.extract %reduce_sum3A_78[0, 0, 0, 0] : f32 from vector<1x1x1x1xf32>
    %iota3A_80 = tpu.iota {dimensions = array<i32: 1>} : vector<8x128xi32>
    %eq3A_81 = arith.constant 0 : i32
    %eq3A_82 = vector.broadcast %eq3A_81 : i32 to vector<8x128xi32>
    %eq3A_83 = arith.cmpi eq, %iota3A_80, %eq3A_82 : vector<8x128xi32>
    %jit3A_84 = arith.constant 0.000000e+00 : f32
    %broadcast_in_dim3A_85 = vector.broadcast %mul3A_74 : f32 to vector<8x128xf32>
    %broadcast_in_dim3A_86 = vector.broadcast %jit3A_84 : f32 to vector<8x128xf32>
    %select_n3A_87 = arith.select %eq3A_83, %broadcast_in_dim3A_85, %broadcast_in_dim3A_86 : vector<8x128xi1>, vector<8x128xf32>
    %eq3A_88 = arith.constant 1 : i32
    %eq3A_89 = vector.broadcast %eq3A_88 : i32 to vector<8x128xi32>
    %eq3A_90 = arith.cmpi eq, %iota3A_80, %eq3A_89 : vector<8x128xi32>
    %jit3A_91 = arith.constant 0.000000e+00 : f32
    %broadcast_in_dim3A_92 = vector.broadcast %reduce_sum3A_79 : f32 to vector<8x128xf32>
    %broadcast_in_dim3A_93 = vector.broadcast %jit3A_91 : f32 to vector<8x128xf32>
    %select_n3A_94 = arith.select %eq3A_90, %broadcast_in_dim3A_92, %broadcast_in_dim3A_93 : vector<8x128xi1>, vector<8x128xf32>
    %add3A_95 = arith.addf %select_n3A_87, %select_n3A_94 : vector<8x128xf32>
    %eq3A_96 = arith.constant 0 : i32
    %eq3A_97 = arith.cmpi eq, %arg0, %eq3A_96 : i32
    %eq3A_98 = arith.constant 0 : i32
    %eq3A_99 = arith.cmpi eq, %arg1, %eq3A_98 : i32
    %and3A_100 = arith.andi %eq3A_97, %eq3A_99 : i1
    %convert_element_type3A_101 = arith.extui %and3A_100 : i1 to i32
    %cond3A = arith.constant 0 : i32
    %cond3A_102 = arith.cmpi ne, %convert_element_type3A_101, %cond3A : i32
    scf.if %cond3A_102 {
      %swap3A_115 = arith.constant 0 : index
      %swap3A_116 = arith.constant 0 : index
      %swap3A_117 = vector.load %arg6[%swap3A_115, %swap3A_116] : memref<8x128xf32, #tpu.memory_space<vmem>>, vector<8x128xf32>
      tpu.vector_store %arg6[%swap3A_115, %swap3A_116], %add3A_95 {strides = array<i32>} : memref<8x128xf32, #tpu.memory_space<vmem>>, vector<8x128xf32>,
    } else {
    }
    %not3A = arith.constant true
    %not3A_103 = arith.xori %and3A_100, %not3A : i1
    %convert_element_type3A_104 = arith.extui %not3A_103 : i1 to i32
    %cond3A_105 = arith.constant 0 : i32
    %cond3A_106 = arith.cmpi ne, %convert_element_type3A_104, %cond3A_105 : i32
    scf.if %cond3A_106 {
      %get3A_115 = arith.constant 0 : index
      %get3A_116 = arith.constant 0 : index
      %get3A_117 = vector.load %arg6[%get3A_115, %get3A_116] : memref<8x128xf32, #tpu.memory_space<vmem>>, vector<8x128xf32>
      %add3A_118 = arith.addf %get3A_117, %add3A_95 : vector<8x128xf32>
      %swap3A_119 = arith.constant 0 : index
      %swap3A_120 = arith.constant 0 : index
      %swap3A_121 = vector.load %arg6[%swap3A_119, %swap3A_120] : memref<8x128xf32, #tpu.memory_space<vmem>>, vector<8x128xf32>
      tpu.vector_store %arg6[%swap3A_119, %swap3A_120], %add3A_118 {strides = array<i32>} : memref<8x128xf32, #tpu.memory_space<vmem>>, vector<8x128xf32>,
    } else {
    }
    %eq3A_107 = arith.constant 0 : i32
    %eq3A_108 = arith.cmpi eq, %arg0, %eq3A_107 : i32
    %eq3A_109 = arith.constant 3 : i32
    %eq3A_110 = arith.cmpi eq, %arg1, %eq3A_109 : i32
    %and3A_111 = arith.andi %eq3A_108, %eq3A_110 : i1
    %convert_element_type3A_112 = arith.extui %and3A_111 : i1 to i32
    %cond3A_113 = arith.constant 0 : i32
    %cond3A_114 = arith.cmpi ne, %convert_element_type3A_112, %cond3A_113 : i32
    scf.if %cond3A_114 {
      %get3A_115 = arith.constant 0 : index
      %get3A_116 = arith.constant 0 : index
      %get3A_117 = vector.load %arg6[%get3A_115, %get3A_116] : memref<8x128xf32, #tpu.memory_space<vmem>>, vector<8x128xf32>
      %swap3A_118 = arith.constant 0 : index
      %swap3A_119 = arith.constant 0 : index
      %swap3A_120 = vector.load %arg5[%swap3A_118, %swap3A_119] : memref<8x128xf32, #tpu.memory_space<vmem>>, vector<8x128xf32>
      tpu.vector_store %arg5[%swap3A_118, %swap3A_119], %get3A_117 {strides = array<i32>} : memref<8x128xf32, #tpu.memory_space<vmem>>, vector<8x128xf32>,
    } else {
    }
    return
  }
  func.func @transform_0(%arg0: i32, %arg1: i32) -> (i32, i32, i32) {
    %add3A = arith.constant 1 : i32
    %add3A_0 = arith.addi %add3A, %arg0 : i32
    %c0_i32 = arith.constant 0 : i32
    %c0_i32_1 = arith.constant 0 : i32
    return %add3A_0, %c0_i32, %arg1 : i32, i32, i32
  }
  func.func @transform_1(%arg0: i32, %arg1: i32) -> (i32, i32, i32) {
    %add3A = arith.constant 1 : i32
    %add3A_0 = arith.addi %add3A, %arg0 : i32
    %c0_i32 = arith.constant 0 : i32
    %c0_i32_1 = arith.constant 0 : i32
    return %add3A_0, %c0_i32, %arg1 : i32, i32, i32
  }
  func.func @transform_2(%arg0: i32, %arg1: i32) -> (i32, i32) {
    %c0_i32 = arith.constant 0 : i32
    return %arg0, %arg1 : i32, i32
  }
  func.func @transform_3(%arg0: i32, %arg1: i32) -> (i32, i32) {
    %c0_i32 = arith.constant 0 : i32
    %c0_i32_0 = arith.constant 0 : i32
    %c0_i32_1 = arith.constant 0 : i32
    return %c0_i32, %c0_i32_0 : i32, i32
  }
}

module attributes {stable_mosaic.version = 14 : i64} {
  func.func @_tc1_body(%arg0: i32, %arg1: i32, %arg2: memref<1x32x8192xf32, #tpu.memory_space<vmem>>, %arg3: memref<1x32x8192xf32, #tpu.memory_space<vmem>>, %arg4: memref<32x8192xi32, #tpu.memory_space<vmem>>, %arg5: memref<8x128xf32, #tpu.memory_space<vmem>>, %arg6: memref<8x128xf32, #tpu.memory_space<vmem>>) attributes {dimension_semantics = [#tpu.dimension_semantics<arbitrary>, #tpu.dimension_semantics<arbitrary>], iteration_bounds = array<i64: 1, 4>, scalar_prefetch = 0 : i64, scratch_operands = 1 : i64, tpu.core_type = #tpu.core_type<tc>, window_params = [{transform_indices = @transform_0, window_bounds = array<i64: 1, 32, 8192>}, {transform_indices = @transform_1, window_bounds = array<i64: 1, 32, 8192>}, {transform_indices = @transform_2, window_bounds = array<i64: 32, 8192>}, {pipeline_mode = #tpu.pipeline_mode<synchronous>, transform_indices = @transform_3, window_bounds = array<i64: 8, 128>}]} {
    %get3A = arith.constant 0 : index
    %get3A_0 = arith.constant 0 : index
    %get3A_1 = arith.constant 0 : index
    %get3A_2 = vector.load %arg2[%get3A, %get3A_0, %get3A_1] : memref<1x32x8192xf32, #tpu.memory_space<vmem>>, vector<1x32x8192xf32>
    %get3A_3 = arith.constant 0 : index
    %get3A_4 = arith.constant 0 : index
    %get3A_5 = arith.constant 0 : index
    %get3A_6 = vector.load %arg3[%get3A_3, %get3A_4, %get3A_5] : memref<1x32x8192xf32, #tpu.memory_space<vmem>>, vector<1x32x8192xf32>
    %exp3A = math.exp %get3A_2 : vector<1x32x8192xf32>
    %reduce_sum3A = arith.constant dense<0.000000e+00> : vector<1x8192xf32>
    %reduce_sum3A_7 = vector.multi_reduction <add>, %exp3A, %reduce_sum3A [1] : vector<1x32x8192xf32> to vector<1x8192xf32>
    %broadcast_in_dim3A = vector.shape_cast %reduce_sum3A_7 : vector<1x8192xf32> to vector<1x1x8192xf32>
    %div3A = vector.broadcast %broadcast_in_dim3A : vector<1x1x8192xf32> to vector<1x32x8192xf32>
    %div3A_8 = arith.divf %exp3A, %div3A : vector<1x32x8192xf32>
    %log3A = math.log %broadcast_in_dim3A : vector<1x1x8192xf32>
    %sub3A = vector.broadcast %log3A : vector<1x1x8192xf32> to vector<1x32x8192xf32>
    %sub3A_9 = arith.subf %get3A_2, %sub3A : vector<1x32x8192xf32>
    %iota3A = tpu.iota {dimensions = array<i32: 1>} : vector<1x32x8192xi32>
    %reduce_max3A = arith.constant dense<0xFF800000> : vector<1x8192xf32>
    %reduce_max3A_10 = vector.multi_reduction <maximumf>, %get3A_6, %reduce_max3A [1] : vector<1x32x8192xf32> to vector<1x8192xf32>
    %broadcast_in_dim3A_11 = vector.shape_cast %reduce_max3A_10 : vector<1x8192xf32> to vector<1x1x8192xf32>
    %eq3A = vector.broadcast %broadcast_in_dim3A_11 : vector<1x1x8192xf32> to vector<1x32x8192xf32>
    %eq3A_12 = arith.cmpf oeq, %get3A_6, %eq3A : vector<1x32x8192xf32>
    %jit3A = arith.constant 64 : i32
    %broadcast_in_dim3A_13 = vector.broadcast %jit3A : i32 to vector<1x32x8192xi32>
    %select_n3A = arith.select %eq3A_12, %iota3A, %broadcast_in_dim3A_13 : vector<1x32x8192xi1>, vector<1x32x8192xi32>
    %reduce_min3A = arith.constant dense<2147483647> : vector<1x8192xi32>
    %reduce_min3A_14 = vector.multi_reduction <minsi>, %select_n3A, %reduce_min3A [1] : vector<1x32x8192xi32> to vector<1x8192xi32>
    %broadcast_in_dim3A_15 = vector.shape_cast %reduce_min3A_14 : vector<1x8192xi32> to vector<1x1x8192xi32>
    %ne3A = arith.constant 0 : i32
    %ne3A_16 = vector.broadcast %ne3A : i32 to vector<1x1x8192xi32>
    %ne3A_17 = arith.cmpi ne, %broadcast_in_dim3A_15, %ne3A_16 : vector<1x1x8192xi32>
    %convert_element_type3A = arith.extui %ne3A_17 : vector<1x1x8192xi1> to vector<1x1x8192xi32>
    %convert_element_type3A_18 = arith.sitofp %convert_element_type3A : vector<1x1x8192xi32> to vector<1x1x8192xf32>
    %eq3A_19 = vector.broadcast %broadcast_in_dim3A_15 : vector<1x1x8192xi32> to vector<1x32x8192xi32>
    %eq3A_20 = arith.cmpi eq, %iota3A, %eq3A_19 : vector<1x32x8192xi32>
    %and3A = vector.broadcast %ne3A_17 : vector<1x1x8192xi1> to vector<1x32x8192xi1>
    %and3A_21 = arith.andi %eq3A_20, %and3A : vector<1x32x8192xi1>
    %jit3A_22 = arith.constant 1.000000e+00 : f32
    %jit3A_23 = arith.constant 0.000000e+00 : f32
    %broadcast_in_dim3A_24 = vector.broadcast %jit3A_22 : f32 to vector<1x32x8192xf32>
    %broadcast_in_dim3A_25 = vector.broadcast %jit3A_23 : f32 to vector<1x32x8192xf32>
    %select_n3A_26 = arith.select %and3A_21, %broadcast_in_dim3A_24, %broadcast_in_dim3A_25 : vector<1x32x8192xi1>, vector<1x32x8192xf32>
    %sub3A_27 = arith.subf %select_n3A_26, %div3A_8 : vector<1x32x8192xf32>
    %abs3A = math.absf %sub3A_27 : vector<1x32x8192xf32>
    %mul3A = vector.broadcast %convert_element_type3A_18 : vector<1x1x8192xf32> to vector<1x32x8192xf32>
    %mul3A_28 = arith.mulf %abs3A, %mul3A : vector<1x32x8192xf32>
    %mul3A_29 = arith.constant 2.560000e+02 : f32
    %mul3A_30 = vector.broadcast %mul3A_29 : f32 to vector<1x32x8192xf32>
    %mul3A_31 = arith.mulf %mul3A_28, %mul3A_30 : vector<1x32x8192xf32>
    %lt3A = arith.constant 0.000000e+00 : f32
    %lt3A_32 = vector.broadcast %lt3A : f32 to vector<1x32x8192xf32>
    %lt3A_33 = arith.cmpf olt, %mul3A_31, %lt3A_32 : vector<1x32x8192xf32>
    %ceil3A = math.ceil %mul3A_31 : vector<1x32x8192xf32>
    %floor3A = math.floor %mul3A_31 : vector<1x32x8192xf32>
    %select_n3A_34 = arith.select %lt3A_33, %ceil3A, %floor3A : vector<1x32x8192xi1>, vector<1x32x8192xf32>
    %min3A = arith.constant 2.550000e+02 : f32
    %min3A_35 = vector.broadcast %min3A : f32 to vector<1x32x8192xf32>
    %min3A_36 = arith.minimumf %select_n3A_34, %min3A_35 : vector<1x32x8192xf32>
    %add3A = arith.addf %min3A_36, %min3A_36 : vector<1x32x8192xf32>
    %add3A_37 = arith.addf %add3A, %select_n3A_26 : vector<1x32x8192xf32>
    %convert_element_type3A_38 = arith.fptosi %add3A_37 : vector<1x32x8192xf32> to vector<1x32x8192xi32>
    %reshape3A = vector.shape_cast %convert_element_type3A_38 : vector<1x32x8192xi32> to vector<32x8192xi32>
    %swap3A = arith.constant 0 : index
    %swap3A_39 = arith.constant 0 : index
    %swap3A_40 = vector.load %arg4[%swap3A, %swap3A_39] : memref<32x8192xi32, #tpu.memory_space<vmem>>, vector<32x8192xi32>
    tpu.vector_store %arg4[%swap3A, %swap3A_39], %reshape3A {strides = array<i32>} : memref<32x8192xi32, #tpu.memory_space<vmem>>, vector<32x8192xi32>,
    %sub3A_41 = arith.constant 1.000000e+00 : f32
    %sub3A_42 = vector.broadcast %sub3A_41 : f32 to vector<1x32x8192xf32>
    %sub3A_43 = arith.subf %sub3A_42, %div3A_8 : vector<1x32x8192xf32>
    %convert_element_type3A_44 = arith.truncf %sub3A_43 : vector<1x32x8192xf32> to vector<1x32x8192xbf16>
    %convert_element_type3A_45 = arith.truncf %div3A_8 : vector<1x32x8192xf32> to vector<1x32x8192xbf16>
    %convert_element_type3A_46 = arith.truncf %get3A_6 : vector<1x32x8192xf32> to vector<1x32x8192xbf16>
    %mul3A_47 = arith.mulf %convert_element_type3A_44, %convert_element_type3A_44 : vector<1x32x8192xbf16>
    %convert_element_type3A_48 = arith.truncf %sub3A_9 : vector<1x32x8192xf32> to vector<1x32x8192xbf16>
    %mul3A_49 = arith.mulf %mul3A_47, %convert_element_type3A_48 : vector<1x32x8192xbf16>
    %mul3A_50 = arith.mulf %convert_element_type3A_45, %convert_element_type3A_45 : vector<1x32x8192xbf16>
    %add3A_51 = arith.constant 9.99999993E-9 : f32
    %add3A_52 = vector.broadcast %add3A_51 : f32 to vector<1x32x8192xf32>
    %add3A_53 = arith.addf %sub3A_43, %add3A_52 : vector<1x32x8192xf32>
    %log3A_54 = math.log %add3A_53 : vector<1x32x8192xf32>
    %convert_element_type3A_55 = arith.truncf %log3A_54 : vector<1x32x8192xf32> to vector<1x32x8192xbf16>
    %mul3A_56 = arith.mulf %mul3A_50, %convert_element_type3A_55 : vector<1x32x8192xbf16>
    %mul3A_57 = arith.constant 3.000000e+00 : bf16
    %mul3A_58 = vector.broadcast %mul3A_57 : bf16 to vector<1x32x8192xbf16>
    %mul3A_59 = arith.mulf %mul3A_58, %mul3A_49 : vector<1x32x8192xbf16>
    %sub3A_60 = arith.subf %mul3A_59, %mul3A_56 : vector<1x32x8192xbf16>
    %mul3A_61 = arith.mulf %sub3A_60, %convert_element_type3A_46 : vector<1x32x8192xbf16>
    %add3A_62 = arith.addf %mul3A_56, %mul3A_61 : vector<1x32x8192xbf16>
    %convert_element_type3A_63 = arith.extf %add3A_62 : vector<1x32x8192xbf16> to vector<1x32x8192xf32>
    %reduce_sum3A_64 = arith.constant dense<0.000000e+00> : vector<1x8192xf32>
    %reduce_sum3A_65 = vector.multi_reduction <add>, %convert_element_type3A_63, %reduce_sum3A_64 [1] : vector<1x32x8192xf32> to vector<1x8192xf32>
    %broadcast_in_dim3A_66 = vector.shape_cast %reduce_sum3A_65 : vector<1x8192xf32> to vector<1x1x8192xf32>
    %mul3A_67 = arith.mulf %broadcast_in_dim3A_66, %convert_element_type3A_18 : vector<1x1x8192xf32>
    %reduce_sum3A_68 = vector.shape_cast %mul3A_67 : vector<1x1x8192xf32> to vector<1x1x1x8192xf32>
    %reduce_sum3A_69 = arith.constant dense<0.000000e+00> : vector<1xf32>
    %reduce_sum3A_70 = vector.multi_reduction <add>, %reduce_sum3A_68, %reduce_sum3A_69 [1, 2, 3] : vector<1x1x1x8192xf32> to vector<1xf32>
    %reduce_sum3A_71 = vector.shape_cast %reduce_sum3A_70 : vector<1xf32> to vector<1x1x1x1xf32>
    %reduce_sum3A_72 = vector.extract %reduce_sum3A_71[0, 0, 0, 0] : f32 from vector<1x1x1x1xf32>
    %mul3A_73 = arith.constant -2.500000e-01 : f32
    %mul3A_74 = arith.mulf %mul3A_73, %reduce_sum3A_72 : f32
    %reduce_sum3A_75 = vector.shape_cast %convert_element_type3A_18 : vector<1x1x8192xf32> to vector<1x1x1x8192xf32>
    %reduce_sum3A_76 = arith.constant dense<0.000000e+00> : vector<1xf32>
    %reduce_sum3A_77 = vector.multi_reduction <add>, %reduce_sum3A_75, %reduce_sum3A_76 [1, 2, 3] : vector<1x1x1x8192xf32> to vector<1xf32>
    %reduce_sum3A_78 = vector.shape_cast %reduce_sum3A_77 : vector<1xf32> to vector<1x1x1x1xf32>
    %reduce_sum3A_79 = vector.extract %reduce_sum3A_78[0, 0, 0, 0] : f32 from vector<1x1x1x1xf32>
    %iota3A_80 = tpu.iota {dimensions = array<i32: 1>} : vector<8x128xi32>
    %eq3A_81 = arith.constant 0 : i32
    %eq3A_82 = vector.broadcast %eq3A_81 : i32 to vector<8x128xi32>
    %eq3A_83 = arith.cmpi eq, %iota3A_80, %eq3A_82 : vector<8x128xi32>
    %jit3A_84 = arith.constant 0.000000e+00 : f32
    %broadcast_in_dim3A_85 = vector.broadcast %mul3A_74 : f32 to vector<8x128xf32>
    %broadcast_in_dim3A_86 = vector.broadcast %jit3A_84 : f32 to vector<8x128xf32>
    %select_n3A_87 = arith.select %eq3A_83, %broadcast_in_dim3A_85, %broadcast_in_dim3A_86 : vector<8x128xi1>, vector<8x128xf32>
    %eq3A_88 = arith.constant 1 : i32
    %eq3A_89 = vector.broadcast %eq3A_88 : i32 to vector<8x128xi32>
    %eq3A_90 = arith.cmpi eq, %iota3A_80, %eq3A_89 : vector<8x128xi32>
    %jit3A_91 = arith.constant 0.000000e+00 : f32
    %broadcast_in_dim3A_92 = vector.broadcast %reduce_sum3A_79 : f32 to vector<8x128xf32>
    %broadcast_in_dim3A_93 = vector.broadcast %jit3A_91 : f32 to vector<8x128xf32>
    %select_n3A_94 = arith.select %eq3A_90, %broadcast_in_dim3A_92, %broadcast_in_dim3A_93 : vector<8x128xi1>, vector<8x128xf32>
    %add3A_95 = arith.addf %select_n3A_87, %select_n3A_94 : vector<8x128xf32>
    %eq3A_96 = arith.constant 0 : i32
    %eq3A_97 = arith.cmpi eq, %arg0, %eq3A_96 : i32
    %eq3A_98 = arith.constant 0 : i32
    %eq3A_99 = arith.cmpi eq, %arg1, %eq3A_98 : i32
    %and3A_100 = arith.andi %eq3A_97, %eq3A_99 : i1
    %convert_element_type3A_101 = arith.extui %and3A_100 : i1 to i32
    %cond3A = arith.constant 0 : i32
    %cond3A_102 = arith.cmpi ne, %convert_element_type3A_101, %cond3A : i32
    scf.if %cond3A_102 {
      %swap3A_115 = arith.constant 0 : index
      %swap3A_116 = arith.constant 0 : index
      %swap3A_117 = vector.load %arg6[%swap3A_115, %swap3A_116] : memref<8x128xf32, #tpu.memory_space<vmem>>, vector<8x128xf32>
      tpu.vector_store %arg6[%swap3A_115, %swap3A_116], %add3A_95 {strides = array<i32>} : memref<8x128xf32, #tpu.memory_space<vmem>>, vector<8x128xf32>,
    } else {
    }
    %not3A = arith.constant true
    %not3A_103 = arith.xori %and3A_100, %not3A : i1
    %convert_element_type3A_104 = arith.extui %not3A_103 : i1 to i32
    %cond3A_105 = arith.constant 0 : i32
    %cond3A_106 = arith.cmpi ne, %convert_element_type3A_104, %cond3A_105 : i32
    scf.if %cond3A_106 {
      %get3A_115 = arith.constant 0 : index
      %get3A_116 = arith.constant 0 : index
      %get3A_117 = vector.load %arg6[%get3A_115, %get3A_116] : memref<8x128xf32, #tpu.memory_space<vmem>>, vector<8x128xf32>
      %add3A_118 = arith.addf %get3A_117, %add3A_95 : vector<8x128xf32>
      %swap3A_119 = arith.constant 0 : index
      %swap3A_120 = arith.constant 0 : index
      %swap3A_121 = vector.load %arg6[%swap3A_119, %swap3A_120] : memref<8x128xf32, #tpu.memory_space<vmem>>, vector<8x128xf32>
      tpu.vector_store %arg6[%swap3A_119, %swap3A_120], %add3A_118 {strides = array<i32>} : memref<8x128xf32, #tpu.memory_space<vmem>>, vector<8x128xf32>,
    } else {
    }
    %eq3A_107 = arith.constant 0 : i32
    %eq3A_108 = arith.cmpi eq, %arg0, %eq3A_107 : i32
    %eq3A_109 = arith.constant 3 : i32
    %eq3A_110 = arith.cmpi eq, %arg1, %eq3A_109 : i32
    %and3A_111 = arith.andi %eq3A_108, %eq3A_110 : i1
    %convert_element_type3A_112 = arith.extui %and3A_111 : i1 to i32
    %cond3A_113 = arith.constant 0 : i32
    %cond3A_114 = arith.cmpi ne, %convert_element_type3A_112, %cond3A_113 : i32
    scf.if %cond3A_114 {
      %get3A_115 = arith.constant 0 : index
      %get3A_116 = arith.constant 0 : index
      %get3A_117 = vector.load %arg6[%get3A_115, %get3A_116] : memref<8x128xf32, #tpu.memory_space<vmem>>, vector<8x128xf32>
      %swap3A_118 = arith.constant 0 : index
      %swap3A_119 = arith.constant 0 : index
      %swap3A_120 = vector.load %arg5[%swap3A_118, %swap3A_119] : memref<8x128xf32, #tpu.memory_space<vmem>>, vector<8x128xf32>
      tpu.vector_store %arg5[%swap3A_118, %swap3A_119], %get3A_117 {strides = array<i32>} : memref<8x128xf32, #tpu.memory_space<vmem>>, vector<8x128xf32>,
    } else {
    }
    return
  }
  func.func @transform_0(%arg0: i32, %arg1: i32) -> (i32, i32, i32) {
    %add3A = arith.constant 3 : i32
    %add3A_0 = arith.addi %add3A, %arg0 : i32
    %c0_i32 = arith.constant 0 : i32
    %c0_i32_1 = arith.constant 0 : i32
    return %add3A_0, %c0_i32, %arg1 : i32, i32, i32
  }
  func.func @transform_1(%arg0: i32, %arg1: i32) -> (i32, i32, i32) {
    %add3A = arith.constant 3 : i32
    %add3A_0 = arith.addi %add3A, %arg0 : i32
    %c0_i32 = arith.constant 0 : i32
    %c0_i32_1 = arith.constant 0 : i32
    return %add3A_0, %c0_i32, %arg1 : i32, i32, i32
  }
  func.func @transform_2(%arg0: i32, %arg1: i32) -> (i32, i32) {
    %c0_i32 = arith.constant 0 : i32
    return %arg0, %arg1 : i32, i32
  }
  func.func @transform_3(%arg0: i32, %arg1: i32) -> (i32, i32) {
    %c0_i32 = arith.constant 0 : i32
    %c0_i32_0 = arith.constant 0 : i32
    %c0_i32_1 = arith.constant 0 : i32
    return %c0_i32, %c0_i32_0 : i32, i32
  }
}

module attributes {stable_mosaic.version = 14 : i64} {
  func.func @_tc2_body(%arg0: memref<32x8192xi32, #tpu.memory_space<vmem>>, %arg1: memref<32x8192xi32, #tpu.memory_space<vmem>>, %arg2: memref<32x8192xi32, #tpu.memory_space<vmem>>, %arg3: memref<32x8192xi32, #tpu.memory_space<vmem>>, %arg4: memref<8x128xf32, #tpu.memory_space<vmem>>, %arg5: memref<8x128xf32, #tpu.memory_space<vmem>>, %arg6: memref<8x128xf32, #tpu.memory_space<vmem>>, %arg7: memref<8x128xf32, #tpu.memory_space<vmem>>, %arg8: memref<8x128xf32, #tpu.memory_space<vmem>>) attributes {dimension_semantics = [], scalar_prefetch = 0 : i64, scratch_operands = 0 : i64, tpu.core_type = #tpu.core_type<tc>} {
    %get3A = arith.constant 0 : index
    %get3A_0 = arith.constant 0 : index
    %get3A_1 = vector.load %arg0[%get3A, %get3A_0] : memref<32x8192xi32, #tpu.memory_space<vmem>>, vector<32x8192xi32>
    %slice3A = vector.extract_strided_slice %get3A_1 {offsets = [0, 0], sizes = [32, 512], strides = [1, 1]} : vector<32x8192xi32> to vector<32x512xi32>
    %slice3A_2 = vector.extract_strided_slice %get3A_1 {offsets = [0, 512], sizes = [32, 512], strides = [1, 1]} : vector<32x8192xi32> to vector<32x512xi32>
    %add3A = arith.addi %slice3A, %slice3A_2 : vector<32x512xi32>
    %slice3A_3 = vector.extract_strided_slice %get3A_1 {offsets = [0, 1024], sizes = [32, 512], strides = [1, 1]} : vector<32x8192xi32> to vector<32x512xi32>
    %add3A_4 = arith.addi %add3A, %slice3A_3 : vector<32x512xi32>
    %slice3A_5 = vector.extract_strided_slice %get3A_1 {offsets = [0, 1536], sizes = [32, 512], strides = [1, 1]} : vector<32x8192xi32> to vector<32x512xi32>
    %add3A_6 = arith.addi %add3A_4, %slice3A_5 : vector<32x512xi32>
    %slice3A_7 = vector.extract_strided_slice %get3A_1 {offsets = [0, 2048], sizes = [32, 512], strides = [1, 1]} : vector<32x8192xi32> to vector<32x512xi32>
    %add3A_8 = arith.addi %add3A_6, %slice3A_7 : vector<32x512xi32>
    %slice3A_9 = vector.extract_strided_slice %get3A_1 {offsets = [0, 2560], sizes = [32, 512], strides = [1, 1]} : vector<32x8192xi32> to vector<32x512xi32>
    %add3A_10 = arith.addi %add3A_8, %slice3A_9 : vector<32x512xi32>
    %slice3A_11 = vector.extract_strided_slice %get3A_1 {offsets = [0, 3072], sizes = [32, 512], strides = [1, 1]} : vector<32x8192xi32> to vector<32x512xi32>
    %add3A_12 = arith.addi %add3A_10, %slice3A_11 : vector<32x512xi32>
    %slice3A_13 = vector.extract_strided_slice %get3A_1 {offsets = [0, 3584], sizes = [32, 512], strides = [1, 1]} : vector<32x8192xi32> to vector<32x512xi32>
    %add3A_14 = arith.addi %add3A_12, %slice3A_13 : vector<32x512xi32>
    %slice3A_15 = vector.extract_strided_slice %get3A_1 {offsets = [0, 4096], sizes = [32, 512], strides = [1, 1]} : vector<32x8192xi32> to vector<32x512xi32>
    %add3A_16 = arith.addi %add3A_14, %slice3A_15 : vector<32x512xi32>
    %slice3A_17 = vector.extract_strided_slice %get3A_1 {offsets = [0, 4608], sizes = [32, 512], strides = [1, 1]} : vector<32x8192xi32> to vector<32x512xi32>
    %add3A_18 = arith.addi %add3A_16, %slice3A_17 : vector<32x512xi32>
    %slice3A_19 = vector.extract_strided_slice %get3A_1 {offsets = [0, 5120], sizes = [32, 512], strides = [1, 1]} : vector<32x8192xi32> to vector<32x512xi32>
    %add3A_20 = arith.addi %add3A_18, %slice3A_19 : vector<32x512xi32>
    %slice3A_21 = vector.extract_strided_slice %get3A_1 {offsets = [0, 5632], sizes = [32, 512], strides = [1, 1]} : vector<32x8192xi32> to vector<32x512xi32>
    %add3A_22 = arith.addi %add3A_20, %slice3A_21 : vector<32x512xi32>
    %slice3A_23 = vector.extract_strided_slice %get3A_1 {offsets = [0, 6144], sizes = [32, 512], strides = [1, 1]} : vector<32x8192xi32> to vector<32x512xi32>
    %add3A_24 = arith.addi %add3A_22, %slice3A_23 : vector<32x512xi32>
    %slice3A_25 = vector.extract_strided_slice %get3A_1 {offsets = [0, 6656], sizes = [32, 512], strides = [1, 1]} : vector<32x8192xi32> to vector<32x512xi32>
    %add3A_26 = arith.addi %add3A_24, %slice3A_25 : vector<32x512xi32>
    %slice3A_27 = vector.extract_strided_slice %get3A_1 {offsets = [0, 7168], sizes = [32, 512], strides = [1, 1]} : vector<32x8192xi32> to vector<32x512xi32>
    %add3A_28 = arith.addi %add3A_26, %slice3A_27 : vector<32x512xi32>
    %slice3A_29 = vector.extract_strided_slice %get3A_1 {offsets = [0, 7680], sizes = [32, 512], strides = [1, 1]} : vector<32x8192xi32> to vector<32x512xi32>
    %add3A_30 = arith.addi %add3A_28, %slice3A_29 : vector<32x512xi32>
    %get3A_31 = arith.constant 0 : index
    %get3A_32 = arith.constant 0 : index
    %get3A_33 = vector.load %arg1[%get3A_31, %get3A_32] : memref<32x8192xi32, #tpu.memory_space<vmem>>, vector<32x8192xi32>
    %slice3A_34 = vector.extract_strided_slice %get3A_33 {offsets = [0, 0], sizes = [32, 512], strides = [1, 1]} : vector<32x8192xi32> to vector<32x512xi32>
    %slice3A_35 = vector.extract_strided_slice %get3A_33 {offsets = [0, 512], sizes = [32, 512], strides = [1, 1]} : vector<32x8192xi32> to vector<32x512xi32>
    %add3A_36 = arith.addi %slice3A_34, %slice3A_35 : vector<32x512xi32>
    %slice3A_37 = vector.extract_strided_slice %get3A_33 {offsets = [0, 1024], sizes = [32, 512], strides = [1, 1]} : vector<32x8192xi32> to vector<32x512xi32>
    %add3A_38 = arith.addi %add3A_36, %slice3A_37 : vector<32x512xi32>
    %slice3A_39 = vector.extract_strided_slice %get3A_33 {offsets = [0, 1536], sizes = [32, 512], strides = [1, 1]} : vector<32x8192xi32> to vector<32x512xi32>
    %add3A_40 = arith.addi %add3A_38, %slice3A_39 : vector<32x512xi32>
    %slice3A_41 = vector.extract_strided_slice %get3A_33 {offsets = [0, 2048], sizes = [32, 512], strides = [1, 1]} : vector<32x8192xi32> to vector<32x512xi32>
    %add3A_42 = arith.addi %add3A_40, %slice3A_41 : vector<32x512xi32>
    %slice3A_43 = vector.extract_strided_slice %get3A_33 {offsets = [0, 2560], sizes = [32, 512], strides = [1, 1]} : vector<32x8192xi32> to vector<32x512xi32>
    %add3A_44 = arith.addi %add3A_42, %slice3A_43 : vector<32x512xi32>
    %slice3A_45 = vector.extract_strided_slice %get3A_33 {offsets = [0, 3072], sizes = [32, 512], strides = [1, 1]} : vector<32x8192xi32> to vector<32x512xi32>
    %add3A_46 = arith.addi %add3A_44, %slice3A_45 : vector<32x512xi32>
    %slice3A_47 = vector.extract_strided_slice %get3A_33 {offsets = [0, 3584], sizes = [32, 512], strides = [1, 1]} : vector<32x8192xi32> to vector<32x512xi32>
    %add3A_48 = arith.addi %add3A_46, %slice3A_47 : vector<32x512xi32>
    %slice3A_49 = vector.extract_strided_slice %get3A_33 {offsets = [0, 4096], sizes = [32, 512], strides = [1, 1]} : vector<32x8192xi32> to vector<32x512xi32>
    %add3A_50 = arith.addi %add3A_48, %slice3A_49 : vector<32x512xi32>
    %slice3A_51 = vector.extract_strided_slice %get3A_33 {offsets = [0, 4608], sizes = [32, 512], strides = [1, 1]} : vector<32x8192xi32> to vector<32x512xi32>
    %add3A_52 = arith.addi %add3A_50, %slice3A_51 : vector<32x512xi32>
    %slice3A_53 = vector.extract_strided_slice %get3A_33 {offsets = [0, 5120], sizes = [32, 512], strides = [1, 1]} : vector<32x8192xi32> to vector<32x512xi32>
    %add3A_54 = arith.addi %add3A_52, %slice3A_53 : vector<32x512xi32>
    %slice3A_55 = vector.extract_strided_slice %get3A_33 {offsets = [0, 5632], sizes = [32, 512], strides = [1, 1]} : vector<32x8192xi32> to vector<32x512xi32>
    %add3A_56 = arith.addi %add3A_54, %slice3A_55 : vector<32x512xi32>
    %slice3A_57 = vector.extract_strided_slice %get3A_33 {offsets = [0, 6144], sizes = [32, 512], strides = [1, 1]} : vector<32x8192xi32> to vector<32x512xi32>
    %add3A_58 = arith.addi %add3A_56, %slice3A_57 : vector<32x512xi32>
    %slice3A_59 = vector.extract_strided_slice %get3A_33 {offsets = [0, 6656], sizes = [32, 512], strides = [1, 1]} : vector<32x8192xi32> to vector<32x512xi32>
    %add3A_60 = arith.addi %add3A_58, %slice3A_59 : vector<32x512xi32>
    %slice3A_61 = vector.extract_strided_slice %get3A_33 {offsets = [0, 7168], sizes = [32, 512], strides = [1, 1]} : vector<32x8192xi32> to vector<32x512xi32>
    %add3A_62 = arith.addi %add3A_60, %slice3A_61 : vector<32x512xi32>
    %slice3A_63 = vector.extract_strided_slice %get3A_33 {offsets = [0, 7680], sizes = [32, 512], strides = [1, 1]} : vector<32x8192xi32> to vector<32x512xi32>
    %add3A_64 = arith.addi %add3A_62, %slice3A_63 : vector<32x512xi32>
    %get3A_65 = arith.constant 0 : index
    %get3A_66 = arith.constant 0 : index
    %get3A_67 = vector.load %arg2[%get3A_65, %get3A_66] : memref<32x8192xi32, #tpu.memory_space<vmem>>, vector<32x8192xi32>
    %slice3A_68 = vector.extract_strided_slice %get3A_67 {offsets = [0, 0], sizes = [32, 512], strides = [1, 1]} : vector<32x8192xi32> to vector<32x512xi32>
    %slice3A_69 = vector.extract_strided_slice %get3A_67 {offsets = [0, 512], sizes = [32, 512], strides = [1, 1]} : vector<32x8192xi32> to vector<32x512xi32>
    %add3A_70 = arith.addi %slice3A_68, %slice3A_69 : vector<32x512xi32>
    %slice3A_71 = vector.extract_strided_slice %get3A_67 {offsets = [0, 1024], sizes = [32, 512], strides = [1, 1]} : vector<32x8192xi32> to vector<32x512xi32>
    %add3A_72 = arith.addi %add3A_70, %slice3A_71 : vector<32x512xi32>
    %slice3A_73 = vector.extract_strided_slice %get3A_67 {offsets = [0, 1536], sizes = [32, 512], strides = [1, 1]} : vector<32x8192xi32> to vector<32x512xi32>
    %add3A_74 = arith.addi %add3A_72, %slice3A_73 : vector<32x512xi32>
    %slice3A_75 = vector.extract_strided_slice %get3A_67 {offsets = [0, 2048], sizes = [32, 512], strides = [1, 1]} : vector<32x8192xi32> to vector<32x512xi32>
    %add3A_76 = arith.addi %add3A_74, %slice3A_75 : vector<32x512xi32>
    %slice3A_77 = vector.extract_strided_slice %get3A_67 {offsets = [0, 2560], sizes = [32, 512], strides = [1, 1]} : vector<32x8192xi32> to vector<32x512xi32>
    %add3A_78 = arith.addi %add3A_76, %slice3A_77 : vector<32x512xi32>
    %slice3A_79 = vector.extract_strided_slice %get3A_67 {offsets = [0, 3072], sizes = [32, 512], strides = [1, 1]} : vector<32x8192xi32> to vector<32x512xi32>
    %add3A_80 = arith.addi %add3A_78, %slice3A_79 : vector<32x512xi32>
    %slice3A_81 = vector.extract_strided_slice %get3A_67 {offsets = [0, 3584], sizes = [32, 512], strides = [1, 1]} : vector<32x8192xi32> to vector<32x512xi32>
    %add3A_82 = arith.addi %add3A_80, %slice3A_81 : vector<32x512xi32>
    %slice3A_83 = vector.extract_strided_slice %get3A_67 {offsets = [0, 4096], sizes = [32, 512], strides = [1, 1]} : vector<32x8192xi32> to vector<32x512xi32>
    %add3A_84 = arith.addi %add3A_82, %slice3A_83 : vector<32x512xi32>
    %slice3A_85 = vector.extract_strided_slice %get3A_67 {offsets = [0, 4608], sizes = [32, 512], strides = [1, 1]} : vector<32x8192xi32> to vector<32x512xi32>
    %add3A_86 = arith.addi %add3A_84, %slice3A_85 : vector<32x512xi32>
    %slice3A_87 = vector.extract_strided_slice %get3A_67 {offsets = [0, 5120], sizes = [32, 512], strides = [1, 1]} : vector<32x8192xi32> to vector<32x512xi32>
    %add3A_88 = arith.addi %add3A_86, %slice3A_87 : vector<32x512xi32>
    %slice3A_89 = vector.extract_strided_slice %get3A_67 {offsets = [0, 5632], sizes = [32, 512], strides = [1, 1]} : vector<32x8192xi32> to vector<32x512xi32>
    %add3A_90 = arith.addi %add3A_88, %slice3A_89 : vector<32x512xi32>
    %slice3A_91 = vector.extract_strided_slice %get3A_67 {offsets = [0, 6144], sizes = [32, 512], strides = [1, 1]} : vector<32x8192xi32> to vector<32x512xi32>
    %add3A_92 = arith.addi %add3A_90, %slice3A_91 : vector<32x512xi32>
    %slice3A_93 = vector.extract_strided_slice %get3A_67 {offsets = [0, 6656], sizes = [32, 512], strides = [1, 1]} : vector<32x8192xi32> to vector<32x512xi32>
    %add3A_94 = arith.addi %add3A_92, %slice3A_93 : vector<32x512xi32>
    %slice3A_95 = vector.extract_strided_slice %get3A_67 {offsets = [0, 7168], sizes = [32, 512], strides = [1, 1]} : vector<32x8192xi32> to vector<32x512xi32>
    %add3A_96 = arith.addi %add3A_94, %slice3A_95 : vector<32x512xi32>
    %slice3A_97 = vector.extract_strided_slice %get3A_67 {offsets = [0, 7680], sizes = [32, 512], strides = [1, 1]} : vector<32x8192xi32> to vector<32x512xi32>
    %add3A_98 = arith.addi %add3A_96, %slice3A_97 : vector<32x512xi32>
    %get3A_99 = arith.constant 0 : index
    %get3A_100 = arith.constant 0 : index
    %get3A_101 = vector.load %arg3[%get3A_99, %get3A_100] : memref<32x8192xi32, #tpu.memory_space<vmem>>, vector<32x8192xi32>
    %slice3A_102 = vector.extract_strided_slice %get3A_101 {offsets = [0, 0], sizes = [32, 512], strides = [1, 1]} : vector<32x8192xi32> to vector<32x512xi32>
    %slice3A_103 = vector.extract_strided_slice %get3A_101 {offsets = [0, 512], sizes = [32, 512], strides = [1, 1]} : vector<32x8192xi32> to vector<32x512xi32>
    %add3A_104 = arith.addi %slice3A_102, %slice3A_103 : vector<32x512xi32>
    %slice3A_105 = vector.extract_strided_slice %get3A_101 {offsets = [0, 1024], sizes = [32, 512], strides = [1, 1]} : vector<32x8192xi32> to vector<32x512xi32>
    %add3A_106 = arith.addi %add3A_104, %slice3A_105 : vector<32x512xi32>
    %slice3A_107 = vector.extract_strided_slice %get3A_101 {offsets = [0, 1536], sizes = [32, 512], strides = [1, 1]} : vector<32x8192xi32> to vector<32x512xi32>
    %add3A_108 = arith.addi %add3A_106, %slice3A_107 : vector<32x512xi32>
    %slice3A_109 = vector.extract_strided_slice %get3A_101 {offsets = [0, 2048], sizes = [32, 512], strides = [1, 1]} : vector<32x8192xi32> to vector<32x512xi32>
    %add3A_110 = arith.addi %add3A_108, %slice3A_109 : vector<32x512xi32>
    %slice3A_111 = vector.extract_strided_slice %get3A_101 {offsets = [0, 2560], sizes = [32, 512], strides = [1, 1]} : vector<32x8192xi32> to vector<32x512xi32>
    %add3A_112 = arith.addi %add3A_110, %slice3A_111 : vector<32x512xi32>
    %slice3A_113 = vector.extract_strided_slice %get3A_101 {offsets = [0, 3072], sizes = [32, 512], strides = [1, 1]} : vector<32x8192xi32> to vector<32x512xi32>
    %add3A_114 = arith.addi %add3A_112, %slice3A_113 : vector<32x512xi32>
    %slice3A_115 = vector.extract_strided_slice %get3A_101 {offsets = [0, 3584], sizes = [32, 512], strides = [1, 1]} : vector<32x8192xi32> to vector<32x512xi32>
    %add3A_116 = arith.addi %add3A_114, %slice3A_115 : vector<32x512xi32>
    %slice3A_117 = vector.extract_strided_slice %get3A_101 {offsets = [0, 4096], sizes = [32, 512], strides = [1, 1]} : vector<32x8192xi32> to vector<32x512xi32>
    %add3A_118 = arith.addi %add3A_116, %slice3A_117 : vector<32x512xi32>
    %slice3A_119 = vector.extract_strided_slice %get3A_101 {offsets = [0, 4608], sizes = [32, 512], strides = [1, 1]} : vector<32x8192xi32> to vector<32x512xi32>
    %add3A_120 = arith.addi %add3A_118, %slice3A_119 : vector<32x512xi32>
    %slice3A_121 = vector.extract_strided_slice %get3A_101 {offsets = [0, 5120], sizes = [32, 512], strides = [1, 1]} : vector<32x8192xi32> to vector<32x512xi32>
    %add3A_122 = arith.addi %add3A_120, %slice3A_121 : vector<32x512xi32>
    %slice3A_123 = vector.extract_strided_slice %get3A_101 {offsets = [0, 5632], sizes = [32, 512], strides = [1, 1]} : vector<32x8192xi32> to vector<32x512xi32>
    %add3A_124 = arith.addi %add3A_122, %slice3A_123 : vector<32x512xi32>
    %slice3A_125 = vector.extract_strided_slice %get3A_101 {offsets = [0, 6144], sizes = [32, 512], strides = [1, 1]} : vector<32x8192xi32> to vector<32x512xi32>
    %add3A_126 = arith.addi %add3A_124, %slice3A_125 : vector<32x512xi32>
    %slice3A_127 = vector.extract_strided_slice %get3A_101 {offsets = [0, 6656], sizes = [32, 512], strides = [1, 1]} : vector<32x8192xi32> to vector<32x512xi32>
    %add3A_128 = arith.addi %add3A_126, %slice3A_127 : vector<32x512xi32>
    %slice3A_129 = vector.extract_strided_slice %get3A_101 {offsets = [0, 7168], sizes = [32, 512], strides = [1, 1]} : vector<32x8192xi32> to vector<32x512xi32>
    %add3A_130 = arith.addi %add3A_128, %slice3A_129 : vector<32x512xi32>
    %slice3A_131 = vector.extract_strided_slice %get3A_101 {offsets = [0, 7680], sizes = [32, 512], strides = [1, 1]} : vector<32x8192xi32> to vector<32x512xi32>
    %add3A_132 = arith.addi %add3A_130, %slice3A_131 : vector<32x512xi32>
    %concatenate3A = tpu.concatenate %add3A_30, %add3A_64, %add3A_98, %add3A_132 in 0 : vector<32x512xi32>, vector<32x512xi32>, vector<32x512xi32>, vector<32x512xi32> -> vector<128x512xi32>
    %convert_element_type3A = arith.sitofp %concatenate3A : vector<128x512xi32> to vector<128x512xf32>
    %iota3A = tpu.iota {dimensions = array<i32: 0>} : vector<512x256xi32>
    %iota3A_133 = tpu.iota {dimensions = array<i32: 1>} : vector<512x256xi32>
    %shift_right_logical3A = arith.constant 1 : i32
    %shift_right_logical3A_134 = vector.broadcast %shift_right_logical3A : i32 to vector<512x256xi32>
    %shift_right_logical3A_135 = arith.shrui %iota3A, %shift_right_logical3A_134 : vector<512x256xi32>
    %ge3A = arith.cmpi sge, %shift_right_logical3A_135, %iota3A_133 : vector<512x256xi32>
    %and3A = arith.constant 1 : i32
    %and3A_136 = vector.broadcast %and3A : i32 to vector<512x256xi32>
    %and3A_137 = arith.andi %iota3A, %and3A_136 : vector<512x256xi32>
    %eq3A = arith.constant 1 : i32
    %eq3A_138 = vector.broadcast %eq3A : i32 to vector<512x256xi32>
    %eq3A_139 = arith.cmpi eq, %and3A_137, %eq3A_138 : vector<512x256xi32>
    %and3A_140 = arith.andi %ge3A, %eq3A_139 : vector<512x256xi1>
    %convert_element_type3A_141 = arith.extui %and3A_140 : vector<512x256xi1> to vector<512x256xi32>
    %convert_element_type3A_142 = arith.sitofp %convert_element_type3A_141 : vector<512x256xi32> to vector<512x256xf32>
    %not3A = arith.constant dense<true> : vector<512x256xi1>
    %not3A_143 = arith.xori %eq3A_139, %not3A : vector<512x256xi1>
    %and3A_144 = arith.andi %ge3A, %not3A_143 : vector<512x256xi1>
    %convert_element_type3A_145 = arith.extui %and3A_144 : vector<512x256xi1> to vector<512x256xi32>
    %convert_element_type3A_146 = arith.sitofp %convert_element_type3A_145 : vector<512x256xi32> to vector<512x256xf32>
    %dot_general3A = arith.constant dense<0.000000e+00> : vector<128x256xf32>
    %dot_general3A_147 = tpu.matmul %convert_element_type3A, %convert_element_type3A_142, %dot_general3A {dimension_numbers = #tpu.dot_dimension_numbers<[1], [0], [0], [1], [0, 0, 1, 1], [], []>, precision = #tpu.contract_precision<fp32>, transpose_lhs_hint = false} : vector<128x512xf32>, vector<512x256xf32>, vector<128x256xf32> -> vector<128x256xf32>
    %dot_general3A_148 = arith.constant dense<0.000000e+00> : vector<128x256xf32>
    %dot_general3A_149 = tpu.matmul %convert_element_type3A, %convert_element_type3A_146, %dot_general3A_148 {dimension_numbers = #tpu.dot_dimension_numbers<[1], [0], [0], [1], [0, 0, 1, 1], [], []>, precision = #tpu.contract_precision<fp32>, transpose_lhs_hint = false} : vector<128x512xf32>, vector<512x256xf32>, vector<128x256xf32> -> vector<128x256xf32>
    %slice3A_150 = vector.extract_strided_slice %dot_general3A_147 {offsets = [0, 0], sizes = [128, 1], strides = [1, 1]} : vector<128x256xf32> to vector<128x1xf32>
    %add3A_151 = arith.addf %dot_general3A_147, %dot_general3A_149 : vector<128x256xf32>
    %add3A_152 = vector.broadcast %slice3A_150 : vector<128x1xf32> to vector<128x256xf32>
    %add3A_153 = arith.addf %add3A_152, %dot_general3A_149 : vector<128x256xf32>
    %max3A = arith.constant 1.000000e+00 : f32
    %max3A_154 = vector.broadcast %max3A : f32 to vector<128x256xf32>
    %max3A_155 = arith.maximumf %add3A_153, %max3A_154 : vector<128x256xf32>
    %div3A = arith.divf %add3A_151, %max3A_155 : vector<128x256xf32>
    %reduce_sum3A = arith.constant dense<0.000000e+00> : vector<128xf32>
    %reduce_sum3A_156 = vector.multi_reduction <add>, %div3A, %reduce_sum3A [1] : vector<128x256xf32> to vector<128xf32>
    %broadcast_in_dim3A = vector.shape_cast %reduce_sum3A_156 : vector<128xf32> to vector<128x1xf32>
    %sub3A = arith.constant 5.000000e-01 : f32
    %sub3A_157 = vector.broadcast %sub3A : f32 to vector<128x1xf32>
    %sub3A_158 = arith.subf %broadcast_in_dim3A, %sub3A_157 : vector<128x1xf32>
    %mul3A = arith.constant 3.906250e-03 : f32
    %mul3A_159 = vector.broadcast %mul3A : f32 to vector<128x1xf32>
    %mul3A_160 = arith.mulf %sub3A_158, %mul3A_159 : vector<128x1xf32>
    %gt3A = arith.constant 0.000000e+00 : f32
    %gt3A_161 = vector.broadcast %gt3A : f32 to vector<128x1xf32>
    %gt3A_162 = arith.cmpf ogt, %slice3A_150, %gt3A_161 : vector<128x1xf32>
    %convert_element_type3A_163 = arith.extui %gt3A_162 : vector<128x1xi1> to vector<128x1xi32>
    %convert_element_type3A_164 = arith.sitofp %convert_element_type3A_163 : vector<128x1xi32> to vector<128x1xf32>
    %iota3A_165 = tpu.iota {dimensions = array<i32: 0>} : vector<128x1xi32>
    %jit3A = arith.constant 32 : i32
    %div3A_166 = vector.broadcast %jit3A : i32 to vector<128x1xi32>
    %div3A_167 = arith.divsi %iota3A_165, %div3A_166 : vector<128x1xi32>
    %sign3A = arith.constant 0 : i32
    %sign3A_168 = vector.broadcast %sign3A : i32 to vector<128x1xi32>
    %sign3A_169 = arith.cmpi sgt, %iota3A_165, %sign3A_168 : vector<128x1xi32>
    %sign3A_170 = arith.extui %sign3A_169 : vector<128x1xi1> to vector<128x1xi32>
    %sign3A_171 = arith.constant 0 : i32
    %sign3A_172 = vector.broadcast %sign3A_171 : i32 to vector<128x1xi32>
    %sign3A_173 = arith.cmpi slt, %iota3A_165, %sign3A_172 : vector<128x1xi32>
    %sign3A_174 = arith.extui %sign3A_173 : vector<128x1xi1> to vector<128x1xi32>
    %sign3A_175 = arith.subi %sign3A_170, %sign3A_174 : vector<128x1xi32>
    %sign3A_176 = arith.constant 0 : i32
    %sign3A_177 = arith.cmpi sgt, %jit3A, %sign3A_176 : i32
    %sign3A_178 = arith.extui %sign3A_177 : i1 to i32
    %sign3A_179 = arith.constant 0 : i32
    %sign3A_180 = arith.cmpi slt, %jit3A, %sign3A_179 : i32
    %sign3A_181 = arith.extui %sign3A_180 : i1 to i32
    %sign3A_182 = arith.subi %sign3A_178, %sign3A_181 : i32
    %ne3A = vector.broadcast %sign3A_182 : i32 to vector<128x1xi32>
    %ne3A_183 = arith.cmpi ne, %sign3A_175, %ne3A : vector<128x1xi32>
    %rem3A = vector.broadcast %jit3A : i32 to vector<128x1xi32>
    %rem3A_184 = arith.remsi %iota3A_165, %rem3A : vector<128x1xi32>
    %ne3A_185 = arith.constant 0 : i32
    %ne3A_186 = vector.broadcast %ne3A_185 : i32 to vector<128x1xi32>
    %ne3A_187 = arith.cmpi ne, %rem3A_184, %ne3A_186 : vector<128x1xi32>
    %and3A_188 = arith.andi %ne3A_183, %ne3A_187 : vector<128x1xi1>
    %sub3A_189 = arith.constant 1 : i32
    %sub3A_190 = vector.broadcast %sub3A_189 : i32 to vector<128x1xi32>
    %sub3A_191 = arith.subi %div3A_167, %sub3A_190 : vector<128x1xi32>
    %select_n3A = arith.select %and3A_188, %sub3A_191, %div3A_167 : vector<128x1xi1>, vector<128x1xi32>
    %eq3A_192 = arith.constant 0 : i32
    %eq3A_193 = vector.broadcast %eq3A_192 : i32 to vector<128x1xi32>
    %eq3A_194 = arith.cmpi eq, %select_n3A, %eq3A_193 : vector<128x1xi32>
    %convert_element_type3A_195 = arith.extui %eq3A_194 : vector<128x1xi1> to vector<128x1xi32>
    %convert_element_type3A_196 = arith.sitofp %convert_element_type3A_195 : vector<128x1xi32> to vector<128x1xf32>
    %mul3A_197 = arith.mulf %convert_element_type3A_196, %convert_element_type3A_164 : vector<128x1xf32>
    %mul3A_198 = arith.mulf %mul3A_197, %mul3A_160 : vector<128x1xf32>
    %reduce_sum3A_199 = vector.shape_cast %mul3A_198 : vector<128x1xf32> to vector<1x128x1xf32>
    %reduce_sum3A_200 = arith.constant dense<0.000000e+00> : vector<1xf32>
    %reduce_sum3A_201 = vector.multi_reduction <add>, %reduce_sum3A_199, %reduce_sum3A_200 [1, 2] : vector<1x128x1xf32> to vector<1xf32>
    %reduce_sum3A_202 = vector.shape_cast %reduce_sum3A_201 : vector<1xf32> to vector<1x1x1xf32>
    %reduce_sum3A_203 = vector.extract %reduce_sum3A_202[0, 0, 0] : f32 from vector<1x1x1xf32>
    %mul3A_204 = arith.mulf %convert_element_type3A_196, %convert_element_type3A_164 : vector<128x1xf32>
    %reduce_sum3A_205 = vector.shape_cast %mul3A_204 : vector<128x1xf32> to vector<1x128x1xf32>
    %reduce_sum3A_206 = arith.constant dense<0.000000e+00> : vector<1xf32>
    %reduce_sum3A_207 = vector.multi_reduction <add>, %reduce_sum3A_205, %reduce_sum3A_206 [1, 2] : vector<1x128x1xf32> to vector<1xf32>
    %reduce_sum3A_208 = vector.shape_cast %reduce_sum3A_207 : vector<1xf32> to vector<1x1x1xf32>
    %reduce_sum3A_209 = vector.extract %reduce_sum3A_208[0, 0, 0] : f32 from vector<1x1x1xf32>
    %gt3A_210 = arith.constant 0.000000e+00 : f32
    %gt3A_211 = arith.cmpf ogt, %reduce_sum3A_209, %gt3A_210 : f32
    %max3A_212 = arith.constant 1.000000e+00 : f32
    %max3A_213 = arith.maximumf %reduce_sum3A_209, %max3A_212 : f32
    %div3A_214 = arith.divf %reduce_sum3A_203, %max3A_213 : f32
    %jit3A_215 = arith.constant 0.000000e+00 : f32
    %select_n3A_216 = arith.select %gt3A_211, %div3A_214, %jit3A_215 : f32
    %add3A_217 = arith.constant 0.000000e+00 : f32
    %add3A_218 = arith.addf %add3A_217, %select_n3A_216 : f32
    %eq3A_219 = arith.constant 1 : i32
    %eq3A_220 = vector.broadcast %eq3A_219 : i32 to vector<128x1xi32>
    %eq3A_221 = arith.cmpi eq, %select_n3A, %eq3A_220 : vector<128x1xi32>
    %convert_element_type3A_222 = arith.extui %eq3A_221 : vector<128x1xi1> to vector<128x1xi32>
    %convert_element_type3A_223 = arith.sitofp %convert_element_type3A_222 : vector<128x1xi32> to vector<128x1xf32>
    %mul3A_224 = arith.mulf %convert_element_type3A_223, %convert_element_type3A_164 : vector<128x1xf32>
    %mul3A_225 = arith.mulf %mul3A_224, %mul3A_160 : vector<128x1xf32>
    %reduce_sum3A_226 = vector.shape_cast %mul3A_225 : vector<128x1xf32> to vector<1x128x1xf32>
    %reduce_sum3A_227 = arith.constant dense<0.000000e+00> : vector<1xf32>
    %reduce_sum3A_228 = vector.multi_reduction <add>, %reduce_sum3A_226, %reduce_sum3A_227 [1, 2] : vector<1x128x1xf32> to vector<1xf32>
    %reduce_sum3A_229 = vector.shape_cast %reduce_sum3A_228 : vector<1xf32> to vector<1x1x1xf32>
    %reduce_sum3A_230 = vector.extract %reduce_sum3A_229[0, 0, 0] : f32 from vector<1x1x1xf32>
    %mul3A_231 = arith.mulf %convert_element_type3A_223, %convert_element_type3A_164 : vector<128x1xf32>
    %reduce_sum3A_232 = vector.shape_cast %mul3A_231 : vector<128x1xf32> to vector<1x128x1xf32>
    %reduce_sum3A_233 = arith.constant dense<0.000000e+00> : vector<1xf32>
    %reduce_sum3A_234 = vector.multi_reduction <add>, %reduce_sum3A_232, %reduce_sum3A_233 [1, 2] : vector<1x128x1xf32> to vector<1xf32>
    %reduce_sum3A_235 = vector.shape_cast %reduce_sum3A_234 : vector<1xf32> to vector<1x1x1xf32>
    %reduce_sum3A_236 = vector.extract %reduce_sum3A_235[0, 0, 0] : f32 from vector<1x1x1xf32>
    %gt3A_237 = arith.constant 0.000000e+00 : f32
    %gt3A_238 = arith.cmpf ogt, %reduce_sum3A_236, %gt3A_237 : f32
    %max3A_239 = arith.constant 1.000000e+00 : f32
    %max3A_240 = arith.maximumf %reduce_sum3A_236, %max3A_239 : f32
    %div3A_241 = arith.divf %reduce_sum3A_230, %max3A_240 : f32
    %jit3A_242 = arith.constant 0.000000e+00 : f32
    %select_n3A_243 = arith.select %gt3A_238, %div3A_241, %jit3A_242 : f32
    %add3A_244 = arith.addf %add3A_218, %select_n3A_243 : f32
    %eq3A_245 = arith.constant 2 : i32
    %eq3A_246 = vector.broadcast %eq3A_245 : i32 to vector<128x1xi32>
    %eq3A_247 = arith.cmpi eq, %select_n3A, %eq3A_246 : vector<128x1xi32>
    %convert_element_type3A_248 = arith.extui %eq3A_247 : vector<128x1xi1> to vector<128x1xi32>
    %convert_element_type3A_249 = arith.sitofp %convert_element_type3A_248 : vector<128x1xi32> to vector<128x1xf32>
    %mul3A_250 = arith.mulf %convert_element_type3A_249, %convert_element_type3A_164 : vector<128x1xf32>
    %mul3A_251 = arith.mulf %mul3A_250, %mul3A_160 : vector<128x1xf32>
    %reduce_sum3A_252 = vector.shape_cast %mul3A_251 : vector<128x1xf32> to vector<1x128x1xf32>
    %reduce_sum3A_253 = arith.constant dense<0.000000e+00> : vector<1xf32>
    %reduce_sum3A_254 = vector.multi_reduction <add>, %reduce_sum3A_252, %reduce_sum3A_253 [1, 2] : vector<1x128x1xf32> to vector<1xf32>
    %reduce_sum3A_255 = vector.shape_cast %reduce_sum3A_254 : vector<1xf32> to vector<1x1x1xf32>
    %reduce_sum3A_256 = vector.extract %reduce_sum3A_255[0, 0, 0] : f32 from vector<1x1x1xf32>
    %mul3A_257 = arith.mulf %convert_element_type3A_249, %convert_element_type3A_164 : vector<128x1xf32>
    %reduce_sum3A_258 = vector.shape_cast %mul3A_257 : vector<128x1xf32> to vector<1x128x1xf32>
    %reduce_sum3A_259 = arith.constant dense<0.000000e+00> : vector<1xf32>
    %reduce_sum3A_260 = vector.multi_reduction <add>, %reduce_sum3A_258, %reduce_sum3A_259 [1, 2] : vector<1x128x1xf32> to vector<1xf32>
    %reduce_sum3A_261 = vector.shape_cast %reduce_sum3A_260 : vector<1xf32> to vector<1x1x1xf32>
    %reduce_sum3A_262 = vector.extract %reduce_sum3A_261[0, 0, 0] : f32 from vector<1x1x1xf32>
    %gt3A_263 = arith.constant 0.000000e+00 : f32
    %gt3A_264 = arith.cmpf ogt, %reduce_sum3A_262, %gt3A_263 : f32
    %max3A_265 = arith.constant 1.000000e+00 : f32
    %max3A_266 = arith.maximumf %reduce_sum3A_262, %max3A_265 : f32
    %div3A_267 = arith.divf %reduce_sum3A_256, %max3A_266 : f32
    %jit3A_268 = arith.constant 0.000000e+00 : f32
    %select_n3A_269 = arith.select %gt3A_264, %div3A_267, %jit3A_268 : f32
    %add3A_270 = arith.addf %add3A_244, %select_n3A_269 : f32
    %eq3A_271 = arith.constant 3 : i32
    %eq3A_272 = vector.broadcast %eq3A_271 : i32 to vector<128x1xi32>
    %eq3A_273 = arith.cmpi eq, %select_n3A, %eq3A_272 : vector<128x1xi32>
    %convert_element_type3A_274 = arith.extui %eq3A_273 : vector<128x1xi1> to vector<128x1xi32>
    %convert_element_type3A_275 = arith.sitofp %convert_element_type3A_274 : vector<128x1xi32> to vector<128x1xf32>
    %mul3A_276 = arith.mulf %convert_element_type3A_275, %convert_element_type3A_164 : vector<128x1xf32>
    %mul3A_277 = arith.mulf %mul3A_276, %mul3A_160 : vector<128x1xf32>
    %reduce_sum3A_278 = vector.shape_cast %mul3A_277 : vector<128x1xf32> to vector<1x128x1xf32>
    %reduce_sum3A_279 = arith.constant dense<0.000000e+00> : vector<1xf32>
    %reduce_sum3A_280 = vector.multi_reduction <add>, %reduce_sum3A_278, %reduce_sum3A_279 [1, 2] : vector<1x128x1xf32> to vector<1xf32>
    %reduce_sum3A_281 = vector.shape_cast %reduce_sum3A_280 : vector<1xf32> to vector<1x1x1xf32>
    %reduce_sum3A_282 = vector.extract %reduce_sum3A_281[0, 0, 0] : f32 from vector<1x1x1xf32>
    %mul3A_283 = arith.mulf %convert_element_type3A_275, %convert_element_type3A_164 : vector<128x1xf32>
    %reduce_sum3A_284 = vector.shape_cast %mul3A_283 : vector<128x1xf32> to vector<1x128x1xf32>
    %reduce_sum3A_285 = arith.constant dense<0.000000e+00> : vector<1xf32>
    %reduce_sum3A_286 = vector.multi_reduction <add>, %reduce_sum3A_284, %reduce_sum3A_285 [1, 2] : vector<1x128x1xf32> to vector<1xf32>
    %reduce_sum3A_287 = vector.shape_cast %reduce_sum3A_286 : vector<1xf32> to vector<1x1x1xf32>
    %reduce_sum3A_288 = vector.extract %reduce_sum3A_287[0, 0, 0] : f32 from vector<1x1x1xf32>
    %gt3A_289 = arith.constant 0.000000e+00 : f32
    %gt3A_290 = arith.cmpf ogt, %reduce_sum3A_288, %gt3A_289 : f32
    %max3A_291 = arith.constant 1.000000e+00 : f32
    %max3A_292 = arith.maximumf %reduce_sum3A_288, %max3A_291 : f32
    %div3A_293 = arith.divf %reduce_sum3A_282, %max3A_292 : f32
    %jit3A_294 = arith.constant 0.000000e+00 : f32
    %select_n3A_295 = arith.select %gt3A_290, %div3A_293, %jit3A_294 : f32
    %add3A_296 = arith.addf %add3A_270, %select_n3A_295 : f32
    %div3A_297 = arith.constant 4.000000e+00 : f32
    %div3A_298 = arith.divf %add3A_296, %div3A_297 : f32
    %iota3A_299 = tpu.iota {dimensions = array<i32: 1>} : vector<8x128xi32>
    %get3A_300 = arith.constant 0 : index
    %get3A_301 = arith.constant 0 : index
    %get3A_302 = vector.load %arg4[%get3A_300, %get3A_301] : memref<8x128xf32, #tpu.memory_space<vmem>>, vector<8x128xf32>
    %get3A_303 = arith.constant 0 : index
    %get3A_304 = arith.constant 0 : index
    %get3A_305 = vector.load %arg5[%get3A_303, %get3A_304] : memref<8x128xf32, #tpu.memory_space<vmem>>, vector<8x128xf32>
    %add3A_306 = arith.addf %get3A_302, %get3A_305 : vector<8x128xf32>
    %get3A_307 = arith.constant 0 : index
    %get3A_308 = arith.constant 0 : index
    %get3A_309 = vector.load %arg6[%get3A_307, %get3A_308] : memref<8x128xf32, #tpu.memory_space<vmem>>, vector<8x128xf32>
    %add3A_310 = arith.addf %add3A_306, %get3A_309 : vector<8x128xf32>
    %get3A_311 = arith.constant 0 : index
    %get3A_312 = arith.constant 0 : index
    %get3A_313 = vector.load %arg7[%get3A_311, %get3A_312] : memref<8x128xf32, #tpu.memory_space<vmem>>, vector<8x128xf32>
    %add3A_314 = arith.addf %add3A_310, %get3A_313 : vector<8x128xf32>
    %eq3A_315 = arith.constant 0 : i32
    %eq3A_316 = vector.broadcast %eq3A_315 : i32 to vector<8x128xi32>
    %eq3A_317 = arith.cmpi eq, %iota3A_299, %eq3A_316 : vector<8x128xi32>
    %jit3A_318 = arith.constant 0.000000e+00 : f32
    %broadcast_in_dim3A_319 = vector.broadcast %jit3A_318 : f32 to vector<8x128xf32>
    %select_n3A_320 = arith.select %eq3A_317, %add3A_314, %broadcast_in_dim3A_319 : vector<8x128xi1>, vector<8x128xf32>
    %reduce_sum3A_321 = vector.shape_cast %select_n3A_320 : vector<8x128xf32> to vector<1x8x128xf32>
    %reduce_sum3A_322 = arith.constant dense<0.000000e+00> : vector<1xf32>
    %reduce_sum3A_323 = vector.multi_reduction <add>, %reduce_sum3A_321, %reduce_sum3A_322 [1, 2] : vector<1x8x128xf32> to vector<1xf32>
    %reduce_sum3A_324 = vector.shape_cast %reduce_sum3A_323 : vector<1xf32> to vector<1x1x1xf32>
    %reduce_sum3A_325 = vector.extract %reduce_sum3A_324[0, 0, 0] : f32 from vector<1x1x1xf32>
    %eq3A_326 = arith.constant 1 : i32
    %eq3A_327 = vector.broadcast %eq3A_326 : i32 to vector<8x128xi32>
    %eq3A_328 = arith.cmpi eq, %iota3A_299, %eq3A_327 : vector<8x128xi32>
    %jit3A_329 = arith.constant 0.000000e+00 : f32
    %broadcast_in_dim3A_330 = vector.broadcast %jit3A_329 : f32 to vector<8x128xf32>
    %select_n3A_331 = arith.select %eq3A_328, %add3A_314, %broadcast_in_dim3A_330 : vector<8x128xi1>, vector<8x128xf32>
    %reduce_sum3A_332 = vector.shape_cast %select_n3A_331 : vector<8x128xf32> to vector<1x8x128xf32>
    %reduce_sum3A_333 = arith.constant dense<0.000000e+00> : vector<1xf32>
    %reduce_sum3A_334 = vector.multi_reduction <add>, %reduce_sum3A_332, %reduce_sum3A_333 [1, 2] : vector<1x8x128xf32> to vector<1xf32>
    %reduce_sum3A_335 = vector.shape_cast %reduce_sum3A_334 : vector<1xf32> to vector<1x1x1xf32>
    %reduce_sum3A_336 = vector.extract %reduce_sum3A_335[0, 0, 0] : f32 from vector<1x1x1xf32>
    %div3A_337 = arith.divf %reduce_sum3A_325, %reduce_sum3A_336 : f32
    %add3A_338 = arith.addf %div3A_337, %div3A_298 : f32
    %broadcast_in_dim3A_339 = vector.broadcast %add3A_338 : f32 to vector<8x128xf32>
    %swap3A = arith.constant 0 : index
    %swap3A_340 = arith.constant 0 : index
    %swap3A_341 = vector.load %arg8[%swap3A, %swap3A_340] : memref<8x128xf32, #tpu.memory_space<vmem>>, vector<8x128xf32>
    tpu.vector_store %arg8[%swap3A, %swap3A_340], %broadcast_in_dim3A_339 {strides = array<i32>} : memref<8x128xf32, #tpu.memory_space<vmem>>, vector<8x128xf32>,
    return
  }
}

</mosaic_0001>

<sc_bundles>
// kernel: kernel.11.cloned.1.call-start
scs
__scs_entry_jumppad:
0x0: {  	(pc) =	sbr.rel $0x88, $3  }
0x1: {  	(tag) =	ssettag $0x0;
	lr =	simm.s32 $0x1  }
0x2: {  	[smem:$0x3F9F] =	sst lr;
	_ =	strace $0xD0000000  }
0x3: {  	_ = 	snop  }
0x4: {  	_ = 	snop  }
0x5: {  	_ = 	snop  }
0x6: {  	_ = 	snop  }
0x7: {  	_ = 	snop  }
__scs_overlays_trampoline_lowered:
0x8: {  	[smem:$0x3FAE] =	sst s0  }
0x9: {  	[smem:$0x3FAF] =	sst s1  }
0xa: {  	[smem:$0x3FB0] =	sst s2  }
0xb: {  	[smem:$0x3FB1] =	sst s3  }
0xc: {  	[smem:$0x3FB2] =	sst s4  }
0xd: {  	[smem:$0x3FB3] =	sst s5  }
0xe: {  	[smem:$0x3FB4] =	sst s6  }
0xf: {  	[smem:$0x3FB5] =	sst s7  }
0x10: {  	[smem:$0x3FB6] =	sst s8  }
0x11: {  	[smem:$0x3FB7] =	sst s9;
	s0 =	simm.s32 @!p0 $0x0  }
0x12: {  	s1 =	sld [smem:$0x3F9D];
	s0 =	simm.s32 @p0 $0x1  }
0x13: {  	[smem:$0x3FB8] =	sst s0;
	s0 =	simm.s32 @!p1 $0x0  }
0x14: {  	s2 =	sld [smem:$0x3F9C];
	s0 =	simm.s32 @p1 $0x1  }
0x15: {  	[smem:$0x3FB9] =	sst s0;
	s0 =	simm.s32 @!p2 $0x0  }
0x16: {  	s3 =	sld [smem:$0x3FDB];
	s0 =	simm.s32 @p2 $0x1  }
0x17: {  	s4 =	simm.s32 $0x1BF5;
	[smem:$0x3FBB] =	sst s0  }
0x18: {  	s0 =	sld [smem:$0x3F9E];
	_ =	swait.ge [sflag:s4], $0x0  }
0x19: {  	s7 =	sld [smem:$0x3F9F]  }
0x1a: {  	s8 =	sadd.s32 $0xFFFFE003, lr  }
0x1b: {  	s9 =	sadd.s32 $0xFFFFFEF7, lr;
	s5 =	simm.s32 $0xFFFFFFFF;
	p2 =	slt.u32 s8, $0xFFFFF086  }
0x1c: {  	p1 =	slt.u32 s9, $0xF7A;
	s5 =	simm.s32 @!p2 $0x0  }
0x1d: {  	s5 =	simm.s32 @p1 $0x1;
	p0 =	seq.s32 s7, s2  }
0x1e: {  	s7 =	smul.u32 @!p0 $0xF7A, s2;
	p2 =	seq.s32 @!p0 s5, $0x0  }
0x1f: {  	s9 =	smul.u32 $0xF7A, s1;
	s8 =	simm.s32 @!p0 $0x1BF5;
	p2 =	por !p2, p0  }
0x20: {  	[sflag:s8] =	ssyncset.s32 @!p0 $0xFFFFF086;
	s6 =	sadd.s32 @!p0 s3, s7;
	s7 =	simm.s32 @!p0 $0x108  }
0x21: {  	s3 =	sadd.s32 s3, s9;
	s6 =	sadd.s32 @!p0 $0x88, s6;
	s7 =	simm.s32 @p2 $0x1082  }
0x22: {  	[simem:s7], [sflag:s8] =	dma.local @!p0 [hbm:s6], $0xF7A  }
0x23: {  	s9 =	sor.u32 $0xD0000000, s2;
	s6 =	simm.s32 $0x108;
	_ =	swait.ge @!p0 [sflag:s8], $0x0  }
0x24: {  	s3 =	sadd.s32 $0x88, s3;
	s6 =	simm.s32 @!p1 $0x1082;
	[sflag:s4] =	ssyncset.s32 $0xFFFFF086  }
0x25: {  	[simem:s6], [sflag:s4] =	dma.local [hbm:s3], $0xF7A  }
0x26: {  	[smem:$0x3F9F] =	sst s1;
	(tag) =	ssettag s2;
	_ =	strace s9  }
0x27: {  	s1 =	sld [smem:$0x3FAF]  }
0x28: {  	s2 =	sld [smem:$0x3FB0]  }
0x29: {  	s4 =	sld [smem:$0x3FB2]  }
0x2a: {  	p0 =	seq.s32 s5, $0x0;
	s5 =	sld [smem:$0x3FB3]  }
0x2b: {  	s6 =	sld [smem:$0x3FB4]  }
0x2c: {  	s7 =	sld [smem:$0x3FB5]  }
0x2d: {  	s3 =	simm.s32 $0x108;
	s8 =	sld [smem:$0x3FB6]  }
0x2e: {  	s3 =	simm.s32 @!p0 $0x1082;
	s9 =	sld [smem:$0x3FB7]  }
0x2f: {  	lr =	sadd.s32 s0, s3;
	s0 =	sld [smem:$0x3FAE]  }
0x30: {  	s3 =	sld [smem:$0x3FB1]  }
0x31: {  	[smem:$0x3FBA] =	sst s10  }
0x32: {  	s10 =	sld [smem:$0x3FB8];
	_ =	sdelay $0x3  }
0x33: {  	p0 =	seq.s32 s10, $0x1;
	s10 =	sld [smem:$0x3FBA];
	_ =	sdelay $0x3  }
0x34: {  	[smem:$0x3FBA] =	sst s10  }
0x35: {  	s10 =	sld [smem:$0x3FB9];
	_ =	sdelay $0x3  }
0x36: {  	p1 =	seq.s32 s10, $0x1;
	s10 =	sld [smem:$0x3FBA];
	_ =	sdelay $0x3  }
0x37: {  	[smem:$0x3FBA] =	sst s10  }
0x38: {  	s10 =	sld [smem:$0x3FBB]  }
0x39: {  	_ = 	snop;
	(pc) =	sbr.ind lr, $3  }
0x3a: {  	_ = 	snop  }
0x3b: {  	_ = 	snop  }
0x3c: {  	p2 =	seq.s32 s10, $0x1;
	s10 =	sld [smem:$0x3FBA]  }
0x3d: {  	_ =	shalt  }
0x3e: {  	_ =	shalt  }
0x3f: {  	_ =	shalt  }
0x40: {  	_ =	shalt  }
0x41: {  	_ =	shalt  }
0x42: {  	_ =	shalt  }
0x43: {  	_ =	shalt  }
0x44: {  	_ =	shalt  }
0x45: {  	_ =	shalt  }
0x46: {  	_ =	shalt  }
0x47: {  	_ =	shalt  }
0x48: {  	_ =	shalt  }
0x49: {  	_ =	shalt  }
0x4a: {  	_ =	shalt  }
0x4b: {  	_ =	shalt  }
0x4c: {  	_ =	shalt  }
0x4d: {  	_ =	shalt  }
0x4e: {  	_ =	shalt  }
0x4f: {  	_ =	shalt  }
0x50: {  	_ =	shalt  }
0x51: {  	_ =	shalt  }
0x52: {  	_ =	shalt  }
0x53: {  	_ =	shalt  }
0x54: {  	_ =	shalt  }
0x55: {  	_ =	shalt  }
0x56: {  	_ =	shalt  }
0x57: {  	_ =	shalt  }
0x58: {  	_ =	shalt  }
0x59: {  	_ =	shalt  }
0x5a: {  	_ =	shalt  }
0x5b: {  	_ =	shalt  }
0x5c: {  	_ =	shalt  }
0x5d: {  	_ =	shalt  }
0x5e: {  	_ =	shalt  }
0x5f: {  	_ =	shalt  }
0x60: {  	_ =	shalt  }
0x61: {  	_ =	shalt  }
0x62: {  	_ =	shalt  }
0x63: {  	_ =	shalt  }
0x64: {  	_ =	shalt  }
0x65: {  	_ =	shalt  }
0x66: {  	_ =	shalt  }
0x67: {  	_ =	shalt  }
0x68: {  	_ =	shalt  }
0x69: {  	_ =	shalt  }
0x6a: {  	_ =	shalt  }
0x6b: {  	_ =	shalt  }
0x6c: {  	_ =	shalt  }
0x6d: {  	_ =	shalt  }
0x6e: {  	_ =	shalt  }
0x6f: {  	_ =	shalt  }
0x70: {  	_ =	shalt  }
0x71: {  	_ =	shalt  }
0x72: {  	_ =	shalt  }
0x73: {  	_ =	shalt  }
0x74: {  	_ =	shalt  }
0x75: {  	_ =	shalt  }
0x76: {  	_ =	shalt  }
0x77: {  	_ =	shalt  }
0x78: {  	_ =	shalt  }
0x79: {  	_ =	shalt  }
0x7a: {  	_ =	shalt  }
0x7b: {  	_ =	shalt  }
0x7c: {  	_ =	shalt  }
0x7d: {  	_ =	shalt  }
0x7e: {  	_ =	shalt  }
0x7f: {  	_ =	shalt  }
0x80: {  	_ =	shalt  }
0x81: {  	_ =	shalt  }
0x82: {  	_ =	shalt  }
0x83: {  	_ =	shalt  }
0x84: {  	_ =	shalt  }
0x85: {  	_ =	shalt  }
0x86: {  	_ =	shalt  }
0x87: {  	_ =	shalt  }
.Lfunc_end0:
.L_simem_size_0:
called_computation_lowered:
.L_overlay_start_0:
0x88: {  	s2 =	sld [smem:$0x3FD9]  }
0x89: {  	s3 =	sld [smem:$0x3FFE];
	_ =	sdelay $0x1  }
0x8a: {  	s1 =	srdreg.scid  }
0x8b: {  	s0 =	sand.u32 $0x1, s1  }
0x8c: {  	s17 =	sshll.u32 s0, $0xA;
	s2 =	sadd.s32 s3, s2  }
0x8d: {  	s2 =	sadd.s32 s2, s17  }
0x8e: {  	[smem:$0x3FC6] =	sst s2  }
0x8f: {  	_ = 	snop  }
0x90: {  	(tm) =	ssettm $0x1  }
0x91: {  	s18 =	sld [smem:$0x3FFB];
	_ =	sdelay $0x3  }
0x92: {  	_ =	strace s18  }
0x93: {  	s2 =	sld [smem:$0x3FFC];
	_ =	sdelay $0x3  }
0x94: {  	_ =	strace s2  }
0x95: {  	s2 =	sld [smem:$0x3FFD];
	_ =	sdelay $0x3  }
0x96: {  	_ =	strace s2  }
0x97: {  	_ =	strace $0x8FFFFFFF  }
0x98: {  	s19 =	sld [smem:$0x3FDB];
	_ =	sdelay $0x1  }
0x99: {  	s20 =	simm.s32 $_scs_section_size  }
0x9a: {  	s4 =	simm.s32 $_size__tile_overlayer_lowered;
	s5 =	simm.s32 $_tile_overlayer_lowered  }
0x9b: {  	s6 =	simm.s32 $0x1BFF;
	s21 =	sshll.u32 s5, $0x1;
	s3 =	sadd.s32 s20, s19  }
0x9c: {  	s22 =	simm.s32 $0x0;
	s4 =	sshll.u32 s4, $0x1;
	s5 =	sadd.s32 s21, s3  }
0x9d: {  	[timem:s22], [sflag:s6] =	dma.local [hbm:s5], s4  }
0x9e: {  	_ =	swait.ge [sflag:s6], s4  }
0x9f: {  	s4 =	ssub.s32 $0x0, s4;
	[sflag:s6] =	ssyncset.done $0x0  }
0xa0: {  	[sflag:s6] =	ssyncadd.s32 s4;
	_ =	sdelay $0x1  }
0xa1: {  	s23 =	simm.s32 $0x1B8B  }
0xa2: {  	_ =	swait.ge [sflag:s23], $0x1  }
0xa3: {  	[sflag:s23] =	ssyncset.done $0x0  }
0xa4: {  	[sflag:s23] =	ssyncadd.s32 $0xFFFFFFFF  }
0xa5: {  	s4 =	sld [smem:$0x0]  }
0xa6: {  	s5 =	sand.u32 $0xFFFFFFFE, s1  }
0xa7: {  	p0 =	sne.s32 s1, s5  }
0xa8: {  	s5 =	sshll.u32 @p0 s5, $0xE  }
0xa9: {  	s5 =	sadd.s32 @p0 $0x11B8D, s5;
	s6 =	sshll.u32 @p0 s4, $0x11  }
0xaa: {  	s5 =	sor.u32 @p0 s6, s5  }
0xab: {  	[sflag:s5] =	ssyncadd.remote.s32 @p0 $0x1;
	_ =	sdelay $0x1  }
0xac: {  	s5 =	simm.s32 @p0 $0x1B8D  }
0xad: {  	_ =	swait.eq @p0 [sflag:s5], $0x1  }
0xae: {  	[sflag:s5] =	ssyncadd.s32 @p0 $0xFFFFFFFF  }
0xaf: {  	s6 =	sshll.u32 @!p0 s1, $0xE  }
0xb0: {  	s6 =	sor.u32 @!p0 $0x4000, s6;
	s5 =	simm.s32 @!p0 $0x1B8D  }
0xb1: {  	s4 =	sshll.u32 @!p0 s4, $0x11;
	s6 =	sadd.s32 @!p0 $0x11B8D, s6;
	_ =	swait.eq @!p0 [sflag:s5], $0x1  }
0xb2: {  	s4 =	sor.u32 @!p0 s4, s6;
	[sflag:s5] =	ssyncadd.s32 @!p0 $0xFFFFFFFF  }
0xb3: {  	s25 =	simm.s32 $0x1B8E;
	s24 =	sld [smem:$0x3FFE];
	[sflag:s4] =	ssyncadd.remote.s32 @!p0 $0x1  }
0xb4: {  	s26 =	simm.s32 $execute0_lowered;
	[smem:$0x3FD2] =	sst s25  }
0xb5: {  	s5 =	sshll.u32 s26, $0x1;
	_ =	strace $0x8000004F;
	[dreg:$0x1] =	wrdreg $0xFFFFFFFF  }
0xb6: {  	s28 =	simm.s32 $_size_execute0_lowered;
	s3 =	sadd.s32 s3, s5;
	[dreg:$0x0] =	wrdreg $0x0  }
0xb7: {  	s5 =	sshll.u32 s28, $0x1;
	[dreg:$0x2] =	wrdreg s3  }
0xb8: {  	[dreg:$0x3] =	wrdreg s5  }
0xb9: {  	[dreg:$0x4] =	wrdreg $0xC0  }
0xba: {  	_ =	task [dreg:s22], $0x5FFFF  }
0xbb: {  	[dreg:$0x1] =	wrdreg $0xFFFFFFFF  }
0xbc: {  	[dreg:$0x0] =	wrdreg $0x60  }
0xbd: {  	[dreg:$0x2] =	wrdreg s24  }
0xbe: {  	[dreg:$0x3] =	wrdreg $0x9  }
0xbf: {  	_ =	task.clear_ibuf [dreg:s22], $0x4FFFF;
	_ =	strace $0x9000004F  }
0xc0: {  	s29 =	simm.s32 $0x9;
	_ =	strace $0x80000051  }
0xc1: {  	_ =	swait.ge [sflag:s29], $0x1  }
0xc2: {  	[sflag:s29] =	ssyncadd.s32 $0xFFFFFFFF  }
0xc3: {  	_ =	strace $0x90000051  }
0xc4: {  	_ =	sfence  }
0xc5: {  	s30 =	sld [smem:$0x0];
	_ =	sdelay $0x2  }
0xc6: {  	s31 =	sshll.u32 s1, $0xD;
	s1 =	sshrl.u32 s1, $0x2  }
0xc7: {  	s4 =	sand.u32 $0x4000, s31;
	s1 =	sadd.s32 s1, s30  }
0xc8: {  	s0 =	sor.u32 s4, s0;
	s1 =	sshll.u32 s1, $0x11  }
0xc9: {  	s0 =	sor.u32 s1, s0  }
0xca: {  	s0 =	sadd.s32 $0x8F2B, s0  }
0xcb: {  	[sflag:s0] =	ssyncadd.remote.s32 $0x1  }
0xcc: {  	_ =	sfence.sel $0xFFFF  }
0xcd: {  	[dreg:$0x0] =	wrdreg $0xFFFFFFFF;
	(pc) =	sbr.abs _section_cstart, $3  }
0xce: {  	[dreg:$0x1] =	wrdreg $0xFFFFFFFF  }
0xcf: {  	_ =	task.clear_ibuf [dreg:s22], $0x2FFFF;
	_ =	strace $0x9FFFFFFF  }
0xd0: {  	(tm) =	ssettm $0x7FFFFFFF  }
0xd1: {  	_ =	shalt  }
tec
execute0_lowered:
.L_overlay_start_1:
0x0: {  	(tag) =	ssettag $0x1  }
0x1: {  	s1 =	srdreg.scid  }
0x2: {  	s0 =	stileid.u32;
	s5 =	rddreg [dreg:$0x0]  }
0x3: {  	s3 =	simm.s32 $0x0;
	s12 =	simm.s32 $0x4000;
	s13 =	simm.s32 $0x1  }
0x4: {  	s14 =	simm.s32 $0x2;
	s15 =	simm.s32 $0x3;
	s16 =	simm.s32 $0x0  }
0x5: {  	s6 =	sand.u32 $0x1, s1;
	s2 =	sshll.u32 s0, $0x1;
	s1 =	rddreg [dreg:$0x1]  }
0x6: {  	s7 =	sshrl.u32 s0, $0x2;
	[smem:$0x7FF] =	sst s3;
	s10 =	sshll.u32 s0, $0xD  }
0x7: {  	s2 =	sor.u32 s6, s2;
	s25 =	sshll.u32 s7, $0x10;
	_ =	strace $0x80000050  }
0x8: {  	s6 =	ssub.s32 $0x2, s6;
	s7 =	sshll.u32 s7, $0x12;
	s10 =	sand.u32 $0x18000, s10  }
0x9: {  	s4 =	sshll.u32 s2, $0x7;
	s26 =	sshrl.u32 s6, $0x1;
	s11 =	sshll.u32 s2, $0x4  }
0xa: {  	s8 =	sand.u32 $0x380, s4;
	s4 =	sadd.s32 $0x7AA00, s5;
	s28 =	sand.u32 $0x70, s11  }
0xb: {  	s29 =	ssub.s32 s6, s26;
	s11 =	simm.s32 $0x2000;
	s9 =	sor.u32 s25, s8  }
0xc: {  	s7 =	sor.u32 s7, s8;
	s10 =	sadd.s32 s10, s4;
	s8 =	smax.u32 s29, $0x1  }
0xd: {  	s9 =	sshrl.u32 s9, $0x3;
	s30 =	sshrl.u32 s7, $0x3;
	s31 =	sadd.s32 s28, s10  }
0xe: {  	v1 =	vlaneseq.u32;
	s10 =	simm.s32 $0x400;
	s9 =	sadd.s32 s9, s5;
	s5 =	sadd.s32 s4, s30  }
0xf: {  	v0 =	vimm.s32 $0x0;
	v2 =	vimm.s32 $0x1;
	v1 =	vmul.u32 $0x200, v1;
	s6 =	sadd.s32 $0x2000, s31;
	s7 =	sadd.s32 $0x9AA00, s9;
	s9 =	simm.s32 $0x80  }
.LBB2_1:
0x10: {  	[tilespmem:s11], [sflag:$0x1] =	stream.strided.gather [hbm4b:s5+s9], $0x2000, s10, s9, $0x38;
	[tilespmem:$0x6000] =	vst v63  }
0x11: {  	s17 =	simm.s32 $0x40  }
0x12: {  	[tilespmem:s17+$0xFFFFFFC0] =	vst v0  }
0x13: {  	[tilespmem:s17+$0x30] =	vst v0  }
0x14: {  	[tilespmem:s17+$0x20] =	vst v0  }
0x15: {  	[tilespmem:s17+$0x10] =	vst v0  }
0x16: {  	[tilespmem:s17+$0x0] =	vst v0  }
0x17: {  	[tilespmem:s17+$0xFFFFFFF0] =	vst v0  }
0x18: {  	s18 =	simm.s32 $0x0;
	p2 =	por $0x1, $0x1;
	p1 =	por $0x0, $0x0;
	[tilespmem:s17+$0xFFFFFFE0] =	vst v0  }
.LBB2_2:
0x19: {  	s18 =	sadd.s32 $0x8, s18;
	[tilespmem:s17+$0xFFFFFFD0] =	vst v0;
	s17 =	sadd.s32 $0x80, s17  }
0x1a: {  	[tilespmem:s17+$0xFFFFFFC0] =	vst v0;
	p0 =	slt.u32 s18, $0x1F8  }
0x1b: {  	[tilespmem:s17+$0x30] =	vst v0  }
.Ltmp0:
0x1c: {  	[tilespmem:s17+$0x20] =	vst v0;
	(pc) =	sbr.rel @p0 .LBB2_2-.Ltmp0, $4  }
0x1d: {  	[tilespmem:s17+$0x10] =	vst v0  }
0x1e: {  	[tilespmem:s17+$0x0] =	vst v0  }
0x1f: {  	[tilespmem:s17+$0xFFFFFFF0] =	vst v0  }
0x20: {  	[tilespmem:s17+$0xFFFFFFE0] =	vst v0  }
0x21: {  	[tilespmem:s17+$0xFFFFFFD0] =	vst v0;
	s17 =	simm.s32 $0x0  }
.LBB2_4:
0x22: {  	s18 =	sshll.u32 s17, $0xE  }
0x23: {  	s18 =	sadd.s32 s18, s6  }
0x24: {  	[tilespmem:s12], [sflag:$0x2] =	stream.strided.gather [hbm4b:s18+s9], $0x2000, s10, s9, $0x38;
	[tilespmem:$0x6000] =	vst v63  }
0x25: {  	_ =	swait.ge [sflag:s13], $0x2000  }
0x26: {  	[sflag:s13] =	ssyncset.done $0x0  }
0x27: {  	s31 =	simm.s32 $0x2040;
	[sflag:s13] =	ssyncadd.s32 $0xFFFFE000  }
0x28: {  	v3 =	vld [tilespmem:s31+$0x30]  }
0x29: {  	v4 =	vld [tilespmem:s31+$0xFFFFFFD0]  }
0x2a: {  	v5 =	vld [tilespmem:s31+$0xFFFFFFE0]  }
0x2b: {  	v6 =	vld [tilespmem:s31+$0xFFFFFFF0]  }
0x2c: {  	v7 =	vld [tilespmem:s31+$0x0]  }
0x2d: {  	v8 =	vld [tilespmem:s31+$0x10];
	v3 =	vadd.s32 v1, v3  }
0x2e: {  	v4 =	vadd.s32 v1, v4  }
0x2f: {  	v5 =	vadd.s32 v1, v5  }
0x30: {  	v9 =	vld [tilespmem:s31+$0x20];
	v6 =	vadd.s32 v1, v6  }
0x31: {  	v10 =	vld [tilespmem:s31+$0xFFFFFFC0];
	v7 =	vadd.s32 v1, v7  }
0x32: {  	v8 =	vadd.s32 v1, v8;
	[tilespmem:v3+s3+$0x0] =	vst.idx.add.s32.msk $0xffff, v2  }
0x33: {  	[tilespmem:v4+s3+$0x0] =	vst.idx.add.s32.msk $0xffff, v2  }
0x34: {  	[tilespmem:v5+s3+$0x0] =	vst.idx.add.s32.msk $0xffff, v2  }
0x35: {  	[tilespmem:v6+s3+$0x0] =	vst.idx.add.s32.msk $0xffff, v2  }
0x36: {  	[tilespmem:v7+s3+$0x0] =	vst.idx.add.s32.msk $0xffff, v2  }
0x37: {  	p0 =	por p2, p2;
	s19 =	simm.s32 $0x20C0;
	s18 =	simm.s32 $0x0;
	v3 =	vadd.s32 v1, v9;
	v4 =	vadd.s32 v1, v10;
	[tilespmem:v8+s3+$0x0] =	vst.idx.add.s32.msk $0xffff, v2  }
.LBB2_5:
0x38: {  	v5 =	vld [tilespmem:s19+$0x30];
	s18 =	sadd.s32 $0x8, s18  }
0x39: {  	v6 =	vld [tilespmem:s19+$0xFFFFFFD0];
	p2 =	slt.u32 s18, $0x1F8  }
0x3a: {  	v7 =	vld [tilespmem:s19+$0xFFFFFFE0]  }
0x3b: {  	v8 =	vld [tilespmem:s19+$0xFFFFFFF0]  }
0x3c: {  	v9 =	vld [tilespmem:s19+$0x0]  }
0x3d: {  	v10 =	vld [tilespmem:s19+$0x10];
	v5 =	vadd.s32 v1, v5  }
0x3e: {  	v6 =	vadd.s32 v1, v6;
	v11 =	vld [tilespmem:s19+$0x20]  }
0x3f: {  	v12 =	vld [tilespmem:s19+$0xFFFFFFC0];
	v7 =	vadd.s32 v1, v7  }
0x40: {  	v8 =	vadd.s32 v1, v8;
	[tilespmem:v4+s3+$0x0] =	vst.idx.add.s32.msk $0xffff, v2  }
0x41: {  	v9 =	vadd.s32 v1, v9;
	[tilespmem:v3+s3+$0x0] =	vst.idx.add.s32.msk $0xffff, v2  }
0x42: {  	v10 =	vadd.s32 v1, v10;
	[tilespmem:v5+s3+$0x0] =	vst.idx.add.s32.msk $0xffff, v2  }
.Ltmp1:
0x43: {  	[tilespmem:v6+s3+$0x0] =	vst.idx.add.s32.msk $0xffff, v2;
	v3 =	vadd.s32 v1, v11;
	(pc) =	sbr.rel @p2 .LBB2_5-.Ltmp1, $4  }
0x44: {  	v4 =	vadd.s32 v1, v12;
	[tilespmem:v7+s3+$0x0] =	vst.idx.add.s32.msk $0xffff, v2  }
0x45: {  	[tilespmem:v8+s3+$0x0] =	vst.idx.add.s32.msk $0xffff, v2  }
0x46: {  	[tilespmem:v9+s3+$0x0] =	vst.idx.add.s32.msk $0xffff, v2  }
0x47: {  	s19 =	sadd.s32 $0x80, s19;
	[tilespmem:v10+s3+$0x0] =	vst.idx.add.s32.msk $0xffff, v2  }
0x48: {  	s17 =	sshll.u32 @!p1 s17, $0x1  }
0x49: {  	s17 =	sadd.s32 @!p1 $0x2, s17  }
0x4a: {  	s18 =	sshrl.u32 @!p1 s17, $0x2  }
0x4b: {  	s18 =	sadd.s32 @!p1 s2, s18  }
0x4c: {  	s17 =	sshll.u32 @!p1 s17, $0xD;
	s19 =	sshll.u32 @!p1 s18, $0xC;
	s18 =	sshll.u32 @!p1 s18, $0x4  }
0x4d: {  	s17 =	sand.u32 @!p1 $0x4000, s17;
	s19 =	sand.u32 @!p1 $0xFFF8000, s19;
	s18 =	sand.u32 @!p1 $0x70, s18  }
0x4e: {  	[tilespmem:v4+s3+$0x0] =	vst.idx.add.s32.msk $0xffff, v2;
	s20 =	simm.s32 @!p1 $0x2000;
	s17 =	sor.u32 @!p1 s19, s17;
	s18 =	sadd.s32 @!p1 s4, s18  }
0x4f: {  	[tilespmem:v3+s3+$0x0] =	vst.idx.add.s32.msk $0xffff, v2;
	s19 =	simm.s32 @!p1 $0x400;
	s17 =	sadd.s32 @!p1 s17, s18;
	s18 =	simm.s32 @!p1 $0x80  }
0x50: {  	[tilespmem:s20], [sflag:$0x1] =	stream.strided.gather @!p1 [hbm4b:s17+s18], $0x2000, s19, s18, $0x38;
	[tilespmem:$0x6000] =	vst v63  }
0x51: {  	_ =	swait.ge [sflag:s14], $0x2000  }
0x52: {  	[sflag:s14] =	ssyncset.done $0x0  }
0x53: {  	s31 =	simm.s32 $0x4040;
	[sflag:s14] =	ssyncadd.s32 $0xFFFFE000  }
0x54: {  	v3 =	vld [tilespmem:s31+$0x30]  }
0x55: {  	v4 =	vld [tilespmem:s31+$0xFFFFFFD0]  }
0x56: {  	v5 =	vld [tilespmem:s31+$0xFFFFFFE0]  }
0x57: {  	v6 =	vld [tilespmem:s31+$0xFFFFFFF0]  }
0x58: {  	v7 =	vld [tilespmem:s31+$0x0]  }
0x59: {  	v8 =	vld [tilespmem:s31+$0x10];
	v3 =	vadd.s32 v1, v3  }
0x5a: {  	v4 =	vadd.s32 v1, v4  }
0x5b: {  	v5 =	vadd.s32 v1, v5  }
0x5c: {  	v9 =	vld [tilespmem:s31+$0x20];
	v6 =	vadd.s32 v1, v6  }
0x5d: {  	v10 =	vld [tilespmem:s31+$0xFFFFFFC0];
	v7 =	vadd.s32 v1, v7  }
0x5e: {  	v8 =	vadd.s32 v1, v8;
	[tilespmem:v3+s3+$0x0] =	vst.idx.add.s32.msk $0xffff, v2  }
0x5f: {  	[tilespmem:v4+s3+$0x0] =	vst.idx.add.s32.msk $0xffff, v2  }
0x60: {  	[tilespmem:v5+s3+$0x0] =	vst.idx.add.s32.msk $0xffff, v2  }
0x61: {  	[tilespmem:v6+s3+$0x0] =	vst.idx.add.s32.msk $0xffff, v2  }
0x62: {  	[tilespmem:v7+s3+$0x0] =	vst.idx.add.s32.msk $0xffff, v2  }
0x63: {  	s17 =	simm.s32 $0x0;
	s18 =	simm.s32 $0x40C0;
	v3 =	vadd.s32 v1, v9;
	v4 =	vadd.s32 v1, v10;
	[tilespmem:v8+s3+$0x0] =	vst.idx.add.s32.msk $0xffff, v2  }
.LBB2_7:
0x64: {  	v5 =	vld [tilespmem:s18+$0x30];
	s17 =	sadd.s32 $0x8, s17  }
0x65: {  	v6 =	vld [tilespmem:s18+$0xFFFFFFD0];
	p1 =	slt.u32 s17, $0x1F8  }
0x66: {  	v7 =	vld [tilespmem:s18+$0xFFFFFFE0]  }
0x67: {  	v8 =	vld [tilespmem:s18+$0xFFFFFFF0]  }
0x68: {  	v9 =	vld [tilespmem:s18+$0x0]  }
0x69: {  	v10 =	vld [tilespmem:s18+$0x10];
	v5 =	vadd.s32 v1, v5  }
0x6a: {  	v6 =	vadd.s32 v1, v6;
	v11 =	vld [tilespmem:s18+$0x20]  }
0x6b: {  	v12 =	vld [tilespmem:s18+$0xFFFFFFC0];
	v7 =	vadd.s32 v1, v7  }
0x6c: {  	v8 =	vadd.s32 v1, v8;
	[tilespmem:v4+s3+$0x0] =	vst.idx.add.s32.msk $0xffff, v2  }
0x6d: {  	v9 =	vadd.s32 v1, v9;
	[tilespmem:v3+s3+$0x0] =	vst.idx.add.s32.msk $0xffff, v2  }
0x6e: {  	v10 =	vadd.s32 v1, v10;
	[tilespmem:v5+s3+$0x0] =	vst.idx.add.s32.msk $0xffff, v2  }
.Ltmp2:
0x6f: {  	[tilespmem:v6+s3+$0x0] =	vst.idx.add.s32.msk $0xffff, v2;
	v3 =	vadd.s32 v1, v11;
	(pc) =	sbr.rel @p1 .LBB2_7-.Ltmp2, $4  }
0x70: {  	v4 =	vadd.s32 v1, v12;
	[tilespmem:v7+s3+$0x0] =	vst.idx.add.s32.msk $0xffff, v2  }
0x71: {  	[tilespmem:v8+s3+$0x0] =	vst.idx.add.s32.msk $0xffff, v2  }
0x72: {  	[tilespmem:v9+s3+$0x0] =	vst.idx.add.s32.msk $0xffff, v2  }
0x73: {  	s18 =	sadd.s32 $0x80, s18;
	[tilespmem:v10+s3+$0x0] =	vst.idx.add.s32.msk $0xffff, v2  }
0x74: {  	_ = 	snop  }
.Ltmp3:
0x75: {  	_ = 	snop;
	(pc) =	sbr.rel @p0 .LBB2_4-.Ltmp3, $3  }
0x76: {  	_ =	sdelay $0x1  }
0x77: {  	[tilespmem:v4+s3+$0x0] =	vst.idx.add.s32.msk $0xffff, v2  }
0x78: {  	[tilespmem:v3+s3+$0x0] =	vst.idx.add.s32.msk $0xffff, v2;
	s17 =	simm.s32 $0x1;
	p2 =	por $0x0, $0x0;
	p1 =	por $0x1, $0x1  }
0x79: {  	s16 =	sadd.s32 $0x1, s16  }
0x7a: {  	p0 =	sne.s32 s16, s8  }
.Ltmp4:
0x7b: {  	_ = 	snop;
	(pc) =	sbr.rel @p0 .LBB2_1-.Ltmp4, $4  }
0x7c: {  	[hbm4b:s7+s9] =	stream.strided.scatter [tilespmem:s3], [sflag:$0x3], $0x2000, s10, s9, $0x38;
	[tilespmem:$0x6000] =	vst v63  }
0x7d: {  	_ =	swait.ge [sflag:s15], $0x2000  }
0x7e: {  	[sflag:s15] =	ssyncset.done $0x0  }
0x7f: {  	[sflag:s15] =	ssyncadd.s32 $0xFFFFE000  }
0x80: {  	_ =	sfence.sel $0x180000  }
0x81: {  	[bflag:$0x0] =	sbarrier.arrive $0xFFFF  }
0x82: {  	p0 =	sne.s32 s0, $0x0;
	_ =	strace $0x90000050  }
0x83: {  	s0 =	sadd.s32 @!p0 $0x100000, s1;
	[bflag:$0x2] =	sbarrier.arrive $0xFFFF  }
0x84: {  	[sflag:s0] =	ssyncadd.tile.s32 @!p0 $0x1;
	_ =	shalt  }
.Lfunc_end2:
_tile_overlayer_lowered:
.L_overlay_start_2:
0x85: {  	(tag) =	ssettag $0x2  }
0x86: {  	s0 =	rddreg [dreg:$0x0];
	s2 =	stileid.u32  }
0x87: {  	s1 =	rddreg [dreg:$0x1];
	p0 =	sne.s32 s2, $0x0  }
0x88: {  	s3 =	rddreg [dreg:$0x2];
	[bflag:$0x3] =	sbarrier.arrive $0xFFFF;
	s2 =	simm.s32 @!p0 $0x1C03  }
0x89: {  	[timem:s3], [sflag:s2] =	dma.local @!p0 [hbm:s0], s1  }
0x8a: {  	s0 =	simm.s32 @!p0 $0x3  }
0x8b: {  	_ =	swait.ge @!p0 [sflag:s0], s1  }
0x8c: {  	s1 =	ssub.s32 @!p0 $0x0, s1;
	[sflag:s0] =	ssyncset.done @!p0 $0x0  }
0x8d: {  	[sflag:s0] =	ssyncadd.s32 @!p0 s1  }
0x8e: {  	[bflag:$0x3] =	sbarrier.arrive $0xFFFF  }
0x8f: {  	_ =	shalt  }

// kernel: kernel.14.cloned.1.call-start
scs
__scs_entry_jumppad:
0x0: {  	(pc) =	sbr.rel $0x88, $3  }
0x1: {  	(tag) =	ssettag $0x0;
	lr =	simm.s32 $0x1  }
0x2: {  	[smem:$0x3F9F] =	sst lr;
	_ =	strace $0xD0000000  }
0x3: {  	_ = 	snop  }
0x4: {  	_ = 	snop  }
0x5: {  	_ = 	snop  }
0x6: {  	_ = 	snop  }
0x7: {  	_ = 	snop  }
__scs_overlays_trampoline_lowered:
0x8: {  	[smem:$0x3FAE] =	sst s0  }
0x9: {  	[smem:$0x3FAF] =	sst s1  }
0xa: {  	[smem:$0x3FB0] =	sst s2  }
0xb: {  	[smem:$0x3FB1] =	sst s3  }
0xc: {  	[smem:$0x3FB2] =	sst s4  }
0xd: {  	[smem:$0x3FB3] =	sst s5  }
0xe: {  	[smem:$0x3FB4] =	sst s6  }
0xf: {  	[smem:$0x3FB5] =	sst s7  }
0x10: {  	[smem:$0x3FB6] =	sst s8  }
0x11: {  	[smem:$0x3FB7] =	sst s9;
	s0 =	simm.s32 @!p0 $0x0  }
0x12: {  	s1 =	sld [smem:$0x3F9D];
	s0 =	simm.s32 @p0 $0x1  }
0x13: {  	[smem:$0x3FB8] =	sst s0;
	s0 =	simm.s32 @!p1 $0x0  }
0x14: {  	s2 =	sld [smem:$0x3F9C];
	s0 =	simm.s32 @p1 $0x1  }
0x15: {  	[smem:$0x3FB9] =	sst s0;
	s0 =	simm.s32 @!p2 $0x0  }
0x16: {  	s3 =	sld [smem:$0x3FDB];
	s0 =	simm.s32 @p2 $0x1  }
0x17: {  	s4 =	simm.s32 $0x1BF5;
	[smem:$0x3FBB] =	sst s0  }
0x18: {  	s0 =	sld [smem:$0x3F9E];
	_ =	swait.ge [sflag:s4], $0x0  }
0x19: {  	s7 =	sld [smem:$0x3F9F]  }
0x1a: {  	s8 =	sadd.s32 $0xFFFFE003, lr  }
0x1b: {  	s9 =	sadd.s32 $0xFFFFFEF7, lr;
	s5 =	simm.s32 $0xFFFFFFFF;
	p2 =	slt.u32 s8, $0xFFFFF086  }
0x1c: {  	p1 =	slt.u32 s9, $0xF7A;
	s5 =	simm.s32 @!p2 $0x0  }
0x1d: {  	s5 =	simm.s32 @p1 $0x1;
	p0 =	seq.s32 s7, s2  }
0x1e: {  	s7 =	smul.u32 @!p0 $0xF7A, s2;
	p2 =	seq.s32 @!p0 s5, $0x0  }
0x1f: {  	s9 =	smul.u32 $0xF7A, s1;
	s8 =	simm.s32 @!p0 $0x1BF5;
	p2 =	por !p2, p0  }
0x20: {  	[sflag:s8] =	ssyncset.s32 @!p0 $0xFFFFF086;
	s6 =	sadd.s32 @!p0 s3, s7;
	s7 =	simm.s32 @!p0 $0x108  }
0x21: {  	s3 =	sadd.s32 s3, s9;
	s6 =	sadd.s32 @!p0 $0x88, s6;
	s7 =	simm.s32 @p2 $0x1082  }
0x22: {  	[simem:s7], [sflag:s8] =	dma.local @!p0 [hbm:s6], $0xF7A  }
0x23: {  	s9 =	sor.u32 $0xD0000000, s2;
	s6 =	simm.s32 $0x108;
	_ =	swait.ge @!p0 [sflag:s8], $0x0  }
0x24: {  	s3 =	sadd.s32 $0x88, s3;
	s6 =	simm.s32 @!p1 $0x1082;
	[sflag:s4] =	ssyncset.s32 $0xFFFFF086  }
0x25: {  	[simem:s6], [sflag:s4] =	dma.local [hbm:s3], $0xF7A  }
0x26: {  	[smem:$0x3F9F] =	sst s1;
	(tag) =	ssettag s2;
	_ =	strace s9  }
0x27: {  	s1 =	sld [smem:$0x3FAF]  }
0x28: {  	s2 =	sld [smem:$0x3FB0]  }
0x29: {  	s4 =	sld [smem:$0x3FB2]  }
0x2a: {  	p0 =	seq.s32 s5, $0x0;
	s5 =	sld [smem:$0x3FB3]  }
0x2b: {  	s6 =	sld [smem:$0x3FB4]  }
0x2c: {  	s7 =	sld [smem:$0x3FB5]  }
0x2d: {  	s3 =	simm.s32 $0x108;
	s8 =	sld [smem:$0x3FB6]  }
0x2e: {  	s3 =	simm.s32 @!p0 $0x1082;
	s9 =	sld [smem:$0x3FB7]  }
0x2f: {  	lr =	sadd.s32 s0, s3;
	s0 =	sld [smem:$0x3FAE]  }
0x30: {  	s3 =	sld [smem:$0x3FB1]  }
0x31: {  	[smem:$0x3FBA] =	sst s10  }
0x32: {  	s10 =	sld [smem:$0x3FB8];
	_ =	sdelay $0x3  }
0x33: {  	p0 =	seq.s32 s10, $0x1;
	s10 =	sld [smem:$0x3FBA];
	_ =	sdelay $0x3  }
0x34: {  	[smem:$0x3FBA] =	sst s10  }
0x35: {  	s10 =	sld [smem:$0x3FB9];
	_ =	sdelay $0x3  }
0x36: {  	p1 =	seq.s32 s10, $0x1;
	s10 =	sld [smem:$0x3FBA];
	_ =	sdelay $0x3  }
0x37: {  	[smem:$0x3FBA] =	sst s10  }
0x38: {  	s10 =	sld [smem:$0x3FBB]  }
0x39: {  	_ = 	snop;
	(pc) =	sbr.ind lr, $3  }
0x3a: {  	_ = 	snop  }
0x3b: {  	_ = 	snop  }
0x3c: {  	p2 =	seq.s32 s10, $0x1;
	s10 =	sld [smem:$0x3FBA]  }
0x3d: {  	_ =	shalt  }
0x3e: {  	_ =	shalt  }
0x3f: {  	_ =	shalt  }
0x40: {  	_ =	shalt  }
0x41: {  	_ =	shalt  }
0x42: {  	_ =	shalt  }
0x43: {  	_ =	shalt  }
0x44: {  	_ =	shalt  }
0x45: {  	_ =	shalt  }
0x46: {  	_ =	shalt  }
0x47: {  	_ =	shalt  }
0x48: {  	_ =	shalt  }
0x49: {  	_ =	shalt  }
0x4a: {  	_ =	shalt  }
0x4b: {  	_ =	shalt  }
0x4c: {  	_ =	shalt  }
0x4d: {  	_ =	shalt  }
0x4e: {  	_ =	shalt  }
0x4f: {  	_ =	shalt  }
0x50: {  	_ =	shalt  }
0x51: {  	_ =	shalt  }
0x52: {  	_ =	shalt  }
0x53: {  	_ =	shalt  }
0x54: {  	_ =	shalt  }
0x55: {  	_ =	shalt  }
0x56: {  	_ =	shalt  }
0x57: {  	_ =	shalt  }
0x58: {  	_ =	shalt  }
0x59: {  	_ =	shalt  }
0x5a: {  	_ =	shalt  }
0x5b: {  	_ =	shalt  }
0x5c: {  	_ =	shalt  }
0x5d: {  	_ =	shalt  }
0x5e: {  	_ =	shalt  }
0x5f: {  	_ =	shalt  }
0x60: {  	_ =	shalt  }
0x61: {  	_ =	shalt  }
0x62: {  	_ =	shalt  }
0x63: {  	_ =	shalt  }
0x64: {  	_ =	shalt  }
0x65: {  	_ =	shalt  }
0x66: {  	_ =	shalt  }
0x67: {  	_ =	shalt  }
0x68: {  	_ =	shalt  }
0x69: {  	_ =	shalt  }
0x6a: {  	_ =	shalt  }
0x6b: {  	_ =	shalt  }
0x6c: {  	_ =	shalt  }
0x6d: {  	_ =	shalt  }
0x6e: {  	_ =	shalt  }
0x6f: {  	_ =	shalt  }
0x70: {  	_ =	shalt  }
0x71: {  	_ =	shalt  }
0x72: {  	_ =	shalt  }
0x73: {  	_ =	shalt  }
0x74: {  	_ =	shalt  }
0x75: {  	_ =	shalt  }
0x76: {  	_ =	shalt  }
0x77: {  	_ =	shalt  }
0x78: {  	_ =	shalt  }
0x79: {  	_ =	shalt  }
0x7a: {  	_ =	shalt  }
0x7b: {  	_ =	shalt  }
0x7c: {  	_ =	shalt  }
0x7d: {  	_ =	shalt  }
0x7e: {  	_ =	shalt  }
0x7f: {  	_ =	shalt  }
0x80: {  	_ =	shalt  }
0x81: {  	_ =	shalt  }
0x82: {  	_ =	shalt  }
0x83: {  	_ =	shalt  }
0x84: {  	_ =	shalt  }
0x85: {  	_ =	shalt  }
0x86: {  	_ =	shalt  }
0x87: {  	_ =	shalt  }
.Lfunc_end0:
.L_simem_size_0:
called_computation.1_lowered:
.L_overlay_start_0:
0x88: {  	s2 =	sld [smem:$0x3FD9]  }
0x89: {  	s3 =	sld [smem:$0x3FFE];
	_ =	sdelay $0x1  }
0x8a: {  	s1 =	srdreg.scid  }
0x8b: {  	s0 =	sand.u32 $0x1, s1  }
0x8c: {  	s17 =	sshll.u32 s0, $0xA;
	s2 =	sadd.s32 s3, s2  }
0x8d: {  	s2 =	sadd.s32 s2, s17  }
0x8e: {  	[smem:$0x3FC6] =	sst s2  }
0x8f: {  	_ = 	snop  }
0x90: {  	(tm) =	ssettm $0x1  }
0x91: {  	s18 =	sld [smem:$0x3FFB];
	_ =	sdelay $0x3  }
0x92: {  	_ =	strace s18  }
0x93: {  	s2 =	sld [smem:$0x3FFC];
	_ =	sdelay $0x3  }
0x94: {  	_ =	strace s2  }
0x95: {  	s2 =	sld [smem:$0x3FFD];
	_ =	sdelay $0x3  }
0x96: {  	_ =	strace s2  }
0x97: {  	_ =	strace $0x8FFFFFFF  }
0x98: {  	s19 =	sld [smem:$0x3FDB];
	_ =	sdelay $0x1  }
0x99: {  	s20 =	simm.s32 $_scs_section_size  }
0x9a: {  	s4 =	simm.s32 $_size__tile_overlayer_lowered;
	s5 =	simm.s32 $_tile_overlayer_lowered  }
0x9b: {  	s6 =	simm.s32 $0x1BFF;
	s21 =	sshll.u32 s5, $0x1;
	s3 =	sadd.s32 s20, s19  }
0x9c: {  	s22 =	simm.s32 $0x0;
	s4 =	sshll.u32 s4, $0x1;
	s5 =	sadd.s32 s21, s3  }
0x9d: {  	[timem:s22], [sflag:s6] =	dma.local [hbm:s5], s4  }
0x9e: {  	_ =	swait.ge [sflag:s6], s4  }
0x9f: {  	s4 =	ssub.s32 $0x0, s4;
	[sflag:s6] =	ssyncset.done $0x0  }
0xa0: {  	[sflag:s6] =	ssyncadd.s32 s4;
	_ =	sdelay $0x1  }
0xa1: {  	s23 =	simm.s32 $0x1B8B  }
0xa2: {  	_ =	swait.ge [sflag:s23], $0x1  }
0xa3: {  	[sflag:s23] =	ssyncset.done $0x0  }
0xa4: {  	[sflag:s23] =	ssyncadd.s32 $0xFFFFFFFF  }
0xa5: {  	s4 =	sld [smem:$0x0]  }
0xa6: {  	s5 =	sand.u32 $0xFFFFFFFE, s1  }
0xa7: {  	p0 =	sne.s32 s1, s5  }
0xa8: {  	s5 =	sshll.u32 @p0 s5, $0xE  }
0xa9: {  	s5 =	sadd.s32 @p0 $0x11B8D, s5;
	s6 =	sshll.u32 @p0 s4, $0x11  }
0xaa: {  	s5 =	sor.u32 @p0 s6, s5  }
0xab: {  	[sflag:s5] =	ssyncadd.remote.s32 @p0 $0x1;
	_ =	sdelay $0x1  }
0xac: {  	s5 =	simm.s32 @p0 $0x1B8D  }
0xad: {  	_ =	swait.eq @p0 [sflag:s5], $0x1  }
0xae: {  	[sflag:s5] =	ssyncadd.s32 @p0 $0xFFFFFFFF  }
0xaf: {  	s6 =	sshll.u32 @!p0 s1, $0xE  }
0xb0: {  	s6 =	sor.u32 @!p0 $0x4000, s6;
	s5 =	simm.s32 @!p0 $0x1B8D  }
0xb1: {  	s4 =	sshll.u32 @!p0 s4, $0x11;
	s6 =	sadd.s32 @!p0 $0x11B8D, s6;
	_ =	swait.eq @!p0 [sflag:s5], $0x1  }
0xb2: {  	s4 =	sor.u32 @!p0 s4, s6;
	[sflag:s5] =	ssyncadd.s32 @!p0 $0xFFFFFFFF  }
0xb3: {  	s25 =	simm.s32 $0x1B8E;
	s24 =	sld [smem:$0x3FFE];
	[sflag:s4] =	ssyncadd.remote.s32 @!p0 $0x1  }
0xb4: {  	s26 =	simm.s32 $execute0_lowered;
	[smem:$0x3FD2] =	sst s25  }
0xb5: {  	s5 =	sshll.u32 s26, $0x1;
	_ =	strace $0x8000004C;
	[dreg:$0x1] =	wrdreg $0xFFFFFFFF  }
0xb6: {  	s28 =	simm.s32 $_size_execute0_lowered;
	s3 =	sadd.s32 s3, s5;
	[dreg:$0x0] =	wrdreg $0x0  }
0xb7: {  	s5 =	sshll.u32 s28, $0x1;
	[dreg:$0x2] =	wrdreg s3  }
0xb8: {  	[dreg:$0x3] =	wrdreg s5  }
0xb9: {  	[dreg:$0x4] =	wrdreg $0xC0  }
0xba: {  	_ =	task [dreg:s22], $0x5FFFF  }
0xbb: {  	[dreg:$0x1] =	wrdreg $0xFFFFFFFF  }
0xbc: {  	[dreg:$0x0] =	wrdreg $0x60  }
0xbd: {  	[dreg:$0x2] =	wrdreg s24  }
0xbe: {  	[dreg:$0x3] =	wrdreg $0xA  }
0xbf: {  	_ =	task.clear_ibuf [dreg:s22], $0x4FFFF;
	_ =	strace $0x9000004C  }
0xc0: {  	s29 =	simm.s32 $0xA;
	_ =	strace $0x8000004E  }
0xc1: {  	_ =	swait.ge [sflag:s29], $0x1  }
0xc2: {  	[sflag:s29] =	ssyncadd.s32 $0xFFFFFFFF  }
0xc3: {  	_ =	strace $0x9000004E  }
0xc4: {  	_ =	sfence  }
0xc5: {  	s30 =	sld [smem:$0x0];
	_ =	sdelay $0x2  }
0xc6: {  	s31 =	sshll.u32 s1, $0xD;
	s1 =	sshrl.u32 s1, $0x2  }
0xc7: {  	s4 =	sand.u32 $0x4000, s31;
	s1 =	sadd.s32 s1, s30  }
0xc8: {  	s0 =	sor.u32 s4, s0;
	s1 =	sshll.u32 s1, $0x11  }
0xc9: {  	s0 =	sor.u32 s1, s0  }
0xca: {  	s0 =	sadd.s32 $0x8F2B, s0  }
0xcb: {  	[sflag:s0] =	ssyncadd.remote.s32 $0x1  }
0xcc: {  	_ =	sfence.sel $0xFFFF  }
0xcd: {  	[dreg:$0x0] =	wrdreg $0xFFFFFFFF;
	(pc) =	sbr.abs _section_cstart, $3  }
0xce: {  	[dreg:$0x1] =	wrdreg $0xFFFFFFFF  }
0xcf: {  	_ =	task.clear_ibuf [dreg:s22], $0x2FFFF;
	_ =	strace $0x9FFFFFFF  }
0xd0: {  	(tm) =	ssettm $0x7FFFFFFF  }
0xd1: {  	_ =	shalt  }
tec
execute0_lowered:
.L_overlay_start_1:
0x0: {  	(tag) =	ssettag $0x1  }
0x1: {  	s1 =	srdreg.scid  }
0x2: {  	s0 =	stileid.u32;
	s5 =	rddreg [dreg:$0x0]  }
0x3: {  	s3 =	simm.s32 $0x0;
	s12 =	simm.s32 $0x4000;
	s13 =	simm.s32 $0x1  }
0x4: {  	s14 =	simm.s32 $0x2;
	s15 =	simm.s32 $0x3;
	s16 =	simm.s32 $0x0  }
0x5: {  	s6 =	sand.u32 $0x1, s1;
	s2 =	sshll.u32 s0, $0x1;
	s1 =	rddreg [dreg:$0x1]  }
0x6: {  	s7 =	sshrl.u32 s0, $0x2;
	[smem:$0x7FF] =	sst s3;
	s10 =	sshll.u32 s0, $0xD  }
0x7: {  	s2 =	sor.u32 s6, s2;
	s25 =	sshll.u32 s7, $0x10;
	_ =	strace $0x8000004D  }
0x8: {  	s6 =	ssub.s32 $0x2, s6;
	s7 =	sshll.u32 s7, $0x12;
	s10 =	sand.u32 $0x18000, s10  }
0x9: {  	s4 =	sshll.u32 s2, $0x7;
	s26 =	sshrl.u32 s6, $0x1;
	s11 =	sshll.u32 s2, $0x4  }
0xa: {  	s8 =	sand.u32 $0x380, s4;
	s4 =	sadd.s32 $0x52A00, s5;
	s28 =	sand.u32 $0x70, s11  }
0xb: {  	s29 =	ssub.s32 s6, s26;
	s11 =	simm.s32 $0x2000;
	s9 =	sor.u32 s25, s8  }
0xc: {  	s7 =	sor.u32 s7, s8;
	s10 =	sadd.s32 s10, s4;
	s8 =	smax.u32 s29, $0x1  }
0xd: {  	s9 =	sshrl.u32 s9, $0x3;
	s30 =	sshrl.u32 s7, $0x3;
	s31 =	sadd.s32 s28, s10  }
0xe: {  	v1 =	vlaneseq.u32;
	s10 =	simm.s32 $0x400;
	s9 =	sadd.s32 s9, s5;
	s5 =	sadd.s32 s4, s30  }
0xf: {  	v0 =	vimm.s32 $0x0;
	v2 =	vimm.s32 $0x1;
	v1 =	vmul.u32 $0x200, v1;
	s6 =	sadd.s32 $0x2000, s31;
	s7 =	sadd.s32 $0x72A00, s9;
	s9 =	simm.s32 $0x80  }
.LBB2_1:
0x10: {  	[tilespmem:s11], [sflag:$0x1] =	stream.strided.gather [hbm4b:s5+s9], $0x2000, s10, s9, $0x38;
	[tilespmem:$0x6000] =	vst v63  }
0x11: {  	s17 =	simm.s32 $0x40  }
0x12: {  	[tilespmem:s17+$0xFFFFFFC0] =	vst v0  }
0x13: {  	[tilespmem:s17+$0x30] =	vst v0  }
0x14: {  	[tilespmem:s17+$0x20] =	vst v0  }
0x15: {  	[tilespmem:s17+$0x10] =	vst v0  }
0x16: {  	[tilespmem:s17+$0x0] =	vst v0  }
0x17: {  	[tilespmem:s17+$0xFFFFFFF0] =	vst v0  }
0x18: {  	s18 =	simm.s32 $0x0;
	p2 =	por $0x1, $0x1;
	p1 =	por $0x0, $0x0;
	[tilespmem:s17+$0xFFFFFFE0] =	vst v0  }
.LBB2_2:
0x19: {  	s18 =	sadd.s32 $0x8, s18;
	[tilespmem:s17+$0xFFFFFFD0] =	vst v0;
	s17 =	sadd.s32 $0x80, s17  }
0x1a: {  	[tilespmem:s17+$0xFFFFFFC0] =	vst v0;
	p0 =	slt.u32 s18, $0x1F8  }
0x1b: {  	[tilespmem:s17+$0x30] =	vst v0  }
.Ltmp0:
0x1c: {  	[tilespmem:s17+$0x20] =	vst v0;
	(pc) =	sbr.rel @p0 .LBB2_2-.Ltmp0, $4  }
0x1d: {  	[tilespmem:s17+$0x10] =	vst v0  }
0x1e: {  	[tilespmem:s17+$0x0] =	vst v0  }
0x1f: {  	[tilespmem:s17+$0xFFFFFFF0] =	vst v0  }
0x20: {  	[tilespmem:s17+$0xFFFFFFE0] =	vst v0  }
0x21: {  	[tilespmem:s17+$0xFFFFFFD0] =	vst v0;
	s17 =	simm.s32 $0x0  }
.LBB2_4:
0x22: {  	s18 =	sshll.u32 s17, $0xE  }
0x23: {  	s18 =	sadd.s32 s18, s6  }
0x24: {  	[tilespmem:s12], [sflag:$0x2] =	stream.strided.gather [hbm4b:s18+s9], $0x2000, s10, s9, $0x38;
	[tilespmem:$0x6000] =	vst v63  }
0x25: {  	_ =	swait.ge [sflag:s13], $0x2000  }
0x26: {  	[sflag:s13] =	ssyncset.done $0x0  }
0x27: {  	s31 =	simm.s32 $0x2040;
	[sflag:s13] =	ssyncadd.s32 $0xFFFFE000  }
0x28: {  	v3 =	vld [tilespmem:s31+$0x30]  }
0x29: {  	v4 =	vld [tilespmem:s31+$0xFFFFFFD0]  }
0x2a: {  	v5 =	vld [tilespmem:s31+$0xFFFFFFE0]  }
0x2b: {  	v6 =	vld [tilespmem:s31+$0xFFFFFFF0]  }
0x2c: {  	v7 =	vld [tilespmem:s31+$0x0]  }
0x2d: {  	v8 =	vld [tilespmem:s31+$0x10];
	v3 =	vadd.s32 v1, v3  }
0x2e: {  	v4 =	vadd.s32 v1, v4  }
0x2f: {  	v5 =	vadd.s32 v1, v5  }
0x30: {  	v9 =	vld [tilespmem:s31+$0x20];
	v6 =	vadd.s32 v1, v6  }
0x31: {  	v10 =	vld [tilespmem:s31+$0xFFFFFFC0];
	v7 =	vadd.s32 v1, v7  }
0x32: {  	v8 =	vadd.s32 v1, v8;
	[tilespmem:v3+s3+$0x0] =	vst.idx.add.s32.msk $0xffff, v2  }
0x33: {  	[tilespmem:v4+s3+$0x0] =	vst.idx.add.s32.msk $0xffff, v2  }
0x34: {  	[tilespmem:v5+s3+$0x0] =	vst.idx.add.s32.msk $0xffff, v2  }
0x35: {  	[tilespmem:v6+s3+$0x0] =	vst.idx.add.s32.msk $0xffff, v2  }
0x36: {  	[tilespmem:v7+s3+$0x0] =	vst.idx.add.s32.msk $0xffff, v2  }
0x37: {  	p0 =	por p2, p2;
	s19 =	simm.s32 $0x20C0;
	s18 =	simm.s32 $0x0;
	v3 =	vadd.s32 v1, v9;
	v4 =	vadd.s32 v1, v10;
	[tilespmem:v8+s3+$0x0] =	vst.idx.add.s32.msk $0xffff, v2  }
.LBB2_5:
0x38: {  	v5 =	vld [tilespmem:s19+$0x30];
	s18 =	sadd.s32 $0x8, s18  }
0x39: {  	v6 =	vld [tilespmem:s19+$0xFFFFFFD0];
	p2 =	slt.u32 s18, $0x1F8  }
0x3a: {  	v7 =	vld [tilespmem:s19+$0xFFFFFFE0]  }
0x3b: {  	v8 =	vld [tilespmem:s19+$0xFFFFFFF0]  }
0x3c: {  	v9 =	vld [tilespmem:s19+$0x0]  }
0x3d: {  	v10 =	vld [tilespmem:s19+$0x10];
	v5 =	vadd.s32 v1, v5  }
0x3e: {  	v6 =	vadd.s32 v1, v6;
	v11 =	vld [tilespmem:s19+$0x20]  }
0x3f: {  	v12 =	vld [tilespmem:s19+$0xFFFFFFC0];
	v7 =	vadd.s32 v1, v7  }
0x40: {  	v8 =	vadd.s32 v1, v8;
	[tilespmem:v4+s3+$0x0] =	vst.idx.add.s32.msk $0xffff, v2  }
0x41: {  	v9 =	vadd.s32 v1, v9;
	[tilespmem:v3+s3+$0x0] =	vst.idx.add.s32.msk $0xffff, v2  }
0x42: {  	v10 =	vadd.s32 v1, v10;
	[tilespmem:v5+s3+$0x0] =	vst.idx.add.s32.msk $0xffff, v2  }
.Ltmp1:
0x43: {  	[tilespmem:v6+s3+$0x0] =	vst.idx.add.s32.msk $0xffff, v2;
	v3 =	vadd.s32 v1, v11;
	(pc) =	sbr.rel @p2 .LBB2_5-.Ltmp1, $4  }
0x44: {  	v4 =	vadd.s32 v1, v12;
	[tilespmem:v7+s3+$0x0] =	vst.idx.add.s32.msk $0xffff, v2  }
0x45: {  	[tilespmem:v8+s3+$0x0] =	vst.idx.add.s32.msk $0xffff, v2  }
0x46: {  	[tilespmem:v9+s3+$0x0] =	vst.idx.add.s32.msk $0xffff, v2  }
0x47: {  	s19 =	sadd.s32 $0x80, s19;
	[tilespmem:v10+s3+$0x0] =	vst.idx.add.s32.msk $0xffff, v2  }
0x48: {  	s17 =	sshll.u32 @!p1 s17, $0x1  }
0x49: {  	s17 =	sadd.s32 @!p1 $0x2, s17  }
0x4a: {  	s18 =	sshrl.u32 @!p1 s17, $0x2  }
0x4b: {  	s18 =	sadd.s32 @!p1 s2, s18  }
0x4c: {  	s17 =	sshll.u32 @!p1 s17, $0xD;
	s19 =	sshll.u32 @!p1 s18, $0xC;
	s18 =	sshll.u32 @!p1 s18, $0x4  }
0x4d: {  	s17 =	sand.u32 @!p1 $0x4000, s17;
	s19 =	sand.u32 @!p1 $0xFFF8000, s19;
	s18 =	sand.u32 @!p1 $0x70, s18  }
0x4e: {  	[tilespmem:v4+s3+$0x0] =	vst.idx.add.s32.msk $0xffff, v2;
	s20 =	simm.s32 @!p1 $0x2000;
	s17 =	sor.u32 @!p1 s19, s17;
	s18 =	sadd.s32 @!p1 s4, s18  }
0x4f: {  	[tilespmem:v3+s3+$0x0] =	vst.idx.add.s32.msk $0xffff, v2;
	s19 =	simm.s32 @!p1 $0x400;
	s17 =	sadd.s32 @!p1 s17, s18;
	s18 =	simm.s32 @!p1 $0x80  }
0x50: {  	[tilespmem:s20], [sflag:$0x1] =	stream.strided.gather @!p1 [hbm4b:s17+s18], $0x2000, s19, s18, $0x38;
	[tilespmem:$0x6000] =	vst v63  }
0x51: {  	_ =	swait.ge [sflag:s14], $0x2000  }
0x52: {  	[sflag:s14] =	ssyncset.done $0x0  }
0x53: {  	s31 =	simm.s32 $0x4040;
	[sflag:s14] =	ssyncadd.s32 $0xFFFFE000  }
0x54: {  	v3 =	vld [tilespmem:s31+$0x30]  }
0x55: {  	v4 =	vld [tilespmem:s31+$0xFFFFFFD0]  }
0x56: {  	v5 =	vld [tilespmem:s31+$0xFFFFFFE0]  }
0x57: {  	v6 =	vld [tilespmem:s31+$0xFFFFFFF0]  }
0x58: {  	v7 =	vld [tilespmem:s31+$0x0]  }
0x59: {  	v8 =	vld [tilespmem:s31+$0x10];
	v3 =	vadd.s32 v1, v3  }
0x5a: {  	v4 =	vadd.s32 v1, v4  }
0x5b: {  	v5 =	vadd.s32 v1, v5  }
0x5c: {  	v9 =	vld [tilespmem:s31+$0x20];
	v6 =	vadd.s32 v1, v6  }
0x5d: {  	v10 =	vld [tilespmem:s31+$0xFFFFFFC0];
	v7 =	vadd.s32 v1, v7  }
0x5e: {  	v8 =	vadd.s32 v1, v8;
	[tilespmem:v3+s3+$0x0] =	vst.idx.add.s32.msk $0xffff, v2  }
0x5f: {  	[tilespmem:v4+s3+$0x0] =	vst.idx.add.s32.msk $0xffff, v2  }
0x60: {  	[tilespmem:v5+s3+$0x0] =	vst.idx.add.s32.msk $0xffff, v2  }
0x61: {  	[tilespmem:v6+s3+$0x0] =	vst.idx.add.s32.msk $0xffff, v2  }
0x62: {  	[tilespmem:v7+s3+$0x0] =	vst.idx.add.s32.msk $0xffff, v2  }
0x63: {  	s17 =	simm.s32 $0x0;
	s18 =	simm.s32 $0x40C0;
	v3 =	vadd.s32 v1, v9;
	v4 =	vadd.s32 v1, v10;
	[tilespmem:v8+s3+$0x0] =	vst.idx.add.s32.msk $0xffff, v2  }
.LBB2_7:
0x64: {  	v5 =	vld [tilespmem:s18+$0x30];
	s17 =	sadd.s32 $0x8, s17  }
0x65: {  	v6 =	vld [tilespmem:s18+$0xFFFFFFD0];
	p1 =	slt.u32 s17, $0x1F8  }
0x66: {  	v7 =	vld [tilespmem:s18+$0xFFFFFFE0]  }
0x67: {  	v8 =	vld [tilespmem:s18+$0xFFFFFFF0]  }
0x68: {  	v9 =	vld [tilespmem:s18+$0x0]  }
0x69: {  	v10 =	vld [tilespmem:s18+$0x10];
	v5 =	vadd.s32 v1, v5  }
0x6a: {  	v6 =	vadd.s32 v1, v6;
	v11 =	vld [tilespmem:s18+$0x20]  }
0x6b: {  	v12 =	vld [tilespmem:s18+$0xFFFFFFC0];
	v7 =	vadd.s32 v1, v7  }
0x6c: {  	v8 =	vadd.s32 v1, v8;
	[tilespmem:v4+s3+$0x0] =	vst.idx.add.s32.msk $0xffff, v2  }
0x6d: {  	v9 =	vadd.s32 v1, v9;
	[tilespmem:v3+s3+$0x0] =	vst.idx.add.s32.msk $0xffff, v2  }
0x6e: {  	v10 =	vadd.s32 v1, v10;
	[tilespmem:v5+s3+$0x0] =	vst.idx.add.s32.msk $0xffff, v2  }
.Ltmp2:
0x6f: {  	[tilespmem:v6+s3+$0x0] =	vst.idx.add.s32.msk $0xffff, v2;
	v3 =	vadd.s32 v1, v11;
	(pc) =	sbr.rel @p1 .LBB2_7-.Ltmp2, $4  }
0x70: {  	v4 =	vadd.s32 v1, v12;
	[tilespmem:v7+s3+$0x0] =	vst.idx.add.s32.msk $0xffff, v2  }
0x71: {  	[tilespmem:v8+s3+$0x0] =	vst.idx.add.s32.msk $0xffff, v2  }
0x72: {  	[tilespmem:v9+s3+$0x0] =	vst.idx.add.s32.msk $0xffff, v2  }
0x73: {  	s18 =	sadd.s32 $0x80, s18;
	[tilespmem:v10+s3+$0x0] =	vst.idx.add.s32.msk $0xffff, v2  }
0x74: {  	_ = 	snop  }
.Ltmp3:
0x75: {  	_ = 	snop;
	(pc) =	sbr.rel @p0 .LBB2_4-.Ltmp3, $3  }
0x76: {  	_ =	sdelay $0x1  }
0x77: {  	[tilespmem:v4+s3+$0x0] =	vst.idx.add.s32.msk $0xffff, v2  }
0x78: {  	[tilespmem:v3+s3+$0x0] =	vst.idx.add.s32.msk $0xffff, v2;
	s17 =	simm.s32 $0x1;
	p2 =	por $0x0, $0x0;
	p1 =	por $0x1, $0x1  }
0x79: {  	s16 =	sadd.s32 $0x1, s16  }
0x7a: {  	p0 =	sne.s32 s16, s8  }
.Ltmp4:
0x7b: {  	_ = 	snop;
	(pc) =	sbr.rel @p0 .LBB2_1-.Ltmp4, $4  }
0x7c: {  	[hbm4b:s7+s9] =	stream.strided.scatter [tilespmem:s3], [sflag:$0x3], $0x2000, s10, s9, $0x38;
	[tilespmem:$0x6000] =	vst v63  }
0x7d: {  	_ =	swait.ge [sflag:s15], $0x2000  }
0x7e: {  	[sflag:s15] =	ssyncset.done $0x0  }
0x7f: {  	[sflag:s15] =	ssyncadd.s32 $0xFFFFE000  }
0x80: {  	_ =	sfence.sel $0x180000  }
0x81: {  	[bflag:$0x0] =	sbarrier.arrive $0xFFFF  }
0x82: {  	p0 =	sne.s32 s0, $0x0;
	_ =	strace $0x9000004D  }
0x83: {  	s0 =	sadd.s32 @!p0 $0x100000, s1;
	[bflag:$0x2] =	sbarrier.arrive $0xFFFF  }
0x84: {  	[sflag:s0] =	ssyncadd.tile.s32 @!p0 $0x1;
	_ =	shalt  }
.Lfunc_end2:
_tile_overlayer_lowered:
.L_overlay_start_2:
0x85: {  	(tag) =	ssettag $0x2  }
0x86: {  	s0 =	rddreg [dreg:$0x0];
	s2 =	stileid.u32  }
0x87: {  	s1 =	rddreg [dreg:$0x1];
	p0 =	sne.s32 s2, $0x0  }
0x88: {  	s3 =	rddreg [dreg:$0x2];
	[bflag:$0x3] =	sbarrier.arrive $0xFFFF;
	s2 =	simm.s32 @!p0 $0x1C03  }
0x89: {  	[timem:s3], [sflag:s2] =	dma.local @!p0 [hbm:s0], s1  }
0x8a: {  	s0 =	simm.s32 @!p0 $0x3  }
0x8b: {  	_ =	swait.ge @!p0 [sflag:s0], s1  }
0x8c: {  	s1 =	ssub.s32 @!p0 $0x0, s1;
	[sflag:s0] =	ssyncset.done @!p0 $0x0  }
0x8d: {  	[sflag:s0] =	ssyncadd.s32 @!p0 s1  }
0x8e: {  	[bflag:$0x3] =	sbarrier.arrive $0xFFFF  }
0x8f: {  	_ =	shalt  }

// kernel: kernel.17.cloned.1.call-start
scs
__scs_entry_jumppad:
0x0: {  	(pc) =	sbr.rel $0x88, $3  }
0x1: {  	(tag) =	ssettag $0x0;
	lr =	simm.s32 $0x1  }
0x2: {  	[smem:$0x3F9F] =	sst lr;
	_ =	strace $0xD0000000  }
0x3: {  	_ = 	snop  }
0x4: {  	_ = 	snop  }
0x5: {  	_ = 	snop  }
0x6: {  	_ = 	snop  }
0x7: {  	_ = 	snop  }
__scs_overlays_trampoline_lowered:
0x8: {  	[smem:$0x3FAE] =	sst s0  }
0x9: {  	[smem:$0x3FAF] =	sst s1  }
0xa: {  	[smem:$0x3FB0] =	sst s2  }
0xb: {  	[smem:$0x3FB1] =	sst s3  }
0xc: {  	[smem:$0x3FB2] =	sst s4  }
0xd: {  	[smem:$0x3FB3] =	sst s5  }
0xe: {  	[smem:$0x3FB4] =	sst s6  }
0xf: {  	[smem:$0x3FB5] =	sst s7  }
0x10: {  	[smem:$0x3FB6] =	sst s8  }
0x11: {  	[smem:$0x3FB7] =	sst s9;
	s0 =	simm.s32 @!p0 $0x0  }
0x12: {  	s1 =	sld [smem:$0x3F9D];
	s0 =	simm.s32 @p0 $0x1  }
0x13: {  	[smem:$0x3FB8] =	sst s0;
	s0 =	simm.s32 @!p1 $0x0  }
0x14: {  	s2 =	sld [smem:$0x3F9C];
	s0 =	simm.s32 @p1 $0x1  }
0x15: {  	[smem:$0x3FB9] =	sst s0;
	s0 =	simm.s32 @!p2 $0x0  }
0x16: {  	s3 =	sld [smem:$0x3FDB];
	s0 =	simm.s32 @p2 $0x1  }
0x17: {  	s4 =	simm.s32 $0x1BF5;
	[smem:$0x3FBB] =	sst s0  }
0x18: {  	s0 =	sld [smem:$0x3F9E];
	_ =	swait.ge [sflag:s4], $0x0  }
0x19: {  	s7 =	sld [smem:$0x3F9F]  }
0x1a: {  	s8 =	sadd.s32 $0xFFFFE003, lr  }
0x1b: {  	s9 =	sadd.s32 $0xFFFFFEF7, lr;
	s5 =	simm.s32 $0xFFFFFFFF;
	p2 =	slt.u32 s8, $0xFFFFF086  }
0x1c: {  	p1 =	slt.u32 s9, $0xF7A;
	s5 =	simm.s32 @!p2 $0x0  }
0x1d: {  	s5 =	simm.s32 @p1 $0x1;
	p0 =	seq.s32 s7, s2  }
0x1e: {  	s7 =	smul.u32 @!p0 $0xF7A, s2;
	p2 =	seq.s32 @!p0 s5, $0x0  }
0x1f: {  	s9 =	smul.u32 $0xF7A, s1;
	s8 =	simm.s32 @!p0 $0x1BF5;
	p2 =	por !p2, p0  }
0x20: {  	[sflag:s8] =	ssyncset.s32 @!p0 $0xFFFFF086;
	s6 =	sadd.s32 @!p0 s3, s7;
	s7 =	simm.s32 @!p0 $0x108  }
0x21: {  	s3 =	sadd.s32 s3, s9;
	s6 =	sadd.s32 @!p0 $0x88, s6;
	s7 =	simm.s32 @p2 $0x1082  }
0x22: {  	[simem:s7], [sflag:s8] =	dma.local @!p0 [hbm:s6], $0xF7A  }
0x23: {  	s9 =	sor.u32 $0xD0000000, s2;
	s6 =	simm.s32 $0x108;
	_ =	swait.ge @!p0 [sflag:s8], $0x0  }
0x24: {  	s3 =	sadd.s32 $0x88, s3;
	s6 =	simm.s32 @!p1 $0x1082;
	[sflag:s4] =	ssyncset.s32 $0xFFFFF086  }
0x25: {  	[simem:s6], [sflag:s4] =	dma.local [hbm:s3], $0xF7A  }
0x26: {  	[smem:$0x3F9F] =	sst s1;
	(tag) =	ssettag s2;
	_ =	strace s9  }
0x27: {  	s1 =	sld [smem:$0x3FAF]  }
0x28: {  	s2 =	sld [smem:$0x3FB0]  }
0x29: {  	s4 =	sld [smem:$0x3FB2]  }
0x2a: {  	p0 =	seq.s32 s5, $0x0;
	s5 =	sld [smem:$0x3FB3]  }
0x2b: {  	s6 =	sld [smem:$0x3FB4]  }
0x2c: {  	s7 =	sld [smem:$0x3FB5]  }
0x2d: {  	s3 =	simm.s32 $0x108;
	s8 =	sld [smem:$0x3FB6]  }
0x2e: {  	s3 =	simm.s32 @!p0 $0x1082;
	s9 =	sld [smem:$0x3FB7]  }
0x2f: {  	lr =	sadd.s32 s0, s3;
	s0 =	sld [smem:$0x3FAE]  }
0x30: {  	s3 =	sld [smem:$0x3FB1]  }
0x31: {  	[smem:$0x3FBA] =	sst s10  }
0x32: {  	s10 =	sld [smem:$0x3FB8];
	_ =	sdelay $0x3  }
0x33: {  	p0 =	seq.s32 s10, $0x1;
	s10 =	sld [smem:$0x3FBA];
	_ =	sdelay $0x3  }
0x34: {  	[smem:$0x3FBA] =	sst s10  }
0x35: {  	s10 =	sld [smem:$0x3FB9];
	_ =	sdelay $0x3  }
0x36: {  	p1 =	seq.s32 s10, $0x1;
	s10 =	sld [smem:$0x3FBA];
	_ =	sdelay $0x3  }
0x37: {  	[smem:$0x3FBA] =	sst s10  }
0x38: {  	s10 =	sld [smem:$0x3FBB]  }
0x39: {  	_ = 	snop;
	(pc) =	sbr.ind lr, $3  }
0x3a: {  	_ = 	snop  }
0x3b: {  	_ = 	snop  }
0x3c: {  	p2 =	seq.s32 s10, $0x1;
	s10 =	sld [smem:$0x3FBA]  }
0x3d: {  	_ =	shalt  }
0x3e: {  	_ =	shalt  }
0x3f: {  	_ =	shalt  }
0x40: {  	_ =	shalt  }
0x41: {  	_ =	shalt  }
0x42: {  	_ =	shalt  }
0x43: {  	_ =	shalt  }
0x44: {  	_ =	shalt  }
0x45: {  	_ =	shalt  }
0x46: {  	_ =	shalt  }
0x47: {  	_ =	shalt  }
0x48: {  	_ =	shalt  }
0x49: {  	_ =	shalt  }
0x4a: {  	_ =	shalt  }
0x4b: {  	_ =	shalt  }
0x4c: {  	_ =	shalt  }
0x4d: {  	_ =	shalt  }
0x4e: {  	_ =	shalt  }
0x4f: {  	_ =	shalt  }
0x50: {  	_ =	shalt  }
0x51: {  	_ =	shalt  }
0x52: {  	_ =	shalt  }
0x53: {  	_ =	shalt  }
0x54: {  	_ =	shalt  }
0x55: {  	_ =	shalt  }
0x56: {  	_ =	shalt  }
0x57: {  	_ =	shalt  }
0x58: {  	_ =	shalt  }
0x59: {  	_ =	shalt  }
0x5a: {  	_ =	shalt  }
0x5b: {  	_ =	shalt  }
0x5c: {  	_ =	shalt  }
0x5d: {  	_ =	shalt  }
0x5e: {  	_ =	shalt  }
0x5f: {  	_ =	shalt  }
0x60: {  	_ =	shalt  }
0x61: {  	_ =	shalt  }
0x62: {  	_ =	shalt  }
0x63: {  	_ =	shalt  }
0x64: {  	_ =	shalt  }
0x65: {  	_ =	shalt  }
0x66: {  	_ =	shalt  }
0x67: {  	_ =	shalt  }
0x68: {  	_ =	shalt  }
0x69: {  	_ =	shalt  }
0x6a: {  	_ =	shalt  }
0x6b: {  	_ =	shalt  }
0x6c: {  	_ =	shalt  }
0x6d: {  	_ =	shalt  }
0x6e: {  	_ =	shalt  }
0x6f: {  	_ =	shalt  }
0x70: {  	_ =	shalt  }
0x71: {  	_ =	shalt  }
0x72: {  	_ =	shalt  }
0x73: {  	_ =	shalt  }
0x74: {  	_ =	shalt  }
0x75: {  	_ =	shalt  }
0x76: {  	_ =	shalt  }
0x77: {  	_ =	shalt  }
0x78: {  	_ =	shalt  }
0x79: {  	_ =	shalt  }
0x7a: {  	_ =	shalt  }
0x7b: {  	_ =	shalt  }
0x7c: {  	_ =	shalt  }
0x7d: {  	_ =	shalt  }
0x7e: {  	_ =	shalt  }
0x7f: {  	_ =	shalt  }
0x80: {  	_ =	shalt  }
0x81: {  	_ =	shalt  }
0x82: {  	_ =	shalt  }
0x83: {  	_ =	shalt  }
0x84: {  	_ =	shalt  }
0x85: {  	_ =	shalt  }
0x86: {  	_ =	shalt  }
0x87: {  	_ =	shalt  }
.Lfunc_end0:
.L_simem_size_0:
called_computation.2_lowered:
.L_overlay_start_0:
0x88: {  	s2 =	sld [smem:$0x3FD9]  }
0x89: {  	s3 =	sld [smem:$0x3FFE];
	_ =	sdelay $0x1  }
0x8a: {  	s1 =	srdreg.scid  }
0x8b: {  	s0 =	sand.u32 $0x1, s1  }
0x8c: {  	s17 =	sshll.u32 s0, $0xA;
	s2 =	sadd.s32 s3, s2  }
0x8d: {  	s2 =	sadd.s32 s2, s17  }
0x8e: {  	[smem:$0x3FC6] =	sst s2  }
0x8f: {  	_ = 	snop  }
0x90: {  	(tm) =	ssettm $0x1  }
0x91: {  	s18 =	sld [smem:$0x3FFB];
	_ =	sdelay $0x3  }
0x92: {  	_ =	strace s18  }
0x93: {  	s2 =	sld [smem:$0x3FFC];
	_ =	sdelay $0x3  }
0x94: {  	_ =	strace s2  }
0x95: {  	s2 =	sld [smem:$0x3FFD];
	_ =	sdelay $0x3  }
0x96: {  	_ =	strace s2  }
0x97: {  	_ =	strace $0x8FFFFFFF  }
0x98: {  	s19 =	sld [smem:$0x3FDB];
	_ =	sdelay $0x1  }
0x99: {  	s20 =	simm.s32 $_scs_section_size  }
0x9a: {  	s4 =	simm.s32 $_size__tile_overlayer_lowered;
	s5 =	simm.s32 $_tile_overlayer_lowered  }
0x9b: {  	s6 =	simm.s32 $0x1BFF;
	s21 =	sshll.u32 s5, $0x1;
	s3 =	sadd.s32 s20, s19  }
0x9c: {  	s22 =	simm.s32 $0x0;
	s4 =	sshll.u32 s4, $0x1;
	s5 =	sadd.s32 s21, s3  }
0x9d: {  	[timem:s22], [sflag:s6] =	dma.local [hbm:s5], s4  }
0x9e: {  	_ =	swait.ge [sflag:s6], s4  }
0x9f: {  	s4 =	ssub.s32 $0x0, s4;
	[sflag:s6] =	ssyncset.done $0x0  }
0xa0: {  	[sflag:s6] =	ssyncadd.s32 s4;
	_ =	sdelay $0x1  }
0xa1: {  	s23 =	simm.s32 $0x1B8B  }
0xa2: {  	_ =	swait.ge [sflag:s23], $0x1  }
0xa3: {  	[sflag:s23] =	ssyncset.done $0x0  }
0xa4: {  	[sflag:s23] =	ssyncadd.s32 $0xFFFFFFFF  }
0xa5: {  	s4 =	sld [smem:$0x0]  }
0xa6: {  	s5 =	sand.u32 $0xFFFFFFFE, s1  }
0xa7: {  	p0 =	sne.s32 s1, s5  }
0xa8: {  	s5 =	sshll.u32 @p0 s5, $0xE  }
0xa9: {  	s5 =	sadd.s32 @p0 $0x11B8D, s5;
	s6 =	sshll.u32 @p0 s4, $0x11  }
0xaa: {  	s5 =	sor.u32 @p0 s6, s5  }
0xab: {  	[sflag:s5] =	ssyncadd.remote.s32 @p0 $0x1;
	_ =	sdelay $0x1  }
0xac: {  	s5 =	simm.s32 @p0 $0x1B8D  }
0xad: {  	_ =	swait.eq @p0 [sflag:s5], $0x1  }
0xae: {  	[sflag:s5] =	ssyncadd.s32 @p0 $0xFFFFFFFF  }
0xaf: {  	s6 =	sshll.u32 @!p0 s1, $0xE  }
0xb0: {  	s6 =	sor.u32 @!p0 $0x4000, s6;
	s5 =	simm.s32 @!p0 $0x1B8D  }
0xb1: {  	s4 =	sshll.u32 @!p0 s4, $0x11;
	s6 =	sadd.s32 @!p0 $0x11B8D, s6;
	_ =	swait.eq @!p0 [sflag:s5], $0x1  }
0xb2: {  	s4 =	sor.u32 @!p0 s4, s6;
	[sflag:s5] =	ssyncadd.s32 @!p0 $0xFFFFFFFF  }
0xb3: {  	s25 =	simm.s32 $0x1B8E;
	s24 =	sld [smem:$0x3FFE];
	[sflag:s4] =	ssyncadd.remote.s32 @!p0 $0x1  }
0xb4: {  	s26 =	simm.s32 $execute0_lowered;
	[smem:$0x3FD2] =	sst s25  }
0xb5: {  	s5 =	sshll.u32 s26, $0x1;
	_ =	strace $0x80000049;
	[dreg:$0x1] =	wrdreg $0xFFFFFFFF  }
0xb6: {  	s28 =	simm.s32 $_size_execute0_lowered;
	s3 =	sadd.s32 s3, s5;
	[dreg:$0x0] =	wrdreg $0x0  }
0xb7: {  	s5 =	sshll.u32 s28, $0x1;
	[dreg:$0x2] =	wrdreg s3  }
0xb8: {  	[dreg:$0x3] =	wrdreg s5  }
0xb9: {  	[dreg:$0x4] =	wrdreg $0xC0  }
0xba: {  	_ =	task [dreg:s22], $0x5FFFF  }
0xbb: {  	[dreg:$0x1] =	wrdreg $0xFFFFFFFF  }
0xbc: {  	[dreg:$0x0] =	wrdreg $0x60  }
0xbd: {  	[dreg:$0x2] =	wrdreg s24  }
0xbe: {  	[dreg:$0x3] =	wrdreg $0xB  }
0xbf: {  	_ =	task.clear_ibuf [dreg:s22], $0x4FFFF;
	_ =	strace $0x90000049  }
0xc0: {  	s29 =	simm.s32 $0xB;
	_ =	strace $0x8000004B  }
0xc1: {  	_ =	swait.ge [sflag:s29], $0x1  }
0xc2: {  	[sflag:s29] =	ssyncadd.s32 $0xFFFFFFFF  }
0xc3: {  	_ =	strace $0x9000004B  }
0xc4: {  	_ =	sfence  }
0xc5: {  	s30 =	sld [smem:$0x0];
	_ =	sdelay $0x2  }
0xc6: {  	s31 =	sshll.u32 s1, $0xD;
	s1 =	sshrl.u32 s1, $0x2  }
0xc7: {  	s4 =	sand.u32 $0x4000, s31;
	s1 =	sadd.s32 s1, s30  }
0xc8: {  	s0 =	sor.u32 s4, s0;
	s1 =	sshll.u32 s1, $0x11  }
0xc9: {  	s0 =	sor.u32 s1, s0  }
0xca: {  	s0 =	sadd.s32 $0x8F2B, s0  }
0xcb: {  	[sflag:s0] =	ssyncadd.remote.s32 $0x1  }
0xcc: {  	_ =	sfence.sel $0xFFFF  }
0xcd: {  	[dreg:$0x0] =	wrdreg $0xFFFFFFFF;
	(pc) =	sbr.abs _section_cstart, $3  }
0xce: {  	[dreg:$0x1] =	wrdreg $0xFFFFFFFF  }
0xcf: {  	_ =	task.clear_ibuf [dreg:s22], $0x2FFFF;
	_ =	strace $0x9FFFFFFF  }
0xd0: {  	(tm) =	ssettm $0x7FFFFFFF  }
0xd1: {  	_ =	shalt  }
tec
execute0_lowered:
.L_overlay_start_1:
0x0: {  	(tag) =	ssettag $0x1  }
0x1: {  	s1 =	srdreg.scid  }
0x2: {  	s0 =	stileid.u32;
	s5 =	rddreg [dreg:$0x0]  }
0x3: {  	s3 =	simm.s32 $0x0;
	s12 =	simm.s32 $0x4000;
	s13 =	simm.s32 $0x1  }
0x4: {  	s14 =	simm.s32 $0x2;
	s15 =	simm.s32 $0x3;
	s16 =	simm.s32 $0x0  }
0x5: {  	s6 =	sand.u32 $0x1, s1;
	s2 =	sshll.u32 s0, $0x1;
	s1 =	rddreg [dreg:$0x1]  }
0x6: {  	s7 =	sshrl.u32 s0, $0x2;
	[smem:$0x7FF] =	sst s3;
	s10 =	sshll.u32 s0, $0xD  }
0x7: {  	s2 =	sor.u32 s6, s2;
	s25 =	sshll.u32 s7, $0x10;
	_ =	strace $0x8000004A  }
0x8: {  	s6 =	ssub.s32 $0x2, s6;
	s7 =	sshll.u32 s7, $0x12;
	s10 =	sand.u32 $0x18000, s10  }
0x9: {  	s4 =	sshll.u32 s2, $0x7;
	s26 =	sshrl.u32 s6, $0x1;
	s11 =	sshll.u32 s2, $0x4  }
0xa: {  	s8 =	sand.u32 $0x380, s4;
	s4 =	sadd.s32 $0x2AA00, s5;
	s28 =	sand.u32 $0x70, s11  }
0xb: {  	s29 =	ssub.s32 s6, s26;
	s11 =	simm.s32 $0x2000;
	s9 =	sor.u32 s25, s8  }
0xc: {  	s7 =	sor.u32 s7, s8;
	s10 =	sadd.s32 s10, s4;
	s8 =	smax.u32 s29, $0x1  }
0xd: {  	s9 =	sshrl.u32 s9, $0x3;
	s30 =	sshrl.u32 s7, $0x3;
	s31 =	sadd.s32 s28, s10  }
0xe: {  	v1 =	vlaneseq.u32;
	s10 =	simm.s32 $0x400;
	s9 =	sadd.s32 s9, s5;
	s5 =	sadd.s32 s4, s30  }
0xf: {  	v0 =	vimm.s32 $0x0;
	v2 =	vimm.s32 $0x1;
	v1 =	vmul.u32 $0x200, v1;
	s6 =	sadd.s32 $0x2000, s31;
	s7 =	sadd.s32 $0x4AA00, s9;
	s9 =	simm.s32 $0x80  }
.LBB2_1:
0x10: {  	[tilespmem:s11], [sflag:$0x1] =	stream.strided.gather [hbm4b:s5+s9], $0x2000, s10, s9, $0x38;
	[tilespmem:$0x6000] =	vst v63  }
0x11: {  	s17 =	simm.s32 $0x40  }
0x12: {  	[tilespmem:s17+$0xFFFFFFC0] =	vst v0  }
0x13: {  	[tilespmem:s17+$0x30] =	vst v0  }
0x14: {  	[tilespmem:s17+$0x20] =	vst v0  }
0x15: {  	[tilespmem:s17+$0x10] =	vst v0  }
0x16: {  	[tilespmem:s17+$0x0] =	vst v0  }
0x17: {  	[tilespmem:s17+$0xFFFFFFF0] =	vst v0  }
0x18: {  	s18 =	simm.s32 $0x0;
	p2 =	por $0x1, $0x1;
	p1 =	por $0x0, $0x0;
	[tilespmem:s17+$0xFFFFFFE0] =	vst v0  }
.LBB2_2:
0x19: {  	s18 =	sadd.s32 $0x8, s18;
	[tilespmem:s17+$0xFFFFFFD0] =	vst v0;
	s17 =	sadd.s32 $0x80, s17  }
0x1a: {  	[tilespmem:s17+$0xFFFFFFC0] =	vst v0;
	p0 =	slt.u32 s18, $0x1F8  }
0x1b: {  	[tilespmem:s17+$0x30] =	vst v0  }
.Ltmp0:
0x1c: {  	[tilespmem:s17+$0x20] =	vst v0;
	(pc) =	sbr.rel @p0 .LBB2_2-.Ltmp0, $4  }
0x1d: {  	[tilespmem:s17+$0x10] =	vst v0  }
0x1e: {  	[tilespmem:s17+$0x0] =	vst v0  }
0x1f: {  	[tilespmem:s17+$0xFFFFFFF0] =	vst v0  }
0x20: {  	[tilespmem:s17+$0xFFFFFFE0] =	vst v0  }
0x21: {  	[tilespmem:s17+$0xFFFFFFD0] =	vst v0;
	s17 =	simm.s32 $0x0  }
.LBB2_4:
0x22: {  	s18 =	sshll.u32 s17, $0xE  }
0x23: {  	s18 =	sadd.s32 s18, s6  }
0x24: {  	[tilespmem:s12], [sflag:$0x2] =	stream.strided.gather [hbm4b:s18+s9], $0x2000, s10, s9, $0x38;
	[tilespmem:$0x6000] =	vst v63  }
0x25: {  	_ =	swait.ge [sflag:s13], $0x2000  }
0x26: {  	[sflag:s13] =	ssyncset.done $0x0  }
0x27: {  	s31 =	simm.s32 $0x2040;
	[sflag:s13] =	ssyncadd.s32 $0xFFFFE000  }
0x28: {  	v3 =	vld [tilespmem:s31+$0x30]  }
0x29: {  	v4 =	vld [tilespmem:s31+$0xFFFFFFD0]  }
0x2a: {  	v5 =	vld [tilespmem:s31+$0xFFFFFFE0]  }
0x2b: {  	v6 =	vld [tilespmem:s31+$0xFFFFFFF0]  }
0x2c: {  	v7 =	vld [tilespmem:s31+$0x0]  }
0x2d: {  	v8 =	vld [tilespmem:s31+$0x10];
	v3 =	vadd.s32 v1, v3  }
0x2e: {  	v4 =	vadd.s32 v1, v4  }
0x2f: {  	v5 =	vadd.s32 v1, v5  }
0x30: {  	v9 =	vld [tilespmem:s31+$0x20];
	v6 =	vadd.s32 v1, v6  }
0x31: {  	v10 =	vld [tilespmem:s31+$0xFFFFFFC0];
	v7 =	vadd.s32 v1, v7  }
0x32: {  	v8 =	vadd.s32 v1, v8;
	[tilespmem:v3+s3+$0x0] =	vst.idx.add.s32.msk $0xffff, v2  }
0x33: {  	[tilespmem:v4+s3+$0x0] =	vst.idx.add.s32.msk $0xffff, v2  }
0x34: {  	[tilespmem:v5+s3+$0x0] =	vst.idx.add.s32.msk $0xffff, v2  }
0x35: {  	[tilespmem:v6+s3+$0x0] =	vst.idx.add.s32.msk $0xffff, v2  }
0x36: {  	[tilespmem:v7+s3+$0x0] =	vst.idx.add.s32.msk $0xffff, v2  }
0x37: {  	p0 =	por p2, p2;
	s19 =	simm.s32 $0x20C0;
	s18 =	simm.s32 $0x0;
	v3 =	vadd.s32 v1, v9;
	v4 =	vadd.s32 v1, v10;
	[tilespmem:v8+s3+$0x0] =	vst.idx.add.s32.msk $0xffff, v2  }
.LBB2_5:
0x38: {  	v5 =	vld [tilespmem:s19+$0x30];
	s18 =	sadd.s32 $0x8, s18  }
0x39: {  	v6 =	vld [tilespmem:s19+$0xFFFFFFD0];
	p2 =	slt.u32 s18, $0x1F8  }
0x3a: {  	v7 =	vld [tilespmem:s19+$0xFFFFFFE0]  }
0x3b: {  	v8 =	vld [tilespmem:s19+$0xFFFFFFF0]  }
0x3c: {  	v9 =	vld [tilespmem:s19+$0x0]  }
0x3d: {  	v10 =	vld [tilespmem:s19+$0x10];
	v5 =	vadd.s32 v1, v5  }
0x3e: {  	v6 =	vadd.s32 v1, v6;
	v11 =	vld [tilespmem:s19+$0x20]  }
0x3f: {  	v12 =	vld [tilespmem:s19+$0xFFFFFFC0];
	v7 =	vadd.s32 v1, v7  }
0x40: {  	v8 =	vadd.s32 v1, v8;
	[tilespmem:v4+s3+$0x0] =	vst.idx.add.s32.msk $0xffff, v2  }
0x41: {  	v9 =	vadd.s32 v1, v9;
	[tilespmem:v3+s3+$0x0] =	vst.idx.add.s32.msk $0xffff, v2  }
0x42: {  	v10 =	vadd.s32 v1, v10;
	[tilespmem:v5+s3+$0x0] =	vst.idx.add.s32.msk $0xffff, v2  }
.Ltmp1:
0x43: {  	[tilespmem:v6+s3+$0x0] =	vst.idx.add.s32.msk $0xffff, v2;
	v3 =	vadd.s32 v1, v11;
	(pc) =	sbr.rel @p2 .LBB2_5-.Ltmp1, $4  }
0x44: {  	v4 =	vadd.s32 v1, v12;
	[tilespmem:v7+s3+$0x0] =	vst.idx.add.s32.msk $0xffff, v2  }
0x45: {  	[tilespmem:v8+s3+$0x0] =	vst.idx.add.s32.msk $0xffff, v2  }
0x46: {  	[tilespmem:v9+s3+$0x0] =	vst.idx.add.s32.msk $0xffff, v2  }
0x47: {  	s19 =	sadd.s32 $0x80, s19;
	[tilespmem:v10+s3+$0x0] =	vst.idx.add.s32.msk $0xffff, v2  }
0x48: {  	s17 =	sshll.u32 @!p1 s17, $0x1  }
0x49: {  	s17 =	sadd.s32 @!p1 $0x2, s17  }
0x4a: {  	s18 =	sshrl.u32 @!p1 s17, $0x2  }
0x4b: {  	s18 =	sadd.s32 @!p1 s2, s18  }
0x4c: {  	s17 =	sshll.u32 @!p1 s17, $0xD;
	s19 =	sshll.u32 @!p1 s18, $0xC;
	s18 =	sshll.u32 @!p1 s18, $0x4  }
0x4d: {  	s17 =	sand.u32 @!p1 $0x4000, s17;
	s19 =	sand.u32 @!p1 $0xFFF8000, s19;
	s18 =	sand.u32 @!p1 $0x70, s18  }
0x4e: {  	[tilespmem:v4+s3+$0x0] =	vst.idx.add.s32.msk $0xffff, v2;
	s20 =	simm.s32 @!p1 $0x2000;
	s17 =	sor.u32 @!p1 s19, s17;
	s18 =	sadd.s32 @!p1 s4, s18  }
0x4f: {  	[tilespmem:v3+s3+$0x0] =	vst.idx.add.s32.msk $0xffff, v2;
	s19 =	simm.s32 @!p1 $0x400;
	s17 =	sadd.s32 @!p1 s17, s18;
	s18 =	simm.s32 @!p1 $0x80  }
0x50: {  	[tilespmem:s20], [sflag:$0x1] =	stream.strided.gather @!p1 [hbm4b:s17+s18], $0x2000, s19, s18, $0x38;
	[tilespmem:$0x6000] =	vst v63  }
0x51: {  	_ =	swait.ge [sflag:s14], $0x2000  }
0x52: {  	[sflag:s14] =	ssyncset.done $0x0  }
0x53: {  	s31 =	simm.s32 $0x4040;
	[sflag:s14] =	ssyncadd.s32 $0xFFFFE000  }
0x54: {  	v3 =	vld [tilespmem:s31+$0x30]  }
0x55: {  	v4 =	vld [tilespmem:s31+$0xFFFFFFD0]  }
0x56: {  	v5 =	vld [tilespmem:s31+$0xFFFFFFE0]  }
0x57: {  	v6 =	vld [tilespmem:s31+$0xFFFFFFF0]  }
0x58: {  	v7 =	vld [tilespmem:s31+$0x0]  }
0x59: {  	v8 =	vld [tilespmem:s31+$0x10];
	v3 =	vadd.s32 v1, v3  }
0x5a: {  	v4 =	vadd.s32 v1, v4  }
0x5b: {  	v5 =	vadd.s32 v1, v5  }
0x5c: {  	v9 =	vld [tilespmem:s31+$0x20];
	v6 =	vadd.s32 v1, v6  }
0x5d: {  	v10 =	vld [tilespmem:s31+$0xFFFFFFC0];
	v7 =	vadd.s32 v1, v7  }
0x5e: {  	v8 =	vadd.s32 v1, v8;
	[tilespmem:v3+s3+$0x0] =	vst.idx.add.s32.msk $0xffff, v2  }
0x5f: {  	[tilespmem:v4+s3+$0x0] =	vst.idx.add.s32.msk $0xffff, v2  }
0x60: {  	[tilespmem:v5+s3+$0x0] =	vst.idx.add.s32.msk $0xffff, v2  }
0x61: {  	[tilespmem:v6+s3+$0x0] =	vst.idx.add.s32.msk $0xffff, v2  }
0x62: {  	[tilespmem:v7+s3+$0x0] =	vst.idx.add.s32.msk $0xffff, v2  }
0x63: {  	s17 =	simm.s32 $0x0;
	s18 =	simm.s32 $0x40C0;
	v3 =	vadd.s32 v1, v9;
	v4 =	vadd.s32 v1, v10;
	[tilespmem:v8+s3+$0x0] =	vst.idx.add.s32.msk $0xffff, v2  }
.LBB2_7:
0x64: {  	v5 =	vld [tilespmem:s18+$0x30];
	s17 =	sadd.s32 $0x8, s17  }
0x65: {  	v6 =	vld [tilespmem:s18+$0xFFFFFFD0];
	p1 =	slt.u32 s17, $0x1F8  }
0x66: {  	v7 =	vld [tilespmem:s18+$0xFFFFFFE0]  }
0x67: {  	v8 =	vld [tilespmem:s18+$0xFFFFFFF0]  }
0x68: {  	v9 =	vld [tilespmem:s18+$0x0]  }
0x69: {  	v10 =	vld [tilespmem:s18+$0x10];
	v5 =	vadd.s32 v1, v5  }
0x6a: {  	v6 =	vadd.s32 v1, v6;
	v11 =	vld [tilespmem:s18+$0x20]  }
0x6b: {  	v12 =	vld [tilespmem:s18+$0xFFFFFFC0];
	v7 =	vadd.s32 v1, v7  }
0x6c: {  	v8 =	vadd.s32 v1, v8;
	[tilespmem:v4+s3+$0x0] =	vst.idx.add.s32.msk $0xffff, v2  }
0x6d: {  	v9 =	vadd.s32 v1, v9;
	[tilespmem:v3+s3+$0x0] =	vst.idx.add.s32.msk $0xffff, v2  }
0x6e: {  	v10 =	vadd.s32 v1, v10;
	[tilespmem:v5+s3+$0x0] =	vst.idx.add.s32.msk $0xffff, v2  }
.Ltmp2:
0x6f: {  	[tilespmem:v6+s3+$0x0] =	vst.idx.add.s32.msk $0xffff, v2;
	v3 =	vadd.s32 v1, v11;
	(pc) =	sbr.rel @p1 .LBB2_7-.Ltmp2, $4  }
0x70: {  	v4 =	vadd.s32 v1, v12;
	[tilespmem:v7+s3+$0x0] =	vst.idx.add.s32.msk $0xffff, v2  }
0x71: {  	[tilespmem:v8+s3+$0x0] =	vst.idx.add.s32.msk $0xffff, v2  }
0x72: {  	[tilespmem:v9+s3+$0x0] =	vst.idx.add.s32.msk $0xffff, v2  }
0x73: {  	s18 =	sadd.s32 $0x80, s18;
	[tilespmem:v10+s3+$0x0] =	vst.idx.add.s32.msk $0xffff, v2  }
0x74: {  	_ = 	snop  }
.Ltmp3:
0x75: {  	_ = 	snop;
	(pc) =	sbr.rel @p0 .LBB2_4-.Ltmp3, $3  }
0x76: {  	_ =	sdelay $0x1  }
0x77: {  	[tilespmem:v4+s3+$0x0] =	vst.idx.add.s32.msk $0xffff, v2  }
0x78: {  	[tilespmem:v3+s3+$0x0] =	vst.idx.add.s32.msk $0xffff, v2;
	s17 =	simm.s32 $0x1;
	p2 =	por $0x0, $0x0;
	p1 =	por $0x1, $0x1  }
0x79: {  	s16 =	sadd.s32 $0x1, s16  }
0x7a: {  	p0 =	sne.s32 s16, s8  }
.Ltmp4:
0x7b: {  	_ = 	snop;
	(pc) =	sbr.rel @p0 .LBB2_1-.Ltmp4, $4  }
0x7c: {  	[hbm4b:s7+s9] =	stream.strided.scatter [tilespmem:s3], [sflag:$0x3], $0x2000, s10, s9, $0x38;
	[tilespmem:$0x6000] =	vst v63  }
0x7d: {  	_ =	swait.ge [sflag:s15], $0x2000  }
0x7e: {  	[sflag:s15] =	ssyncset.done $0x0  }
0x7f: {  	[sflag:s15] =	ssyncadd.s32 $0xFFFFE000  }
0x80: {  	_ =	sfence.sel $0x180000  }
0x81: {  	[bflag:$0x0] =	sbarrier.arrive $0xFFFF  }
0x82: {  	p0 =	sne.s32 s0, $0x0;
	_ =	strace $0x9000004A  }
0x83: {  	s0 =	sadd.s32 @!p0 $0x100000, s1;
	[bflag:$0x2] =	sbarrier.arrive $0xFFFF  }
0x84: {  	[sflag:s0] =	ssyncadd.tile.s32 @!p0 $0x1;
	_ =	shalt  }
.Lfunc_end2:
_tile_overlayer_lowered:
.L_overlay_start_2:
0x85: {  	(tag) =	ssettag $0x2  }
0x86: {  	s0 =	rddreg [dreg:$0x0];
	s2 =	stileid.u32  }
0x87: {  	s1 =	rddreg [dreg:$0x1];
	p0 =	sne.s32 s2, $0x0  }
0x88: {  	s3 =	rddreg [dreg:$0x2];
	[bflag:$0x3] =	sbarrier.arrive $0xFFFF;
	s2 =	simm.s32 @!p0 $0x1C03  }
0x89: {  	[timem:s3], [sflag:s2] =	dma.local @!p0 [hbm:s0], s1  }
0x8a: {  	s0 =	simm.s32 @!p0 $0x3  }
0x8b: {  	_ =	swait.ge @!p0 [sflag:s0], s1  }
0x8c: {  	s1 =	ssub.s32 @!p0 $0x0, s1;
	[sflag:s0] =	ssyncset.done @!p0 $0x0  }
0x8d: {  	[sflag:s0] =	ssyncadd.s32 @!p0 s1  }
0x8e: {  	[bflag:$0x3] =	sbarrier.arrive $0xFFFF  }
0x8f: {  	_ =	shalt  }

// kernel: kernel.20.cloned.1.call-start
scs
__scs_entry_jumppad:
0x0: {  	(pc) =	sbr.rel $0x88, $3  }
0x1: {  	(tag) =	ssettag $0x0;
	lr =	simm.s32 $0x1  }
0x2: {  	[smem:$0x3F9F] =	sst lr;
	_ =	strace $0xD0000000  }
0x3: {  	_ = 	snop  }
0x4: {  	_ = 	snop  }
0x5: {  	_ = 	snop  }
0x6: {  	_ = 	snop  }
0x7: {  	_ = 	snop  }
__scs_overlays_trampoline_lowered:
0x8: {  	[smem:$0x3FAE] =	sst s0  }
0x9: {  	[smem:$0x3FAF] =	sst s1  }
0xa: {  	[smem:$0x3FB0] =	sst s2  }
0xb: {  	[smem:$0x3FB1] =	sst s3  }
0xc: {  	[smem:$0x3FB2] =	sst s4  }
0xd: {  	[smem:$0x3FB3] =	sst s5  }
0xe: {  	[smem:$0x3FB4] =	sst s6  }
0xf: {  	[smem:$0x3FB5] =	sst s7  }
0x10: {  	[smem:$0x3FB6] =	sst s8  }
0x11: {  	[smem:$0x3FB7] =	sst s9;
	s0 =	simm.s32 @!p0 $0x0  }
0x12: {  	s1 =	sld [smem:$0x3F9D];
	s0 =	simm.s32 @p0 $0x1  }
0x13: {  	[smem:$0x3FB8] =	sst s0;
	s0 =	simm.s32 @!p1 $0x0  }
0x14: {  	s2 =	sld [smem:$0x3F9C];
	s0 =	simm.s32 @p1 $0x1  }
0x15: {  	[smem:$0x3FB9] =	sst s0;
	s0 =	simm.s32 @!p2 $0x0  }
0x16: {  	s3 =	sld [smem:$0x3FDB];
	s0 =	simm.s32 @p2 $0x1  }
0x17: {  	s4 =	simm.s32 $0x1BF5;
	[smem:$0x3FBB] =	sst s0  }
0x18: {  	s0 =	sld [smem:$0x3F9E];
	_ =	swait.ge [sflag:s4], $0x0  }
0x19: {  	s7 =	sld [smem:$0x3F9F]  }
0x1a: {  	s8 =	sadd.s32 $0xFFFFE003, lr  }
0x1b: {  	s9 =	sadd.s32 $0xFFFFFEF7, lr;
	s5 =	simm.s32 $0xFFFFFFFF;
	p2 =	slt.u32 s8, $0xFFFFF086  }
0x1c: {  	p1 =	slt.u32 s9, $0xF7A;
	s5 =	simm.s32 @!p2 $0x0  }
0x1d: {  	s5 =	simm.s32 @p1 $0x1;
	p0 =	seq.s32 s7, s2  }
0x1e: {  	s7 =	smul.u32 @!p0 $0xF7A, s2;
	p2 =	seq.s32 @!p0 s5, $0x0  }
0x1f: {  	s9 =	smul.u32 $0xF7A, s1;
	s8 =	simm.s32 @!p0 $0x1BF5;
	p2 =	por !p2, p0  }
0x20: {  	[sflag:s8] =	ssyncset.s32 @!p0 $0xFFFFF086;
	s6 =	sadd.s32 @!p0 s3, s7;
	s7 =	simm.s32 @!p0 $0x108  }
0x21: {  	s3 =	sadd.s32 s3, s9;
	s6 =	sadd.s32 @!p0 $0x88, s6;
	s7 =	simm.s32 @p2 $0x1082  }
0x22: {  	[simem:s7], [sflag:s8] =	dma.local @!p0 [hbm:s6], $0xF7A  }
0x23: {  	s9 =	sor.u32 $0xD0000000, s2;
	s6 =	simm.s32 $0x108;
	_ =	swait.ge @!p0 [sflag:s8], $0x0  }
0x24: {  	s3 =	sadd.s32 $0x88, s3;
	s6 =	simm.s32 @!p1 $0x1082;
	[sflag:s4] =	ssyncset.s32 $0xFFFFF086  }
0x25: {  	[simem:s6], [sflag:s4] =	dma.local [hbm:s3], $0xF7A  }
0x26: {  	[smem:$0x3F9F] =	sst s1;
	(tag) =	ssettag s2;
	_ =	strace s9  }
0x27: {  	s1 =	sld [smem:$0x3FAF]  }
0x28: {  	s2 =	sld [smem:$0x3FB0]  }
0x29: {  	s4 =	sld [smem:$0x3FB2]  }
0x2a: {  	p0 =	seq.s32 s5, $0x0;
	s5 =	sld [smem:$0x3FB3]  }
0x2b: {  	s6 =	sld [smem:$0x3FB4]  }
0x2c: {  	s7 =	sld [smem:$0x3FB5]  }
0x2d: {  	s3 =	simm.s32 $0x108;
	s8 =	sld [smem:$0x3FB6]  }
0x2e: {  	s3 =	simm.s32 @!p0 $0x1082;
	s9 =	sld [smem:$0x3FB7]  }
0x2f: {  	lr =	sadd.s32 s0, s3;
	s0 =	sld [smem:$0x3FAE]  }
0x30: {  	s3 =	sld [smem:$0x3FB1]  }
0x31: {  	[smem:$0x3FBA] =	sst s10  }
0x32: {  	s10 =	sld [smem:$0x3FB8];
	_ =	sdelay $0x3  }
0x33: {  	p0 =	seq.s32 s10, $0x1;
	s10 =	sld [smem:$0x3FBA];
	_ =	sdelay $0x3  }
0x34: {  	[smem:$0x3FBA] =	sst s10  }
0x35: {  	s10 =	sld [smem:$0x3FB9];
	_ =	sdelay $0x3  }
0x36: {  	p1 =	seq.s32 s10, $0x1;
	s10 =	sld [smem:$0x3FBA];
	_ =	sdelay $0x3  }
0x37: {  	[smem:$0x3FBA] =	sst s10  }
0x38: {  	s10 =	sld [smem:$0x3FBB]  }
0x39: {  	_ = 	snop;
	(pc) =	sbr.ind lr, $3  }
0x3a: {  	_ = 	snop  }
0x3b: {  	_ = 	snop  }
0x3c: {  	p2 =	seq.s32 s10, $0x1;
	s10 =	sld [smem:$0x3FBA]  }
0x3d: {  	_ =	shalt  }
0x3e: {  	_ =	shalt  }
0x3f: {  	_ =	shalt  }
0x40: {  	_ =	shalt  }
0x41: {  	_ =	shalt  }
0x42: {  	_ =	shalt  }
0x43: {  	_ =	shalt  }
0x44: {  	_ =	shalt  }
0x45: {  	_ =	shalt  }
0x46: {  	_ =	shalt  }
0x47: {  	_ =	shalt  }
0x48: {  	_ =	shalt  }
0x49: {  	_ =	shalt  }
0x4a: {  	_ =	shalt  }
0x4b: {  	_ =	shalt  }
0x4c: {  	_ =	shalt  }
0x4d: {  	_ =	shalt  }
0x4e: {  	_ =	shalt  }
0x4f: {  	_ =	shalt  }
0x50: {  	_ =	shalt  }
0x51: {  	_ =	shalt  }
0x52: {  	_ =	shalt  }
0x53: {  	_ =	shalt  }
0x54: {  	_ =	shalt  }
0x55: {  	_ =	shalt  }
0x56: {  	_ =	shalt  }
0x57: {  	_ =	shalt  }
0x58: {  	_ =	shalt  }
0x59: {  	_ =	shalt  }
0x5a: {  	_ =	shalt  }
0x5b: {  	_ =	shalt  }
0x5c: {  	_ =	shalt  }
0x5d: {  	_ =	shalt  }
0x5e: {  	_ =	shalt  }
0x5f: {  	_ =	shalt  }
0x60: {  	_ =	shalt  }
0x61: {  	_ =	shalt  }
0x62: {  	_ =	shalt  }
0x63: {  	_ =	shalt  }
0x64: {  	_ =	shalt  }
0x65: {  	_ =	shalt  }
0x66: {  	_ =	shalt  }
0x67: {  	_ =	shalt  }
0x68: {  	_ =	shalt  }
0x69: {  	_ =	shalt  }
0x6a: {  	_ =	shalt  }
0x6b: {  	_ =	shalt  }
0x6c: {  	_ =	shalt  }
0x6d: {  	_ =	shalt  }
0x6e: {  	_ =	shalt  }
0x6f: {  	_ =	shalt  }
0x70: {  	_ =	shalt  }
0x71: {  	_ =	shalt  }
0x72: {  	_ =	shalt  }
0x73: {  	_ =	shalt  }
0x74: {  	_ =	shalt  }
0x75: {  	_ =	shalt  }
0x76: {  	_ =	shalt  }
0x77: {  	_ =	shalt  }
0x78: {  	_ =	shalt  }
0x79: {  	_ =	shalt  }
0x7a: {  	_ =	shalt  }
0x7b: {  	_ =	shalt  }
0x7c: {  	_ =	shalt  }
0x7d: {  	_ =	shalt  }
0x7e: {  	_ =	shalt  }
0x7f: {  	_ =	shalt  }
0x80: {  	_ =	shalt  }
0x81: {  	_ =	shalt  }
0x82: {  	_ =	shalt  }
0x83: {  	_ =	shalt  }
0x84: {  	_ =	shalt  }
0x85: {  	_ =	shalt  }
0x86: {  	_ =	shalt  }
0x87: {  	_ =	shalt  }
.Lfunc_end0:
.L_simem_size_0:
called_computation.3_lowered:
.L_overlay_start_0:
0x88: {  	s2 =	sld [smem:$0x3FD9]  }
0x89: {  	s3 =	sld [smem:$0x3FFE];
	_ =	sdelay $0x1  }
0x8a: {  	s1 =	srdreg.scid  }
0x8b: {  	s0 =	sand.u32 $0x1, s1  }
0x8c: {  	s16 =	sshll.u32 s0, $0xA;
	s2 =	sadd.s32 s3, s2  }
0x8d: {  	s2 =	sadd.s32 s2, s16  }
0x8e: {  	[smem:$0x3FC6] =	sst s2  }
0x8f: {  	_ = 	snop  }
0x90: {  	(tm) =	ssettm $0x1  }
0x91: {  	s17 =	sld [smem:$0x3FFB];
	_ =	sdelay $0x3  }
0x92: {  	_ =	strace s17  }
0x93: {  	s2 =	sld [smem:$0x3FFC];
	_ =	sdelay $0x3  }
0x94: {  	_ =	strace s2  }
0x95: {  	s2 =	sld [smem:$0x3FFD];
	_ =	sdelay $0x3  }
0x96: {  	_ =	strace s2  }
0x97: {  	_ =	strace $0x8FFFFFFF  }
0x98: {  	s18 =	sld [smem:$0x3FDB];
	_ =	sdelay $0x1  }
0x99: {  	s19 =	simm.s32 $_scs_section_size  }
0x9a: {  	s4 =	simm.s32 $_size__tile_overlayer_lowered;
	s5 =	simm.s32 $_tile_overlayer_lowered  }
0x9b: {  	s22 =	simm.s32 $0x1BFF;
	s21 =	sshll.u32 s5, $0x1;
	s2 =	sadd.s32 s19, s18  }
0x9c: {  	s6 =	simm.s32 $0x0;
	s20 =	sshll.u32 s4, $0x1;
	s4 =	sadd.s32 s21, s2  }
0x9d: {  	[timem:s6], [sflag:s22] =	dma.local [hbm:s4], s20  }
0x9e: {  	_ =	swait.ge [sflag:s22], s20  }
0x9f: {  	s3 =	ssub.s32 $0x0, s20;
	[sflag:s22] =	ssyncset.done $0x0  }
0xa0: {  	[sflag:s22] =	ssyncadd.s32 s3;
	_ =	sdelay $0x1  }
0xa1: {  	s23 =	simm.s32 $0x1B8B  }
0xa2: {  	_ =	swait.ge [sflag:s23], $0x1  }
0xa3: {  	[sflag:s23] =	ssyncset.done $0x0  }
0xa4: {  	s25 =	simm.s32 $0x1B8E;
	s24 =	sld [smem:$0x3FFE];
	[sflag:s23] =	ssyncadd.s32 $0xFFFFFFFF  }
0xa5: {  	s26 =	simm.s32 $execute0_lowered;
	[smem:$0x3FD2] =	sst s25  }
0xa6: {  	s4 =	sshll.u32 s26, $0x1;
	_ =	strace $0x80000046;
	[dreg:$0x1] =	wrdreg $0xFFFFFFFF  }
0xa7: {  	s28 =	simm.s32 $_size_execute0_lowered;
	s2 =	sadd.s32 s2, s4;
	[dreg:$0x0] =	wrdreg $0x0  }
0xa8: {  	s4 =	sshll.u32 s28, $0x1;
	[dreg:$0x2] =	wrdreg s2  }
0xa9: {  	[dreg:$0x3] =	wrdreg s4  }
0xaa: {  	[dreg:$0x4] =	wrdreg $0xC0  }
0xab: {  	_ =	task [dreg:s6], $0x5FFFF  }
0xac: {  	[dreg:$0x1] =	wrdreg $0xFFFFFFFF  }
0xad: {  	[dreg:$0x0] =	wrdreg $0x60  }
0xae: {  	[dreg:$0x2] =	wrdreg s24  }
0xaf: {  	[dreg:$0x3] =	wrdreg $0xC  }
0xb0: {  	_ =	task.clear_ibuf [dreg:s6], $0x4FFFF;
	_ =	strace $0x90000046  }
0xb1: {  	s29 =	simm.s32 $0xC;
	_ =	strace $0x80000048  }
0xb2: {  	_ =	swait.ge [sflag:s29], $0x1  }
0xb3: {  	[sflag:s29] =	ssyncadd.s32 $0xFFFFFFFF  }
0xb4: {  	_ =	strace $0x90000048  }
0xb5: {  	_ =	sfence  }
0xb6: {  	s30 =	sld [smem:$0x0];
	_ =	sdelay $0x2  }
0xb7: {  	s31 =	sshll.u32 s1, $0xD;
	s1 =	sshrl.u32 s1, $0x2  }
0xb8: {  	s3 =	sand.u32 $0x4000, s31;
	s1 =	sadd.s32 s1, s30  }
0xb9: {  	s0 =	sor.u32 s3, s0;
	s1 =	sshll.u32 s1, $0x11  }
0xba: {  	s0 =	sor.u32 s1, s0  }
0xbb: {  	s0 =	sadd.s32 $0x8F2B, s0  }
0xbc: {  	[sflag:s0] =	ssyncadd.remote.s32 $0x1  }
0xbd: {  	_ =	sfence.sel $0xFFFF  }
0xbe: {  	[dreg:$0x0] =	wrdreg $0xFFFFFFFF;
	(pc) =	sbr.abs _section_cstart, $3  }
0xbf: {  	[dreg:$0x1] =	wrdreg $0xFFFFFFFF  }
0xc0: {  	_ =	task.clear_ibuf [dreg:s6], $0x2FFFF;
	_ =	strace $0x9FFFFFFF  }
0xc1: {  	(tm) =	ssettm $0x7FFFFFFF  }
tec
execute0_lowered:
.L_overlay_start_1:
0x0: {  	(tag) =	ssettag $0x1  }
0x1: {  	s1 =	srdreg.scid  }
0x2: {  	s0 =	stileid.u32;
	s5 =	rddreg [dreg:$0x0]  }
0x3: {  	s3 =	simm.s32 $0x0;
	s12 =	simm.s32 $0x4000;
	s13 =	simm.s32 $0x1  }
0x4: {  	s14 =	simm.s32 $0x2;
	s15 =	simm.s32 $0x3;
	s16 =	simm.s32 $0x0  }
0x5: {  	s6 =	sand.u32 $0x1, s1;
	s2 =	sshll.u32 s0, $0x1;
	s1 =	rddreg [dreg:$0x1]  }
0x6: {  	s7 =	sshrl.u32 s0, $0x2;
	[smem:$0x7FF] =	sst s3;
	s10 =	sshll.u32 s0, $0xD  }
0x7: {  	s2 =	sor.u32 s6, s2;
	s25 =	sshll.u32 s7, $0x10;
	_ =	strace $0x80000047  }
0x8: {  	s6 =	ssub.s32 $0x2, s6;
	s7 =	sshll.u32 s7, $0x12;
	s10 =	sand.u32 $0x18000, s10  }
0x9: {  	s4 =	sshll.u32 s2, $0x7;
	s26 =	sshrl.u32 s6, $0x1;
	s11 =	sshll.u32 s2, $0x4  }
0xa: {  	s8 =	sand.u32 $0x380, s4;
	s4 =	sadd.s32 $0x2A00, s5;
	s28 =	sand.u32 $0x70, s11  }
0xb: {  	s29 =	ssub.s32 s6, s26;
	s11 =	simm.s32 $0x2000;
	s9 =	sor.u32 s25, s8  }
0xc: {  	s7 =	sor.u32 s7, s8;
	s10 =	sadd.s32 s10, s4;
	s8 =	smax.u32 s29, $0x1  }
0xd: {  	s9 =	sshrl.u32 s9, $0x3;
	s30 =	sshrl.u32 s7, $0x3;
	s31 =	sadd.s32 s28, s10  }
0xe: {  	v1 =	vlaneseq.u32;
	s10 =	simm.s32 $0x400;
	s9 =	sadd.s32 s9, s5;
	s5 =	sadd.s32 s4, s30  }
0xf: {  	v0 =	vimm.s32 $0x0;
	v2 =	vimm.s32 $0x1;
	v1 =	vmul.u32 $0x200, v1;
	s6 =	sadd.s32 $0x2000, s31;
	s7 =	sadd.s32 $0x22A00, s9;
	s9 =	simm.s32 $0x80  }
.LBB2_1:
0x10: {  	[tilespmem:s11], [sflag:$0x1] =	stream.strided.gather [hbm4b:s5+s9], $0x2000, s10, s9, $0x38;
	[tilespmem:$0x6000] =	vst v63  }
0x11: {  	s17 =	simm.s32 $0x40  }
0x12: {  	[tilespmem:s17+$0xFFFFFFC0] =	vst v0  }
0x13: {  	[tilespmem:s17+$0x30] =	vst v0  }
0x14: {  	[tilespmem:s17+$0x20] =	vst v0  }
0x15: {  	[tilespmem:s17+$0x10] =	vst v0  }
0x16: {  	[tilespmem:s17+$0x0] =	vst v0  }
0x17: {  	[tilespmem:s17+$0xFFFFFFF0] =	vst v0  }
0x18: {  	s18 =	simm.s32 $0x0;
	p2 =	por $0x1, $0x1;
	p1 =	por $0x0, $0x0;
	[tilespmem:s17+$0xFFFFFFE0] =	vst v0  }
.LBB2_2:
0x19: {  	s18 =	sadd.s32 $0x8, s18;
	[tilespmem:s17+$0xFFFFFFD0] =	vst v0;
	s17 =	sadd.s32 $0x80, s17  }
0x1a: {  	[tilespmem:s17+$0xFFFFFFC0] =	vst v0;
	p0 =	slt.u32 s18, $0x1F8  }
0x1b: {  	[tilespmem:s17+$0x30] =	vst v0  }
.Ltmp0:
0x1c: {  	[tilespmem:s17+$0x20] =	vst v0;
	(pc) =	sbr.rel @p0 .LBB2_2-.Ltmp0, $4  }
0x1d: {  	[tilespmem:s17+$0x10] =	vst v0  }
0x1e: {  	[tilespmem:s17+$0x0] =	vst v0  }
0x1f: {  	[tilespmem:s17+$0xFFFFFFF0] =	vst v0  }
0x20: {  	[tilespmem:s17+$0xFFFFFFE0] =	vst v0  }
0x21: {  	[tilespmem:s17+$0xFFFFFFD0] =	vst v0;
	s17 =	simm.s32 $0x0  }
.LBB2_4:
0x22: {  	s18 =	sshll.u32 s17, $0xE  }
0x23: {  	s18 =	sadd.s32 s18, s6  }
0x24: {  	[tilespmem:s12], [sflag:$0x2] =	stream.strided.gather [hbm4b:s18+s9], $0x2000, s10, s9, $0x38;
	[tilespmem:$0x6000] =	vst v63  }
0x25: {  	_ =	swait.ge [sflag:s13], $0x2000  }
0x26: {  	[sflag:s13] =	ssyncset.done $0x0  }
0x27: {  	s31 =	simm.s32 $0x2040;
	[sflag:s13] =	ssyncadd.s32 $0xFFFFE000  }
0x28: {  	v3 =	vld [tilespmem:s31+$0x30]  }
0x29: {  	v4 =	vld [tilespmem:s31+$0xFFFFFFD0]  }
0x2a: {  	v5 =	vld [tilespmem:s31+$0xFFFFFFE0]  }
0x2b: {  	v6 =	vld [tilespmem:s31+$0xFFFFFFF0]  }
0x2c: {  	v7 =	vld [tilespmem:s31+$0x0]  }
0x2d: {  	v8 =	vld [tilespmem:s31+$0x10];
	v3 =	vadd.s32 v1, v3  }
0x2e: {  	v4 =	vadd.s32 v1, v4  }
0x2f: {  	v5 =	vadd.s32 v1, v5  }
0x30: {  	v9 =	vld [tilespmem:s31+$0x20];
	v6 =	vadd.s32 v1, v6  }
0x31: {  	v10 =	vld [tilespmem:s31+$0xFFFFFFC0];
	v7 =	vadd.s32 v1, v7  }
0x32: {  	v8 =	vadd.s32 v1, v8;
	[tilespmem:v3+s3+$0x0] =	vst.idx.add.s32.msk $0xffff, v2  }
0x33: {  	[tilespmem:v4+s3+$0x0] =	vst.idx.add.s32.msk $0xffff, v2  }
0x34: {  	[tilespmem:v5+s3+$0x0] =	vst.idx.add.s32.msk $0xffff, v2  }
0x35: {  	[tilespmem:v6+s3+$0x0] =	vst.idx.add.s32.msk $0xffff, v2  }
0x36: {  	[tilespmem:v7+s3+$0x0] =	vst.idx.add.s32.msk $0xffff, v2  }
0x37: {  	p0 =	por p2, p2;
	s19 =	simm.s32 $0x20C0;
	s18 =	simm.s32 $0x0;
	v3 =	vadd.s32 v1, v9;
	v4 =	vadd.s32 v1, v10;
	[tilespmem:v8+s3+$0x0] =	vst.idx.add.s32.msk $0xffff, v2  }
.LBB2_5:
0x38: {  	v5 =	vld [tilespmem:s19+$0x30];
	s18 =	sadd.s32 $0x8, s18  }
0x39: {  	v6 =	vld [tilespmem:s19+$0xFFFFFFD0];
	p2 =	slt.u32 s18, $0x1F8  }
0x3a: {  	v7 =	vld [tilespmem:s19+$0xFFFFFFE0]  }
0x3b: {  	v8 =	vld [tilespmem:s19+$0xFFFFFFF0]  }
0x3c: {  	v9 =	vld [tilespmem:s19+$0x0]  }
0x3d: {  	v10 =	vld [tilespmem:s19+$0x10];
	v5 =	vadd.s32 v1, v5  }
0x3e: {  	v6 =	vadd.s32 v1, v6;
	v11 =	vld [tilespmem:s19+$0x20]  }
0x3f: {  	v12 =	vld [tilespmem:s19+$0xFFFFFFC0];
	v7 =	vadd.s32 v1, v7  }
0x40: {  	v8 =	vadd.s32 v1, v8;
	[tilespmem:v4+s3+$0x0] =	vst.idx.add.s32.msk $0xffff, v2  }
0x41: {  	v9 =	vadd.s32 v1, v9;
	[tilespmem:v3+s3+$0x0] =	vst.idx.add.s32.msk $0xffff, v2  }
0x42: {  	v10 =	vadd.s32 v1, v10;
	[tilespmem:v5+s3+$0x0] =	vst.idx.add.s32.msk $0xffff, v2  }
.Ltmp1:
0x43: {  	[tilespmem:v6+s3+$0x0] =	vst.idx.add.s32.msk $0xffff, v2;
	v3 =	vadd.s32 v1, v11;
	(pc) =	sbr.rel @p2 .LBB2_5-.Ltmp1, $4  }
0x44: {  	v4 =	vadd.s32 v1, v12;
	[tilespmem:v7+s3+$0x0] =	vst.idx.add.s32.msk $0xffff, v2  }
0x45: {  	[tilespmem:v8+s3+$0x0] =	vst.idx.add.s32.msk $0xffff, v2  }
0x46: {  	[tilespmem:v9+s3+$0x0] =	vst.idx.add.s32.msk $0xffff, v2  }
0x47: {  	s19 =	sadd.s32 $0x80, s19;
	[tilespmem:v10+s3+$0x0] =	vst.idx.add.s32.msk $0xffff, v2  }
0x48: {  	s17 =	sshll.u32 @!p1 s17, $0x1  }
0x49: {  	s17 =	sadd.s32 @!p1 $0x2, s17  }
0x4a: {  	s18 =	sshrl.u32 @!p1 s17, $0x2  }
0x4b: {  	s18 =	sadd.s32 @!p1 s2, s18  }
0x4c: {  	s17 =	sshll.u32 @!p1 s17, $0xD;
	s19 =	sshll.u32 @!p1 s18, $0xC;
	s18 =	sshll.u32 @!p1 s18, $0x4  }
0x4d: {  	s17 =	sand.u32 @!p1 $0x4000, s17;
	s19 =	sand.u32 @!p1 $0xFFF8000, s19;
	s18 =	sand.u32 @!p1 $0x70, s18  }
0x4e: {  	[tilespmem:v4+s3+$0x0] =	vst.idx.add.s32.msk $0xffff, v2;
	s20 =	simm.s32 @!p1 $0x2000;
	s17 =	sor.u32 @!p1 s19, s17;
	s18 =	sadd.s32 @!p1 s4, s18  }
0x4f: {  	[tilespmem:v3+s3+$0x0] =	vst.idx.add.s32.msk $0xffff, v2;
	s19 =	simm.s32 @!p1 $0x400;
	s17 =	sadd.s32 @!p1 s17, s18;
	s18 =	simm.s32 @!p1 $0x80  }
0x50: {  	[tilespmem:s20], [sflag:$0x1] =	stream.strided.gather @!p1 [hbm4b:s17+s18], $0x2000, s19, s18, $0x38;
	[tilespmem:$0x6000] =	vst v63  }
0x51: {  	_ =	swait.ge [sflag:s14], $0x2000  }
0x52: {  	[sflag:s14] =	ssyncset.done $0x0  }
0x53: {  	s31 =	simm.s32 $0x4040;
	[sflag:s14] =	ssyncadd.s32 $0xFFFFE000  }
0x54: {  	v3 =	vld [tilespmem:s31+$0x30]  }
0x55: {  	v4 =	vld [tilespmem:s31+$0xFFFFFFD0]  }
0x56: {  	v5 =	vld [tilespmem:s31+$0xFFFFFFE0]  }
0x57: {  	v6 =	vld [tilespmem:s31+$0xFFFFFFF0]  }
0x58: {  	v7 =	vld [tilespmem:s31+$0x0]  }
0x59: {  	v8 =	vld [tilespmem:s31+$0x10];
	v3 =	vadd.s32 v1, v3  }
0x5a: {  	v4 =	vadd.s32 v1, v4  }
0x5b: {  	v5 =	vadd.s32 v1, v5  }
0x5c: {  	v9 =	vld [tilespmem:s31+$0x20];
	v6 =	vadd.s32 v1, v6  }
0x5d: {  	v10 =	vld [tilespmem:s31+$0xFFFFFFC0];
	v7 =	vadd.s32 v1, v7  }
0x5e: {  	v8 =	vadd.s32 v1, v8;
	[tilespmem:v3+s3+$0x0] =	vst.idx.add.s32.msk $0xffff, v2  }
0x5f: {  	[tilespmem:v4+s3+$0x0] =	vst.idx.add.s32.msk $0xffff, v2  }
0x60: {  	[tilespmem:v5+s3+$0x0] =	vst.idx.add.s32.msk $0xffff, v2  }
0x61: {  	[tilespmem:v6+s3+$0x0] =	vst.idx.add.s32.msk $0xffff, v2  }
0x62: {  	[tilespmem:v7+s3+$0x0] =	vst.idx.add.s32.msk $0xffff, v2  }
0x63: {  	s17 =	simm.s32 $0x0;
	s18 =	simm.s32 $0x40C0;
	v3 =	vadd.s32 v1, v9;
	v4 =	vadd.s32 v1, v10;
	[tilespmem:v8+s3+$0x0] =	vst.idx.add.s32.msk $0xffff, v2  }
.LBB2_7:
0x64: {  	v5 =	vld [tilespmem:s18+$0x30];
	s17 =	sadd.s32 $0x8, s17  }
0x65: {  	v6 =	vld [tilespmem:s18+$0xFFFFFFD0];
	p1 =	slt.u32 s17, $0x1F8  }
0x66: {  	v7 =	vld [tilespmem:s18+$0xFFFFFFE0]  }
0x67: {  	v8 =	vld [tilespmem:s18+$0xFFFFFFF0]  }
0x68: {  	v9 =	vld [tilespmem:s18+$0x0]  }
0x69: {  	v10 =	vld [tilespmem:s18+$0x10];
	v5 =	vadd.s32 v1, v5  }
0x6a: {  	v6 =	vadd.s32 v1, v6;
	v11 =	vld [tilespmem:s18+$0x20]  }
0x6b: {  	v12 =	vld [tilespmem:s18+$0xFFFFFFC0];
	v7 =	vadd.s32 v1, v7  }
0x6c: {  	v8 =	vadd.s32 v1, v8;
	[tilespmem:v4+s3+$0x0] =	vst.idx.add.s32.msk $0xffff, v2  }
0x6d: {  	v9 =	vadd.s32 v1, v9;
	[tilespmem:v3+s3+$0x0] =	vst.idx.add.s32.msk $0xffff, v2  }
0x6e: {  	v10 =	vadd.s32 v1, v10;
	[tilespmem:v5+s3+$0x0] =	vst.idx.add.s32.msk $0xffff, v2  }
.Ltmp2:
0x6f: {  	[tilespmem:v6+s3+$0x0] =	vst.idx.add.s32.msk $0xffff, v2;
	v3 =	vadd.s32 v1, v11;
	(pc) =	sbr.rel @p1 .LBB2_7-.Ltmp2, $4  }
0x70: {  	v4 =	vadd.s32 v1, v12;
	[tilespmem:v7+s3+$0x0] =	vst.idx.add.s32.msk $0xffff, v2  }
0x71: {  	[tilespmem:v8+s3+$0x0] =	vst.idx.add.s32.msk $0xffff, v2  }
0x72: {  	[tilespmem:v9+s3+$0x0] =	vst.idx.add.s32.msk $0xffff, v2  }
0x73: {  	s18 =	sadd.s32 $0x80, s18;
	[tilespmem:v10+s3+$0x0] =	vst.idx.add.s32.msk $0xffff, v2  }
0x74: {  	_ = 	snop  }
.Ltmp3:
0x75: {  	_ = 	snop;
	(pc) =	sbr.rel @p0 .LBB2_4-.Ltmp3, $3  }
0x76: {  	_ =	sdelay $0x1  }
0x77: {  	[tilespmem:v4+s3+$0x0] =	vst.idx.add.s32.msk $0xffff, v2  }
0x78: {  	[tilespmem:v3+s3+$0x0] =	vst.idx.add.s32.msk $0xffff, v2;
	s17 =	simm.s32 $0x1;
	p2 =	por $0x0, $0x0;
	p1 =	por $0x1, $0x1  }
0x79: {  	s16 =	sadd.s32 $0x1, s16  }
0x7a: {  	p0 =	sne.s32 s16, s8  }
.Ltmp4:
0x7b: {  	_ = 	snop;
	(pc) =	sbr.rel @p0 .LBB2_1-.Ltmp4, $4  }
0x7c: {  	[hbm4b:s7+s9] =	stream.strided.scatter [tilespmem:s3], [sflag:$0x3], $0x2000, s10, s9, $0x38;
	[tilespmem:$0x6000] =	vst v63  }
0x7d: {  	_ =	swait.ge [sflag:s15], $0x2000  }
0x7e: {  	[sflag:s15] =	ssyncset.done $0x0  }
0x7f: {  	[sflag:s15] =	ssyncadd.s32 $0xFFFFE000  }
0x80: {  	_ =	sfence.sel $0x180000  }
0x81: {  	[bflag:$0x0] =	sbarrier.arrive $0xFFFF  }
0x82: {  	p0 =	sne.s32 s0, $0x0;
	_ =	strace $0x90000047  }
0x83: {  	s0 =	sadd.s32 @!p0 $0x100000, s1;
	[bflag:$0x2] =	sbarrier.arrive $0xFFFF  }
0x84: {  	[sflag:s0] =	ssyncadd.tile.s32 @!p0 $0x1;
	_ =	shalt  }
.Lfunc_end2:
_tile_overlayer_lowered:
.L_overlay_start_2:
0x85: {  	(tag) =	ssettag $0x2  }
0x86: {  	s0 =	rddreg [dreg:$0x0];
	s2 =	stileid.u32  }
0x87: {  	s1 =	rddreg [dreg:$0x1];
	p0 =	sne.s32 s2, $0x0  }
0x88: {  	s3 =	rddreg [dreg:$0x2];
	[bflag:$0x3] =	sbarrier.arrive $0xFFFF;
	s2 =	simm.s32 @!p0 $0x1C03  }
0x89: {  	[timem:s3], [sflag:s2] =	dma.local @!p0 [hbm:s0], s1  }
0x8a: {  	s0 =	simm.s32 @!p0 $0x3  }
0x8b: {  	_ =	swait.ge @!p0 [sflag:s0], s1  }
0x8c: {  	s1 =	ssub.s32 @!p0 $0x0, s1;
	[sflag:s0] =	ssyncset.done @!p0 $0x0  }
0x8d: {  	[sflag:s0] =	ssyncadd.s32 @!p0 s1  }
0x8e: {  	[bflag:$0x3] =	sbarrier.arrive $0xFFFF  }
0x8f: {  	_ =	shalt  }

</sc_bundles>
